<compile_context>
chip_gen: v7x
topology: tpu7x:2x2x1
jax: 0.10.2.dev20260603
libtpu: 0.0.44.dev20260713+nightly
codegen_flags: <defaults>
</compile_context>

<pallas_src>
import jax
import jax.numpy as jnp
from jax import lax
from jax.experimental import pallas as pl
from jax.experimental.pallas import tpu as pltpu
from jax.experimental.pallas import tpu_sc as plsc

N = 10000
E = 320000
DA = 128
DE = 16
H = 128
G = 64
NC = 2
NS = 16
NW = NC * NS
CHUNK = 80
ROWS = E // CHUNK
MAX_K = (ROWS + NW - 1) // NW
NP = 10240
NODE_PER_TILE = NP // NS



def _mm_body(x_ref, w_ref, b_ref, o_ref):
  o_ref[...] = (
      jnp.dot(x_ref[...], w_ref[...], preferred_element_type=jnp.float32)
      + b_ref[...]
  )


def _dense(x, w, b, block):
  m, k = x.shape
  n = w.shape[1]
  return pl.pallas_call(
      _mm_body,
      grid=(m // block,),
      in_specs=[
          pl.BlockSpec((block, k), lambda i: (i, 0)),
          pl.BlockSpec((k, n), lambda i: (0, 0)),
          pl.BlockSpec((1, n), lambda i: (0, 0)),
      ],
      out_specs=pl.BlockSpec((block, n), lambda i: (i, 0)),
      out_shape=jax.ShapeDtypeStruct((m, n), jnp.float32),
  )(x, w, b.reshape(1, n))


def _mm2_body(a_ref, w_ref, b_ref, o_ref):
  x = a_ref[0] + a_ref[1]
  o_ref[...] = (
      jnp.dot(x, w_ref[...], preferred_element_type=jnp.float32) + b_ref[...]
  )


def _dense_fold(acc, w, b, block):
  _, m, k = acc.shape
  n = w.shape[1]
  return pl.pallas_call(
      _mm2_body,
      grid=(m // block,),
      in_specs=[
          pl.BlockSpec((2, block, k), lambda i: (0, i, 0)),
          pl.BlockSpec((k, n), lambda i: (0, 0)),
          pl.BlockSpec((1, n), lambda i: (0, 0)),
      ],
      out_specs=pl.BlockSpec((block, n), lambda i: (i, 0)),
      out_shape=jax.ShapeDtypeStruct((m, k), jnp.float32),
  )(acc, w, b.reshape(1, n))


_FBLK = 2000
_FGRID = N // _FBLK


def _final_body(fa_ref, acc_ref, gid_ref, wot_ref, wob_ref, bo_ref,
                wf1_ref, bf1_ref, wf2_ref, bf2_ref, o_ref, mol_ref, cnt_ref):
  i = pl.program_id(0)

  @pl.when(i == 0)
  def _():
    mol_ref[...] = jnp.zeros_like(mol_ref)
    cnt_ref[...] = jnp.zeros_like(cnt_ref)

  a2 = acc_ref[0] + acc_ref[1]
  atom = jnp.maximum(
      jnp.dot(fa_ref[...], wot_ref[...], preferred_element_type=jnp.float32)
      + jnp.dot(a2, wob_ref[...], preferred_element_type=jnp.float32)
      + bo_ref[...],
      0.0,
  )
  gid = gid_ref[0, 0]
  onehot = (
      lax.broadcasted_iota(jnp.int32, (G, _FBLK), 0) == gid[None, :]
  ).astype(jnp.float32)
  mol_ref[...] += jnp.dot(onehot, atom, preferred_element_type=jnp.float32)
  cnt_ref[...] += jnp.sum(onehot, axis=1, keepdims=True)

  @pl.when(i == _FGRID - 1)
  def _():
    mol = mol_ref[...] / jnp.maximum(cnt_ref[...], 1.0)
    hid = jnp.maximum(
        jnp.dot(mol, wf1_ref[...], preferred_element_type=jnp.float32)
        + bf1_ref[...],
        0.0,
    )
    o_ref[...] = (
        jnp.dot(hid, wf2_ref[...], preferred_element_type=jnp.float32)
        + bf2_ref[...]
    )


def _final(f_atoms, acc, gid_row, w_o_t, w_o_b, b_o, w_f1, b_f1, w_f2, b_f2):
  t = w_f2.shape[1]
  return pl.pallas_call(
      _final_body,
      grid=(_FGRID,),
      in_specs=[
          pl.BlockSpec((_FBLK, DA), lambda i: (i, 0)),
          pl.BlockSpec((2, _FBLK, H), lambda i: (0, i, 0)),
          pl.BlockSpec((1, 1, _FBLK), lambda i: (i, 0, 0)),
          pl.BlockSpec((DA, H), lambda i: (0, 0)),
          pl.BlockSpec((H, H), lambda i: (0, 0)),
          pl.BlockSpec((1, H), lambda i: (0, 0)),
          pl.BlockSpec((H, H), lambda i: (0, 0)),
          pl.BlockSpec((1, H), lambda i: (0, 0)),
          pl.BlockSpec((H, t), lambda i: (0, 0)),
          pl.BlockSpec((1, t), lambda i: (0, 0)),
      ],
      out_specs=pl.BlockSpec((G, t), lambda i: (0, 0)),
      out_shape=jax.ShapeDtypeStruct((G, t), jnp.float32),
      scratch_shapes=[
          pltpu.VMEM((G, H), jnp.float32),
          pltpu.VMEM((G, 1), jnp.float32),
      ],
  )(f_atoms, acc, gid_row, w_o_t, w_o_b, b_o.reshape(1, H),
    w_f1, b_f1.reshape(1, H), w_f2, b_f2.reshape(1, t))



def _sweep_impl(write_h0, table, rows_in, idxr, zrows, accout, h0out,
                acc, idx0, idx1, rows0, rows1, gath0, gath1,
                sem_r0, sem_r1, sem_g0, sem_g1):
  c = lax.axis_index("c")
  s = lax.axis_index("s")
  w = s * NC + c

  sets = ((idx0, rows0, gath0, sem_r0, sem_g0),
          (idx1, rows1, gath1, sem_r1, sem_g1))

  pltpu.sync_copy(zrows, acc.at[pl.ds(s * NODE_PER_TILE, NODE_PER_TILE)])
  plsc.subcore_barrier()

  def stage(k, st):
    idx_v, rows_v, gath_v, sem_r, sem_g = st
    r = w + NW * k

    @pl.when(r < ROWS)
    def _():
      pltpu.sync_copy(idxr.at[r], idx_v)
      pltpu.async_copy(rows_in.at[pl.ds(r * CHUNK, CHUNK)], rows_v, sem_r)
      pltpu.async_copy(table.at[idx_v.at[0]], gath_v, sem_g)

  stage(0, sets[0])

  def outer(p, carry):
    for j in range(2):
      k = p * 2 + j
      idx_v, rows_v, gath_v, sem_r, sem_g = sets[j]
      r = w + NW * k
      stage(k + 1, sets[1 - j])

      @pl.when(r < ROWS)
      def _():
        pltpu.make_async_copy(
            rows_in.at[pl.ds(r * CHUNK, CHUNK)], rows_v, sem_r).wait()
        pltpu.make_async_copy(table.at[idx_v.at[0]], gath_v, sem_g).wait()

        def crow(rr, cy):
          for q in range(H // 16):
            sl = pl.ds(q * 16, 16)
            gath_v[rr, sl] = jnp.maximum(gath_v[rr, sl] + rows_v[rr, sl], 0.0)
          return cy

        lax.fori_loop(0, CHUNK, crow, 0)
        if write_h0:
          pltpu.sync_copy(gath_v, h0out.at[pl.ds(r * CHUNK, CHUNK)])
        pltpu.sync_copy(gath_v, acc.at[idx_v.at[1]], add=True)

    return carry

  lax.fori_loop(0, (MAX_K + 2) // 2, outer, 0)

  plsc.subcore_barrier()
  pltpu.sync_copy(
      acc.at[pl.ds(s * NODE_PER_TILE, NODE_PER_TILE)],
      accout.at[c, pl.ds(s * NODE_PER_TILE, NODE_PER_TILE)],
  )


def _sweep0_body(table, rows_in, idxr, zrows, accout, h0out, *rest):
  _sweep_impl(True, table, rows_in, idxr, zrows, accout, h0out, *rest)


def _sweep_body(table, rows_in, idxr, zrows, accout, *rest):
  _sweep_impl(False, table, rows_in, idxr, zrows, accout, None, *rest)


_SC_SCRATCH = [
    pltpu.VMEM_SHARED((NP, H), jnp.float32),
    pltpu.VMEM((2, CHUNK), jnp.int32),
    pltpu.VMEM((2, CHUNK), jnp.int32),
    pltpu.VMEM((CHUNK, H), jnp.float32),
    pltpu.VMEM((CHUNK, H), jnp.float32),
    pltpu.VMEM((CHUNK, H), jnp.float32),
    pltpu.VMEM((CHUNK, H), jnp.float32),
    pltpu.SemaphoreType.DMA,
    pltpu.SemaphoreType.DMA,
    pltpu.SemaphoreType.DMA,
    pltpu.SemaphoreType.DMA,
]

_MESH = plsc.VectorSubcoreMesh(core_axis_name="c", subcore_axis_name="s")

_sweep0 = pl.kernel(
    _sweep0_body,
    out_type=(
        jax.ShapeDtypeStruct((2, NP, H), jnp.float32),
        jax.ShapeDtypeStruct((E, H), jnp.float32),
    ),
    mesh=_MESH,
    scratch_types=_SC_SCRATCH,
)

_sweep = pl.kernel(
    _sweep_body,
    out_type=jax.ShapeDtypeStruct((2, NP, H), jnp.float32),
    mesh=_MESH,
    scratch_types=_SC_SCRATCH,
)


def kernel(f_atoms, f_bonds, edge_index, graph_ids,
           W_i, b_i, W_h, b_h, W_o, b_o, W_f1, b_f1, W_f2, b_f2):
  idxr = edge_index.astype(jnp.int32).reshape(2, ROWS, CHUNK).transpose(1, 0, 2)
  gid_row = graph_ids.astype(jnp.int32).reshape(_FGRID, 1, _FBLK)
  zrows = jnp.zeros((NODE_PER_TILE, H), jnp.float32)

  A = _dense(f_atoms, W_i[:DA], jnp.zeros((H,), jnp.float32), block=2000)
  B = _dense(f_bonds, W_i[DA:], b_i, block=2000)

  acc0, h0 = _sweep0(A, B, idxr, zrows)
  Q0 = _dense_fold(acc0, W_h, b_h, block=2000)
  acc1 = _sweep(Q0, h0, idxr, zrows)
  Q1 = _dense_fold(acc1, W_h, b_h, block=2000)
  acc2 = _sweep(Q1, h0, idxr, zrows)

  return _final(f_atoms, acc2, gid_row, W_o[:DA], W_o[DA:], b_o,
                W_f1, b_f1, W_f2, b_f2)

# --- scband reference (transcript-rebuilt; emitter-appended) ---
"""Pipeline reference for scband-model-31533649887960 (READ-ONLY COPY).

The authoritative reference and input builder live on the scoring server;
editing this copy changes nothing except your own understanding.
"""

import jax, jax.numpy as jnp
import numpy as np

N = 10000
E = 320000
D_ATOM = 128
D_EDGE = 16
H = 128
H_FFN = 128
T = 1
DEPTH = 3
G = 64


def setup_inputs(seed: int = 0) -> dict:
    key = jax.random.key(seed)
    ks = jax.random.split(key, 16)
    f_atoms = jax.random.normal(ks[0], (N, D_ATOM), dtype=jnp.float32)
    f_bonds = jax.random.normal(ks[1], (E, D_EDGE), dtype=jnp.float32)
    edge_index = jax.random.randint(ks[2], (2, E), 0, N)
    graph_ids = jnp.sort(jax.random.randint(ks[3], (N,), 0, G))
    s_i = 1.0 / np.sqrt(D_ATOM + D_EDGE)
    s_h = 1.0 / np.sqrt(H)
    s_o = 1.0 / np.sqrt(D_ATOM + H)
    s_f = 1.0 / np.sqrt(H_FFN)
    W_i = jax.random.normal(ks[4], (D_ATOM + D_EDGE, H), dtype=jnp.float32) * s_i
    b_i = jnp.zeros((H,), dtype=jnp.float32)
    W_h = jax.random.normal(ks[5], (H, H), dtype=jnp.float32) * s_h
    b_h = jnp.zeros((H,), dtype=jnp.float32)
    W_o = jax.random.normal(ks[6], (D_ATOM + H, H), dtype=jnp.float32) * s_o
    b_o = jnp.zeros((H,), dtype=jnp.float32)
    W_f1 = jax.random.normal(ks[7], (H, H_FFN), dtype=jnp.float32) * s_h
    b_f1 = jnp.zeros((H_FFN,), dtype=jnp.float32)
    W_f2 = jax.random.normal(ks[8], (H_FFN, T), dtype=jnp.float32) * s_f
    b_f2 = jnp.zeros((T,), dtype=jnp.float32)
    return {
        "f_atoms": f_atoms, "f_bonds": f_bonds,
        "edge_index": edge_index, "graph_ids": graph_ids,
        "W_i": W_i, "b_i": b_i, "W_h": W_h, "b_h": b_h,
        "W_o": W_o, "b_o": b_o, "W_f1": W_f1, "b_f1": b_f1,
        "W_f2": W_f2, "b_f2": b_f2,
    }


def reference(f_atoms, f_bonds, edge_index, graph_ids,
              W_i, b_i, W_h, b_h, W_o, b_o, W_f1, b_f1, W_f2, b_f2):
    src = edge_index[0]
    dst = edge_index[1]
    # initial bond-message: concat(source atom feats, bond feats) -> hidden
    edge_in = jnp.concatenate([jnp.take(f_atoms, src, axis=0), f_bonds], axis=1)
    h0 = jax.nn.relu(edge_in @ W_i + b_i)  # [E, H]
    h = h0
    # message passing for depth-1 steps (chemprop-style MPN)
    for _ in range(DEPTH - 1):
        a_msg = jax.ops.segment_sum(h, dst, num_segments=N)  # scatter-add to nodes
        m = jnp.take(a_msg, src, axis=0)                      # gather back to edges
        h = jax.nn.relu(h0 + m @ W_h + b_h)
    # atom readout
    a_in = jax.ops.segment_sum(h, dst, num_segments=N)
    atom_h = jax.nn.relu(jnp.concatenate([f_atoms, a_in], axis=1) @ W_o + b_o)
    # mean aggregation per molecule (graph)
    counts = jax.ops.segment_sum(jnp.ones((N,), dtype=jnp.float32), graph_ids, num_segments=G)
    mol = jax.ops.segment_sum(atom_h, graph_ids, num_segments=G)
    mol = mol / jnp.clip(counts, 1.0, None)[:, None]
    # FFN head
    out = jax.nn.relu(mol @ W_f1 + b_f1) @ W_f2 + b_f2
    return out

if __name__ == "__main__":
    import jax
    _d = setup_inputs()
    print(jax.jit(kernel)(*tuple(_d.values())))

</pallas_src>

<mosaic_0001>
#map = affine_map<(d0, d1) -> (0, 0)>
#map1 = affine_map<(d0, d1) -> (0, 0, 0)>
module attributes {stable_mosaic.version = 14 : i64} {
  func.func @_sweep_body(%arg0: i32, %arg1: i32, %arg2: memref<10240x128xf32, #tpu.memory_space<hbm>>, %arg3: memref<320000x128xf32, #tpu.memory_space<hbm>>, %arg4: memref<4000x2x80xi32, #tpu.memory_space<hbm>>, %arg5: memref<640x128xf32, #tpu.memory_space<hbm>>, %arg6: memref<2x10240x128xf32, #tpu.memory_space<hbm>>, %arg7: memref<10240x128xf32, #tpu.memory_space<vmem_shared>>, %arg8: memref<2x80xi32, #tpu.memory_space<vmem>>, %arg9: memref<2x80xi32, #tpu.memory_space<vmem>>, %arg10: memref<80x128xf32, #tpu.memory_space<vmem>>, %arg11: memref<80x128xf32, #tpu.memory_space<vmem>>, %arg12: memref<80x128xf32, #tpu.memory_space<vmem>>, %arg13: memref<80x128xf32, #tpu.memory_space<vmem>>, %arg14: memref<!tpu.dma_semaphore, #tpu.memory_space<semaphore_mem>>, %arg15: memref<!tpu.dma_semaphore, #tpu.memory_space<semaphore_mem>>, %arg16: memref<!tpu.dma_semaphore, #tpu.memory_space<semaphore_mem>>, %arg17: memref<!tpu.dma_semaphore, #tpu.memory_space<semaphore_mem>>) attributes {dimension_semantics = [#tpu.dimension_semantics<core_parallel>, #tpu.dimension_semantics<subcore_parallel>], iteration_bounds = array<i64: 2, 16>, scalar_prefetch = 0 : i64, scratch_operands = 11 : i64, tpu.core_type = #tpu.core_type<sc_vector_subcore>, window_params = [{transform_indices = #map}, {transform_indices = #map}, {transform_indices = #map1}, {transform_indices = #map}, {transform_indices = #map1}]} {
    %mul3A = arith.constant 2 : i32
    %mul3A_0 = arith.muli %arg1, %mul3A : i32
    %add3A = arith.addi %mul3A_0, %arg0 : i32
    %mul3A_1 = arith.constant 640 : i32
    %mul3A_2 = arith.muli %arg1, %mul3A_1 : i32
    "tpu.region"() ({
      %run_scoped3A = tpu.sem_alloc : memref<!tpu.dma_semaphore, #tpu.memory_space<semaphore_mem>>
      %dma_start3A = arith.constant 0 : i32
      %dma_start3A_17 = tpu.memref_slice %arg7[%mul3A_2, %dma_start3A] : memref<10240x128xf32, #tpu.memory_space<vmem_shared>> -> memref<640x128xf32, #tpu.memory_space<vmem_shared>>
      tpu.enqueue_dma source(%arg5 : memref<640x128xf32, #tpu.memory_space<hbm>>) target(%dma_start3A_17 : memref<640x128xf32, #tpu.memory_space<vmem_shared>>) target_semaphore(%run_scoped3A : memref<!tpu.dma_semaphore, #tpu.memory_space<semaphore_mem>>)
      %dma_wait3A = arith.constant 0 : i32
      %dma_wait3A_18 = tpu.memref_slice %arg7[%mul3A_2, %dma_wait3A] : memref<10240x128xf32, #tpu.memory_space<vmem_shared>> -> memref<640x128xf32, #tpu.memory_space<vmem_shared>>
      tpu.wait_dma2 semaphore(%run_scoped3A : memref<!tpu.dma_semaphore, #tpu.memory_space<semaphore_mem>>) src(%arg5 : memref<640x128xf32, #tpu.memory_space<hbm>>) dst(%dma_wait3A_18 : memref<640x128xf32, #tpu.memory_space<vmem_shared>>)
      tpu.yield
    }) : () -> ()
    %barrier3A = arith.constant 0 : index
    tpu.barrier barrier_id(%barrier3A)
    %add3A_3 = arith.constant 0 : i32
    %add3A_4 = arith.addi %add3A, %add3A_3 : i32
    %lt3A = arith.constant 4000 : i32
    %lt3A_5 = arith.cmpi slt, %add3A_4, %lt3A : i32
    %convert_element_type3A = arith.extui %lt3A_5 : i1 to i32
    %cond3A = arith.constant 0 : i32
    %cond3A_6 = arith.cmpi ne, %convert_element_type3A, %cond3A : i32
    scf.if %cond3A_6 {
      "tpu.region"() ({
        %run_scoped3A = tpu.sem_alloc : memref<!tpu.dma_semaphore, #tpu.memory_space<semaphore_mem>>
        %dma_start3A_29 = arith.constant 0 : i32
        %dma_start3A_30 = arith.constant 0 : i32
        %dma_start3A_31 = tpu.memref_slice %arg4[%add3A_4, %dma_start3A_29, %dma_start3A_30] : memref<4000x2x80xi32, #tpu.memory_space<hbm>> -> memref<1x2x80xi32, #tpu.memory_space<hbm>>
        %dma_start3A_32 = tpu.memref_squeeze %dma_start3A_31 : memref<1x2x80xi32, #tpu.memory_space<hbm>> -> memref<2x80xi32, #tpu.memory_space<hbm>>
        %dma_start3A_33 = arith.constant 0 : i32
        %dma_start3A_34 = arith.constant 0 : i32
        %dma_start3A_35 = tpu.memref_slice %arg4[%add3A_4, %dma_start3A_33, %dma_start3A_34] : memref<4000x2x80xi32, #tpu.memory_space<hbm>> -> memref<1x2x80xi32, #tpu.memory_space<hbm>>
        %dma_start3A_36 = tpu.memref_squeeze %dma_start3A_35 : memref<1x2x80xi32, #tpu.memory_space<hbm>> -> memref<2x80xi32, #tpu.memory_space<hbm>>
        tpu.enqueue_dma source(%dma_start3A_36 : memref<2x80xi32, #tpu.memory_space<hbm>>) target(%arg8 : memref<2x80xi32, #tpu.memory_space<vmem>>) target_semaphore(%run_scoped3A : memref<!tpu.dma_semaphore, #tpu.memory_space<semaphore_mem>>)
        %dma_wait3A = arith.constant 0 : i32
        %dma_wait3A_37 = arith.constant 0 : i32
        %dma_wait3A_38 = tpu.memref_slice %arg4[%add3A_4, %dma_wait3A, %dma_wait3A_37] : memref<4000x2x80xi32, #tpu.memory_space<hbm>> -> memref<1x2x80xi32, #tpu.memory_space<hbm>>
        %dma_wait3A_39 = tpu.memref_squeeze %dma_wait3A_38 : memref<1x2x80xi32, #tpu.memory_space<hbm>> -> memref<2x80xi32, #tpu.memory_space<hbm>>
        %dma_wait3A_40 = arith.constant 0 : i32
        %dma_wait3A_41 = arith.constant 0 : i32
        %dma_wait3A_42 = tpu.memref_slice %arg4[%add3A_4, %dma_wait3A_40, %dma_wait3A_41] : memref<4000x2x80xi32, #tpu.memory_space<hbm>> -> memref<1x2x80xi32, #tpu.memory_space<hbm>>
        %dma_wait3A_43 = tpu.memref_squeeze %dma_wait3A_42 : memref<1x2x80xi32, #tpu.memory_space<hbm>> -> memref<2x80xi32, #tpu.memory_space<hbm>>
        tpu.wait_dma2 semaphore(%run_scoped3A : memref<!tpu.dma_semaphore, #tpu.memory_space<semaphore_mem>>) src(%dma_wait3A_43 : memref<2x80xi32, #tpu.memory_space<hbm>>) dst(%arg8 : memref<2x80xi32, #tpu.memory_space<vmem>>)
        tpu.yield
      }) : () -> ()
      %mul3A_17 = arith.constant 80 : i32
      %mul3A_18 = arith.muli %add3A_4, %mul3A_17 : i32
      %dma_start3A = arith.constant 0 : i32
      %dma_start3A_19 = tpu.memref_slice %arg3[%mul3A_18, %dma_start3A] : memref<320000x128xf32, #tpu.memory_space<hbm>> -> memref<80x128xf32, #tpu.memory_space<hbm>>
      %dma_start3A_20 = arith.constant 0 : i32
      %dma_start3A_21 = tpu.memref_slice %arg3[%mul3A_18, %dma_start3A_20] : memref<320000x128xf32, #tpu.memory_space<hbm>> -> memref<80x128xf32, #tpu.memory_space<hbm>>
      tpu.enqueue_dma source(%dma_start3A_21 : memref<80x128xf32, #tpu.memory_space<hbm>>) target(%arg10 : memref<80x128xf32, #tpu.memory_space<vmem>>) target_semaphore(%arg14 : memref<!tpu.dma_semaphore, #tpu.memory_space<semaphore_mem>>)
      %dma_start3A_22 = arith.constant 0 : i32
      %dma_start3A_23 = arith.constant 0 : i32
      %dma_start3A_24 = tpu.memref_slice %arg8[%dma_start3A_22, %dma_start3A_23] : memref<2x80xi32, #tpu.memory_space<vmem>> -> memref<1x80xi32, #tpu.memory_space<vmem>>
      %dma_start3A_25 = tpu.memref_squeeze %dma_start3A_24 : memref<1x80xi32, #tpu.memory_space<vmem>> -> memref<80xi32, #tpu.memory_space<vmem>>
      %dma_start3A_26 = arith.constant 0 : i32
      %dma_start3A_27 = arith.constant 0 : i32
      %dma_start3A_28 = tpu.memref_slice %arg2[%dma_start3A_26, %dma_start3A_27] : memref<10240x128xf32, #tpu.memory_space<hbm>> -> memref<10240x128xf32, #tpu.memory_space<hbm>>
      tpu.enqueue_indirect_dma source(%dma_start3A_28 : memref<10240x128xf32, #tpu.memory_space<hbm>>) target(%arg12 : memref<80x128xf32, #tpu.memory_space<vmem>>) offsets(%dma_start3A_25 : memref<80xi32, #tpu.memory_space<vmem>>) semaphore(%arg16 : memref<!tpu.dma_semaphore, #tpu.memory_space<semaphore_mem>>)
    } else {
    }
    %scan3A = arith.constant 0 : i32
    %scan3A_7 = arith.constant 0 : i32
    %scan3A_8 = arith.constant 63 : i32
    %scan3A_9 = arith.addi %scan3A_7, %scan3A_8 : i32
    %scan3A_10 = arith.constant 1 : i32
    scf.for %scan3A_17 = %scan3A_7 to %scan3A_9 step %scan3A_10  : i32 {
      %mul3A_18 = arith.constant 2 : i32
      %mul3A_19 = arith.muli %scan3A_17, %mul3A_18 : i32
      %add3A_20 = arith.constant 0 : i32
      %add3A_21 = arith.addi %mul3A_19, %add3A_20 : i32
      %mul3A_22 = arith.constant 32 : i32
      %mul3A_23 = arith.muli %mul3A_22, %add3A_21 : i32
      %add3A_24 = arith.addi %add3A, %mul3A_23 : i32
      %add3A_25 = arith.constant 1 : i32
      %add3A_26 = arith.addi %add3A_21, %add3A_25 : i32
      %mul3A_27 = arith.constant 32 : i32
      %mul3A_28 = arith.muli %mul3A_27, %add3A_26 : i32
      %add3A_29 = arith.addi %add3A, %mul3A_28 : i32
      %lt3A_30 = arith.constant 4000 : i32
      %lt3A_31 = arith.cmpi slt, %add3A_29, %lt3A_30 : i32
      %convert_element_type3A_32 = arith.extui %lt3A_31 : i1 to i32
      %cond3A_33 = arith.constant 0 : i32
      %cond3A_34 = arith.cmpi ne, %convert_element_type3A_32, %cond3A_33 : i32
      scf.if %cond3A_34 {
        "tpu.region"() ({
          %run_scoped3A = tpu.sem_alloc : memref<!tpu.dma_semaphore, #tpu.memory_space<semaphore_mem>>
          %dma_start3A_74 = arith.constant 0 : i32
          %dma_start3A_75 = arith.constant 0 : i32
          %dma_start3A_76 = tpu.memref_slice %arg4[%add3A_29, %dma_start3A_74, %dma_start3A_75] : memref<4000x2x80xi32, #tpu.memory_space<hbm>> -> memref<1x2x80xi32, #tpu.memory_space<hbm>>
          %dma_start3A_77 = tpu.memref_squeeze %dma_start3A_76 : memref<1x2x80xi32, #tpu.memory_space<hbm>> -> memref<2x80xi32, #tpu.memory_space<hbm>>
          %dma_start3A_78 = arith.constant 0 : i32
          %dma_start3A_79 = arith.constant 0 : i32
          %dma_start3A_80 = tpu.memref_slice %arg4[%add3A_29, %dma_start3A_78, %dma_start3A_79] : memref<4000x2x80xi32, #tpu.memory_space<hbm>> -> memref<1x2x80xi32, #tpu.memory_space<hbm>>
          %dma_start3A_81 = tpu.memref_squeeze %dma_start3A_80 : memref<1x2x80xi32, #tpu.memory_space<hbm>> -> memref<2x80xi32, #tpu.memory_space<hbm>>
          tpu.enqueue_dma source(%dma_start3A_81 : memref<2x80xi32, #tpu.memory_space<hbm>>) target(%arg9 : memref<2x80xi32, #tpu.memory_space<vmem>>) target_semaphore(%run_scoped3A : memref<!tpu.dma_semaphore, #tpu.memory_space<semaphore_mem>>)
          %dma_wait3A = arith.constant 0 : i32
          %dma_wait3A_82 = arith.constant 0 : i32
          %dma_wait3A_83 = tpu.memref_slice %arg4[%add3A_29, %dma_wait3A, %dma_wait3A_82] : memref<4000x2x80xi32, #tpu.memory_space<hbm>> -> memref<1x2x80xi32, #tpu.memory_space<hbm>>
          %dma_wait3A_84 = tpu.memref_squeeze %dma_wait3A_83 : memref<1x2x80xi32, #tpu.memory_space<hbm>> -> memref<2x80xi32, #tpu.memory_space<hbm>>
          %dma_wait3A_85 = arith.constant 0 : i32
          %dma_wait3A_86 = arith.constant 0 : i32
          %dma_wait3A_87 = tpu.memref_slice %arg4[%add3A_29, %dma_wait3A_85, %dma_wait3A_86] : memref<4000x2x80xi32, #tpu.memory_space<hbm>> -> memref<1x2x80xi32, #tpu.memory_space<hbm>>
          %dma_wait3A_88 = tpu.memref_squeeze %dma_wait3A_87 : memref<1x2x80xi32, #tpu.memory_space<hbm>> -> memref<2x80xi32, #tpu.memory_space<hbm>>
          tpu.wait_dma2 semaphore(%run_scoped3A : memref<!tpu.dma_semaphore, #tpu.memory_space<semaphore_mem>>) src(%dma_wait3A_88 : memref<2x80xi32, #tpu.memory_space<hbm>>) dst(%arg9 : memref<2x80xi32, #tpu.memory_space<vmem>>)
          tpu.yield
        }) : () -> ()
        %mul3A_62 = arith.constant 80 : i32
        %mul3A_63 = arith.muli %add3A_29, %mul3A_62 : i32
        %dma_start3A = arith.constant 0 : i32
        %dma_start3A_64 = tpu.memref_slice %arg3[%mul3A_63, %dma_start3A] : memref<320000x128xf32, #tpu.memory_space<hbm>> -> memref<80x128xf32, #tpu.memory_space<hbm>>
        %dma_start3A_65 = arith.constant 0 : i32
        %dma_start3A_66 = tpu.memref_slice %arg3[%mul3A_63, %dma_start3A_65] : memref<320000x128xf32, #tpu.memory_space<hbm>> -> memref<80x128xf32, #tpu.memory_space<hbm>>
        tpu.enqueue_dma source(%dma_start3A_66 : memref<80x128xf32, #tpu.memory_space<hbm>>) target(%arg11 : memref<80x128xf32, #tpu.memory_space<vmem>>) target_semaphore(%arg15 : memref<!tpu.dma_semaphore, #tpu.memory_space<semaphore_mem>>)
        %dma_start3A_67 = arith.constant 0 : i32
        %dma_start3A_68 = arith.constant 0 : i32
        %dma_start3A_69 = tpu.memref_slice %arg9[%dma_start3A_67, %dma_start3A_68] : memref<2x80xi32, #tpu.memory_space<vmem>> -> memref<1x80xi32, #tpu.memory_space<vmem>>
        %dma_start3A_70 = tpu.memref_squeeze %dma_start3A_69 : memref<1x80xi32, #tpu.memory_space<vmem>> -> memref<80xi32, #tpu.memory_space<vmem>>
        %dma_start3A_71 = arith.constant 0 : i32
        %dma_start3A_72 = arith.constant 0 : i32
        %dma_start3A_73 = tpu.memref_slice %arg2[%dma_start3A_71, %dma_start3A_72] : memref<10240x128xf32, #tpu.memory_space<hbm>> -> memref<10240x128xf32, #tpu.memory_space<hbm>>
        tpu.enqueue_indirect_dma source(%dma_start3A_73 : memref<10240x128xf32, #tpu.memory_space<hbm>>) target(%arg13 : memref<80x128xf32, #tpu.memory_space<vmem>>) offsets(%dma_start3A_70 : memref<80xi32, #tpu.memory_space<vmem>>) semaphore(%arg17 : memref<!tpu.dma_semaphore, #tpu.memory_space<semaphore_mem>>)
      } else {
      }
      %lt3A_35 = arith.constant 4000 : i32
      %lt3A_36 = arith.cmpi slt, %add3A_24, %lt3A_35 : i32
      %convert_element_type3A_37 = arith.extui %lt3A_36 : i1 to i32
      %cond3A_38 = arith.constant 0 : i32
      %cond3A_39 = arith.cmpi ne, %convert_element_type3A_37, %cond3A_38 : i32
      scf.if %cond3A_39 {
        %mul3A_62 = arith.constant 80 : i32
        %mul3A_63 = arith.muli %add3A_24, %mul3A_62 : i32
        %dma_wait3A = arith.constant 0 : i32
        %dma_wait3A_64 = tpu.memref_slice %arg3[%mul3A_63, %dma_wait3A] : memref<320000x128xf32, #tpu.memory_space<hbm>> -> memref<80x128xf32, #tpu.memory_space<hbm>>
        %dma_wait3A_65 = arith.constant 0 : i32
        %dma_wait3A_66 = tpu.memref_slice %arg3[%mul3A_63, %dma_wait3A_65] : memref<320000x128xf32, #tpu.memory_space<hbm>> -> memref<80x128xf32, #tpu.memory_space<hbm>>
        tpu.wait_dma2 semaphore(%arg14 : memref<!tpu.dma_semaphore, #tpu.memory_space<semaphore_mem>>) src(%dma_wait3A_66 : memref<80x128xf32, #tpu.memory_space<hbm>>) dst(%arg10 : memref<80x128xf32, #tpu.memory_space<vmem>>)
        %dma_wait3A_67 = arith.constant 0 : i32
        %dma_wait3A_68 = arith.constant 0 : i32
        %dma_wait3A_69 = tpu.memref_slice %arg8[%dma_wait3A_67, %dma_wait3A_68] : memref<2x80xi32, #tpu.memory_space<vmem>> -> memref<1x80xi32, #tpu.memory_space<vmem>>
        %dma_wait3A_70 = tpu.memref_squeeze %dma_wait3A_69 : memref<1x80xi32, #tpu.memory_space<vmem>> -> memref<80xi32, #tpu.memory_space<vmem>>
        %dma_wait3A_71 = arith.constant 0 : i32
        %dma_wait3A_72 = arith.constant 0 : i32
        %dma_wait3A_73 = tpu.memref_slice %arg2[%dma_wait3A_71, %dma_wait3A_72] : memref<10240x128xf32, #tpu.memory_space<hbm>> -> memref<10240x128xf32, #tpu.memory_space<hbm>>
        tpu.wait_indirect_dma semaphore(%arg16 : memref<!tpu.dma_semaphore, #tpu.memory_space<semaphore_mem>>) src(%dma_wait3A_73 : memref<10240x128xf32, #tpu.memory_space<hbm>>) dst(%arg12 : memref<80x128xf32, #tpu.memory_space<vmem>>)
        %scan3A_74 = arith.constant 0 : i32
        %scan3A_75 = arith.constant 0 : i32
        %scan3A_76 = arith.constant 80 : i32
        %scan3A_77 = arith.addi %scan3A_75, %scan3A_76 : i32
        %scan3A_78 = arith.constant 1 : i32
        scf.for %scan3A_80 = %scan3A_75 to %scan3A_77 step %scan3A_78  : i32 {
          %get3A = arith.index_cast %scan3A_80 : i32 to index
          %get3A_81 = arith.constant 0 : index
          %get3A_82 = tpu.vector_load %arg12[%get3A, %get3A_81] {strides = array<i32>} : memref<80x128xf32, #tpu.memory_space<vmem>>, vector<1x16xf32>,
          %get3A_83 = vector.shape_cast %get3A_82 : vector<1x16xf32> to vector<16xf32>
          %get3A_84 = arith.index_cast %scan3A_80 : i32 to index
          %get3A_85 = arith.constant 0 : index
          %get3A_86 = tpu.vector_load %arg10[%get3A_84, %get3A_85] {strides = array<i32>} : memref<80x128xf32, #tpu.memory_space<vmem>>, vector<1x16xf32>,
          %get3A_87 = vector.shape_cast %get3A_86 : vector<1x16xf32> to vector<16xf32>
          %add3A_88 = arith.addf %get3A_83, %get3A_87 : vector<16xf32>
          %max3A = arith.constant 0.000000e+00 : f32
          %max3A_89 = vector.broadcast %max3A : f32 to vector<16xf32>
          %max3A_90 = arith.maximumf %add3A_88, %max3A_89 : vector<16xf32>
          %swap3A = arith.index_cast %scan3A_80 : i32 to index
          %swap3A_91 = arith.constant 0 : index
          %swap3A_92 = tpu.vector_load %arg12[%swap3A, %swap3A_91] {strides = array<i32>} : memref<80x128xf32, #tpu.memory_space<vmem>>, vector<1x16xf32>,
          %swap3A_93 = vector.shape_cast %swap3A_92 : vector<1x16xf32> to vector<16xf32>
          %swap3A_94 = vector.shape_cast %max3A_90 : vector<16xf32> to vector<1x16xf32>
          tpu.vector_store %arg12[%swap3A, %swap3A_91], %swap3A_94 {strides = array<i32>} : memref<80x128xf32, #tpu.memory_space<vmem>>, vector<1x16xf32>,
          %get3A_95 = arith.index_cast %scan3A_80 : i32 to index
          %get3A_96 = arith.constant 16 : index
          %get3A_97 = tpu.vector_load %arg12[%get3A_95, %get3A_96] {strides = array<i32>} : memref<80x128xf32, #tpu.memory_space<vmem>>, vector<1x16xf32>,
          %get3A_98 = vector.shape_cast %get3A_97 : vector<1x16xf32> to vector<16xf32>
          %get3A_99 = arith.index_cast %scan3A_80 : i32 to index
          %get3A_100 = arith.constant 16 : index
          %get3A_101 = tpu.vector_load %arg10[%get3A_99, %get3A_100] {strides = array<i32>} : memref<80x128xf32, #tpu.memory_space<vmem>>, vector<1x16xf32>,
          %get3A_102 = vector.shape_cast %get3A_101 : vector<1x16xf32> to vector<16xf32>
          %add3A_103 = arith.addf %get3A_98, %get3A_102 : vector<16xf32>
          %max3A_104 = arith.constant 0.000000e+00 : f32
          %max3A_105 = vector.broadcast %max3A_104 : f32 to vector<16xf32>
          %max3A_106 = arith.maximumf %add3A_103, %max3A_105 : vector<16xf32>
          %swap3A_107 = arith.index_cast %scan3A_80 : i32 to index
          %swap3A_108 = arith.constant 16 : index
          %swap3A_109 = tpu.vector_load %arg12[%swap3A_107, %swap3A_108] {strides = array<i32>} : memref<80x128xf32, #tpu.memory_space<vmem>>, vector<1x16xf32>,
          %swap3A_110 = vector.shape_cast %swap3A_109 : vector<1x16xf32> to vector<16xf32>
          %swap3A_111 = vector.shape_cast %max3A_106 : vector<16xf32> to vector<1x16xf32>
          tpu.vector_store %arg12[%swap3A_107, %swap3A_108], %swap3A_111 {strides = array<i32>} : memref<80x128xf32, #tpu.memory_space<vmem>>, vector<1x16xf32>,
          %get3A_112 = arith.index_cast %scan3A_80 : i32 to index
          %get3A_113 = arith.constant 32 : index
          %get3A_114 = tpu.vector_load %arg12[%get3A_112, %get3A_113] {strides = array<i32>} : memref<80x128xf32, #tpu.memory_space<vmem>>, vector<1x16xf32>,
          %get3A_115 = vector.shape_cast %get3A_114 : vector<1x16xf32> to vector<16xf32>
          %get3A_116 = arith.index_cast %scan3A_80 : i32 to index
          %get3A_117 = arith.constant 32 : index
          %get3A_118 = tpu.vector_load %arg10[%get3A_116, %get3A_117] {strides = array<i32>} : memref<80x128xf32, #tpu.memory_space<vmem>>, vector<1x16xf32>,
          %get3A_119 = vector.shape_cast %get3A_118 : vector<1x16xf32> to vector<16xf32>
          %add3A_120 = arith.addf %get3A_115, %get3A_119 : vector<16xf32>
          %max3A_121 = arith.constant 0.000000e+00 : f32
          %max3A_122 = vector.broadcast %max3A_121 : f32 to vector<16xf32>
          %max3A_123 = arith.maximumf %add3A_120, %max3A_122 : vector<16xf32>
          %swap3A_124 = arith.index_cast %scan3A_80 : i32 to index
          %swap3A_125 = arith.constant 32 : index
          %swap3A_126 = tpu.vector_load %arg12[%swap3A_124, %swap3A_125] {strides = array<i32>} : memref<80x128xf32, #tpu.memory_space<vmem>>, vector<1x16xf32>,
          %swap3A_127 = vector.shape_cast %swap3A_126 : vector<1x16xf32> to vector<16xf32>
          %swap3A_128 = vector.shape_cast %max3A_123 : vector<16xf32> to vector<1x16xf32>
          tpu.vector_store %arg12[%swap3A_124, %swap3A_125], %swap3A_128 {strides = array<i32>} : memref<80x128xf32, #tpu.memory_space<vmem>>, vector<1x16xf32>,
          %get3A_129 = arith.index_cast %scan3A_80 : i32 to index
          %get3A_130 = arith.constant 48 : index
          %get3A_131 = tpu.vector_load %arg12[%get3A_129, %get3A_130] {strides = array<i32>} : memref<80x128xf32, #tpu.memory_space<vmem>>, vector<1x16xf32>,
          %get3A_132 = vector.shape_cast %get3A_131 : vector<1x16xf32> to vector<16xf32>
          %get3A_133 = arith.index_cast %scan3A_80 : i32 to index
          %get3A_134 = arith.constant 48 : index
          %get3A_135 = tpu.vector_load %arg10[%get3A_133, %get3A_134] {strides = array<i32>} : memref<80x128xf32, #tpu.memory_space<vmem>>, vector<1x16xf32>,
          %get3A_136 = vector.shape_cast %get3A_135 : vector<1x16xf32> to vector<16xf32>
          %add3A_137 = arith.addf %get3A_132, %get3A_136 : vector<16xf32>
          %max3A_138 = arith.constant 0.000000e+00 : f32
          %max3A_139 = vector.broadcast %max3A_138 : f32 to vector<16xf32>
          %max3A_140 = arith.maximumf %add3A_137, %max3A_139 : vector<16xf32>
          %swap3A_141 = arith.index_cast %scan3A_80 : i32 to index
          %swap3A_142 = arith.constant 48 : index
          %swap3A_143 = tpu.vector_load %arg12[%swap3A_141, %swap3A_142] {strides = array<i32>} : memref<80x128xf32, #tpu.memory_space<vmem>>, vector<1x16xf32>,
          %swap3A_144 = vector.shape_cast %swap3A_143 : vector<1x16xf32> to vector<16xf32>
          %swap3A_145 = vector.shape_cast %max3A_140 : vector<16xf32> to vector<1x16xf32>
          tpu.vector_store %arg12[%swap3A_141, %swap3A_142], %swap3A_145 {strides = array<i32>} : memref<80x128xf32, #tpu.memory_space<vmem>>, vector<1x16xf32>,
          %get3A_146 = arith.index_cast %scan3A_80 : i32 to index
          %get3A_147 = arith.constant 64 : index
          %get3A_148 = tpu.vector_load %arg12[%get3A_146, %get3A_147] {strides = array<i32>} : memref<80x128xf32, #tpu.memory_space<vmem>>, vector<1x16xf32>,
          %get3A_149 = vector.shape_cast %get3A_148 : vector<1x16xf32> to vector<16xf32>
          %get3A_150 = arith.index_cast %scan3A_80 : i32 to index
          %get3A_151 = arith.constant 64 : index
          %get3A_152 = tpu.vector_load %arg10[%get3A_150, %get3A_151] {strides = array<i32>} : memref<80x128xf32, #tpu.memory_space<vmem>>, vector<1x16xf32>,
          %get3A_153 = vector.shape_cast %get3A_152 : vector<1x16xf32> to vector<16xf32>
          %add3A_154 = arith.addf %get3A_149, %get3A_153 : vector<16xf32>
          %max3A_155 = arith.constant 0.000000e+00 : f32
          %max3A_156 = vector.broadcast %max3A_155 : f32 to vector<16xf32>
          %max3A_157 = arith.maximumf %add3A_154, %max3A_156 : vector<16xf32>
          %swap3A_158 = arith.index_cast %scan3A_80 : i32 to index
          %swap3A_159 = arith.constant 64 : index
          %swap3A_160 = tpu.vector_load %arg12[%swap3A_158, %swap3A_159] {strides = array<i32>} : memref<80x128xf32, #tpu.memory_space<vmem>>, vector<1x16xf32>,
          %swap3A_161 = vector.shape_cast %swap3A_160 : vector<1x16xf32> to vector<16xf32>
          %swap3A_162 = vector.shape_cast %max3A_157 : vector<16xf32> to vector<1x16xf32>
          tpu.vector_store %arg12[%swap3A_158, %swap3A_159], %swap3A_162 {strides = array<i32>} : memref<80x128xf32, #tpu.memory_space<vmem>>, vector<1x16xf32>,
          %get3A_163 = arith.index_cast %scan3A_80 : i32 to index
          %get3A_164 = arith.constant 80 : index
          %get3A_165 = tpu.vector_load %arg12[%get3A_163, %get3A_164] {strides = array<i32>} : memref<80x128xf32, #tpu.memory_space<vmem>>, vector<1x16xf32>,
          %get3A_166 = vector.shape_cast %get3A_165 : vector<1x16xf32> to vector<16xf32>
          %get3A_167 = arith.index_cast %scan3A_80 : i32 to index
          %get3A_168 = arith.constant 80 : index
          %get3A_169 = tpu.vector_load %arg10[%get3A_167, %get3A_168] {strides = array<i32>} : memref<80x128xf32, #tpu.memory_space<vmem>>, vector<1x16xf32>,
          %get3A_170 = vector.shape_cast %get3A_169 : vector<1x16xf32> to vector<16xf32>
          %add3A_171 = arith.addf %get3A_166, %get3A_170 : vector<16xf32>
          %max3A_172 = arith.constant 0.000000e+00 : f32
          %max3A_173 = vector.broadcast %max3A_172 : f32 to vector<16xf32>
          %max3A_174 = arith.maximumf %add3A_171, %max3A_173 : vector<16xf32>
          %swap3A_175 = arith.index_cast %scan3A_80 : i32 to index
          %swap3A_176 = arith.constant 80 : index
          %swap3A_177 = tpu.vector_load %arg12[%swap3A_175, %swap3A_176] {strides = array<i32>} : memref<80x128xf32, #tpu.memory_space<vmem>>, vector<1x16xf32>,
          %swap3A_178 = vector.shape_cast %swap3A_177 : vector<1x16xf32> to vector<16xf32>
          %swap3A_179 = vector.shape_cast %max3A_174 : vector<16xf32> to vector<1x16xf32>
          tpu.vector_store %arg12[%swap3A_175, %swap3A_176], %swap3A_179 {strides = array<i32>} : memref<80x128xf32, #tpu.memory_space<vmem>>, vector<1x16xf32>,
          %get3A_180 = arith.index_cast %scan3A_80 : i32 to index
          %get3A_181 = arith.constant 96 : index
          %get3A_182 = tpu.vector_load %arg12[%get3A_180, %get3A_181] {strides = array<i32>} : memref<80x128xf32, #tpu.memory_space<vmem>>, vector<1x16xf32>,
          %get3A_183 = vector.shape_cast %get3A_182 : vector<1x16xf32> to vector<16xf32>
          %get3A_184 = arith.index_cast %scan3A_80 : i32 to index
          %get3A_185 = arith.constant 96 : index
          %get3A_186 = tpu.vector_load %arg10[%get3A_184, %get3A_185] {strides = array<i32>} : memref<80x128xf32, #tpu.memory_space<vmem>>, vector<1x16xf32>,
          %get3A_187 = vector.shape_cast %get3A_186 : vector<1x16xf32> to vector<16xf32>
          %add3A_188 = arith.addf %get3A_183, %get3A_187 : vector<16xf32>
          %max3A_189 = arith.constant 0.000000e+00 : f32
          %max3A_190 = vector.broadcast %max3A_189 : f32 to vector<16xf32>
          %max3A_191 = arith.maximumf %add3A_188, %max3A_190 : vector<16xf32>
          %swap3A_192 = arith.index_cast %scan3A_80 : i32 to index
          %swap3A_193 = arith.constant 96 : index
          %swap3A_194 = tpu.vector_load %arg12[%swap3A_192, %swap3A_193] {strides = array<i32>} : memref<80x128xf32, #tpu.memory_space<vmem>>, vector<1x16xf32>,
          %swap3A_195 = vector.shape_cast %swap3A_194 : vector<1x16xf32> to vector<16xf32>
          %swap3A_196 = vector.shape_cast %max3A_191 : vector<16xf32> to vector<1x16xf32>
          tpu.vector_store %arg12[%swap3A_192, %swap3A_193], %swap3A_196 {strides = array<i32>} : memref<80x128xf32, #tpu.memory_space<vmem>>, vector<1x16xf32>,
          %get3A_197 = arith.index_cast %scan3A_80 : i32 to index
          %get3A_198 = arith.constant 112 : index
          %get3A_199 = tpu.vector_load %arg12[%get3A_197, %get3A_198] {strides = array<i32>} : memref<80x128xf32, #tpu.memory_space<vmem>>, vector<1x16xf32>,
          %get3A_200 = vector.shape_cast %get3A_199 : vector<1x16xf32> to vector<16xf32>
          %get3A_201 = arith.index_cast %scan3A_80 : i32 to index
          %get3A_202 = arith.constant 112 : index
          %get3A_203 = tpu.vector_load %arg10[%get3A_201, %get3A_202] {strides = array<i32>} : memref<80x128xf32, #tpu.memory_space<vmem>>, vector<1x16xf32>,
          %get3A_204 = vector.shape_cast %get3A_203 : vector<1x16xf32> to vector<16xf32>
          %add3A_205 = arith.addf %get3A_200, %get3A_204 : vector<16xf32>
          %max3A_206 = arith.constant 0.000000e+00 : f32
          %max3A_207 = vector.broadcast %max3A_206 : f32 to vector<16xf32>
          %max3A_208 = arith.maximumf %add3A_205, %max3A_207 : vector<16xf32>
          %swap3A_209 = arith.index_cast %scan3A_80 : i32 to index
          %swap3A_210 = arith.constant 112 : index
          %swap3A_211 = tpu.vector_load %arg12[%swap3A_209, %swap3A_210] {strides = array<i32>} : memref<80x128xf32, #tpu.memory_space<vmem>>, vector<1x16xf32>,
          %swap3A_212 = vector.shape_cast %swap3A_211 : vector<1x16xf32> to vector<16xf32>
          %swap3A_213 = vector.shape_cast %max3A_208 : vector<16xf32> to vector<1x16xf32>
          tpu.vector_store %arg12[%swap3A_209, %swap3A_210], %swap3A_213 {strides = array<i32>} : memref<80x128xf32, #tpu.memory_space<vmem>>, vector<1x16xf32>,
        }
        %scan3A_79 = arith.constant 80 : i32
        %run_scoped3A = arith.constant 1 : i32
        "tpu.region"() ({
          %run_scoped3A_80 = tpu.sem_alloc : memref<!tpu.dma_semaphore, #tpu.memory_space<semaphore_mem>>
          %dma_start3A = arith.constant 0 : i32
          %dma_start3A_81 = tpu.memref_slice %arg8[%run_scoped3A, %dma_start3A] : memref<2x80xi32, #tpu.memory_space<vmem>> -> memref<1x80xi32, #tpu.memory_space<vmem>>
          %dma_start3A_82 = tpu.memref_squeeze %dma_start3A_81 : memref<1x80xi32, #tpu.memory_space<vmem>> -> memref<80xi32, #tpu.memory_space<vmem>>
          %dma_start3A_83 = arith.constant 0 : i32
          %dma_start3A_84 = arith.constant 0 : i32
          %dma_start3A_85 = tpu.memref_slice %arg7[%dma_start3A_83, %dma_start3A_84] : memref<10240x128xf32, #tpu.memory_space<vmem_shared>> -> memref<10240x128xf32, #tpu.memory_space<vmem_shared>>
          tpu.enqueue_indirect_dma source(%arg12 : memref<80x128xf32, #tpu.memory_space<vmem>>) target(%dma_start3A_85 : memref<10240x128xf32, #tpu.memory_space<vmem_shared>>) offsets(%dma_start3A_82 : memref<80xi32, #tpu.memory_space<vmem>>) semaphore(%run_scoped3A_80 : memref<!tpu.dma_semaphore, #tpu.memory_space<semaphore_mem>>) {add = true}
          %dma_wait3A_86 = arith.constant 0 : i32
          %dma_wait3A_87 = tpu.memref_slice %arg8[%run_scoped3A, %dma_wait3A_86] : memref<2x80xi32, #tpu.memory_space<vmem>> -> memref<1x80xi32, #tpu.memory_space<vmem>>
          %dma_wait3A_88 = tpu.memref_squeeze %dma_wait3A_87 : memref<1x80xi32, #tpu.memory_space<vmem>> -> memref<80xi32, #tpu.memory_space<vmem>>
          %dma_wait3A_89 = arith.constant 0 : i32
          %dma_wait3A_90 = arith.constant 0 : i32
          %dma_wait3A_91 = tpu.memref_slice %arg7[%dma_wait3A_89, %dma_wait3A_90] : memref<10240x128xf32, #tpu.memory_space<vmem_shared>> -> memref<10240x128xf32, #tpu.memory_space<vmem_shared>>
          tpu.wait_indirect_dma semaphore(%run_scoped3A_80 : memref<!tpu.dma_semaphore, #tpu.memory_space<semaphore_mem>>) src(%arg12 : memref<80x128xf32, #tpu.memory_space<vmem>>) dst(%dma_wait3A_91 : memref<10240x128xf32, #tpu.memory_space<vmem_shared>>)
          tpu.yield
        }) : () -> ()
      } else {
      }
      %mul3A_40 = arith.constant 2 : i32
      %mul3A_41 = arith.muli %scan3A_17, %mul3A_40 : i32
      %add3A_42 = arith.constant 1 : i32
      %add3A_43 = arith.addi %mul3A_41, %add3A_42 : i32
      %mul3A_44 = arith.constant 32 : i32
      %mul3A_45 = arith.muli %mul3A_44, %add3A_43 : i32
      %add3A_46 = arith.addi %add3A, %mul3A_45 : i32
      %add3A_47 = arith.constant 1 : i32
      %add3A_48 = arith.addi %add3A_43, %add3A_47 : i32
      %mul3A_49 = arith.constant 32 : i32
      %mul3A_50 = arith.muli %mul3A_49, %add3A_48 : i32
      %add3A_51 = arith.addi %add3A, %mul3A_50 : i32
      %lt3A_52 = arith.constant 4000 : i32
      %lt3A_53 = arith.cmpi slt, %add3A_51, %lt3A_52 : i32
      %convert_element_type3A_54 = arith.extui %lt3A_53 : i1 to i32
      %cond3A_55 = arith.constant 0 : i32
      %cond3A_56 = arith.cmpi ne, %convert_element_type3A_54, %cond3A_55 : i32
      scf.if %cond3A_56 {
        "tpu.region"() ({
          %run_scoped3A = tpu.sem_alloc : memref<!tpu.dma_semaphore, #tpu.memory_space<semaphore_mem>>
          %dma_start3A_74 = arith.constant 0 : i32
          %dma_start3A_75 = arith.constant 0 : i32
          %dma_start3A_76 = tpu.memref_slice %arg4[%add3A_51, %dma_start3A_74, %dma_start3A_75] : memref<4000x2x80xi32, #tpu.memory_space<hbm>> -> memref<1x2x80xi32, #tpu.memory_space<hbm>>
          %dma_start3A_77 = tpu.memref_squeeze %dma_start3A_76 : memref<1x2x80xi32, #tpu.memory_space<hbm>> -> memref<2x80xi32, #tpu.memory_space<hbm>>
          %dma_start3A_78 = arith.constant 0 : i32
          %dma_start3A_79 = arith.constant 0 : i32
          %dma_start3A_80 = tpu.memref_slice %arg4[%add3A_51, %dma_start3A_78, %dma_start3A_79] : memref<4000x2x80xi32, #tpu.memory_space<hbm>> -> memref<1x2x80xi32, #tpu.memory_space<hbm>>
          %dma_start3A_81 = tpu.memref_squeeze %dma_start3A_80 : memref<1x2x80xi32, #tpu.memory_space<hbm>> -> memref<2x80xi32, #tpu.memory_space<hbm>>
          tpu.enqueue_dma source(%dma_start3A_81 : memref<2x80xi32, #tpu.memory_space<hbm>>) target(%arg8 : memref<2x80xi32, #tpu.memory_space<vmem>>) target_semaphore(%run_scoped3A : memref<!tpu.dma_semaphore, #tpu.memory_space<semaphore_mem>>)
          %dma_wait3A = arith.constant 0 : i32
          %dma_wait3A_82 = arith.constant 0 : i32
          %dma_wait3A_83 = tpu.memref_slice %arg4[%add3A_51, %dma_wait3A, %dma_wait3A_82] : memref<4000x2x80xi32, #tpu.memory_space<hbm>> -> memref<1x2x80xi32, #tpu.memory_space<hbm>>
          %dma_wait3A_84 = tpu.memref_squeeze %dma_wait3A_83 : memref<1x2x80xi32, #tpu.memory_space<hbm>> -> memref<2x80xi32, #tpu.memory_space<hbm>>
          %dma_wait3A_85 = arith.constant 0 : i32
          %dma_wait3A_86 = arith.constant 0 : i32
          %dma_wait3A_87 = tpu.memref_slice %arg4[%add3A_51, %dma_wait3A_85, %dma_wait3A_86] : memref<4000x2x80xi32, #tpu.memory_space<hbm>> -> memref<1x2x80xi32, #tpu.memory_space<hbm>>
          %dma_wait3A_88 = tpu.memref_squeeze %dma_wait3A_87 : memref<1x2x80xi32, #tpu.memory_space<hbm>> -> memref<2x80xi32, #tpu.memory_space<hbm>>
          tpu.wait_dma2 semaphore(%run_scoped3A : memref<!tpu.dma_semaphore, #tpu.memory_space<semaphore_mem>>) src(%dma_wait3A_88 : memref<2x80xi32, #tpu.memory_space<hbm>>) dst(%arg8 : memref<2x80xi32, #tpu.memory_space<vmem>>)
          tpu.yield
        }) : () -> ()
        %mul3A_62 = arith.constant 80 : i32
        %mul3A_63 = arith.muli %add3A_51, %mul3A_62 : i32
        %dma_start3A = arith.constant 0 : i32
        %dma_start3A_64 = tpu.memref_slice %arg3[%mul3A_63, %dma_start3A] : memref<320000x128xf32, #tpu.memory_space<hbm>> -> memref<80x128xf32, #tpu.memory_space<hbm>>
        %dma_start3A_65 = arith.constant 0 : i32
        %dma_start3A_66 = tpu.memref_slice %arg3[%mul3A_63, %dma_start3A_65] : memref<320000x128xf32, #tpu.memory_space<hbm>> -> memref<80x128xf32, #tpu.memory_space<hbm>>
        tpu.enqueue_dma source(%dma_start3A_66 : memref<80x128xf32, #tpu.memory_space<hbm>>) target(%arg10 : memref<80x128xf32, #tpu.memory_space<vmem>>) target_semaphore(%arg14 : memref<!tpu.dma_semaphore, #tpu.memory_space<semaphore_mem>>)
        %dma_start3A_67 = arith.constant 0 : i32
        %dma_start3A_68 = arith.constant 0 : i32
        %dma_start3A_69 = tpu.memref_slice %arg8[%dma_start3A_67, %dma_start3A_68] : memref<2x80xi32, #tpu.memory_space<vmem>> -> memref<1x80xi32, #tpu.memory_space<vmem>>
        %dma_start3A_70 = tpu.memref_squeeze %dma_start3A_69 : memref<1x80xi32, #tpu.memory_space<vmem>> -> memref<80xi32, #tpu.memory_space<vmem>>
        %dma_start3A_71 = arith.constant 0 : i32
        %dma_start3A_72 = arith.constant 0 : i32
        %dma_start3A_73 = tpu.memref_slice %arg2[%dma_start3A_71, %dma_start3A_72] : memref<10240x128xf32, #tpu.memory_space<hbm>> -> memref<10240x128xf32, #tpu.memory_space<hbm>>
        tpu.enqueue_indirect_dma source(%dma_start3A_73 : memref<10240x128xf32, #tpu.memory_space<hbm>>) target(%arg12 : memref<80x128xf32, #tpu.memory_space<vmem>>) offsets(%dma_start3A_70 : memref<80xi32, #tpu.memory_space<vmem>>) semaphore(%arg16 : memref<!tpu.dma_semaphore, #tpu.memory_space<semaphore_mem>>)
      } else {
      }
      %lt3A_57 = arith.constant 4000 : i32
      %lt3A_58 = arith.cmpi slt, %add3A_46, %lt3A_57 : i32
      %convert_element_type3A_59 = arith.extui %lt3A_58 : i1 to i32
      %cond3A_60 = arith.constant 0 : i32
      %cond3A_61 = arith.cmpi ne, %convert_element_type3A_59, %cond3A_60 : i32
      scf.if %cond3A_61 {
        %mul3A_62 = arith.constant 80 : i32
        %mul3A_63 = arith.muli %add3A_46, %mul3A_62 : i32
        %dma_wait3A = arith.constant 0 : i32
        %dma_wait3A_64 = tpu.memref_slice %arg3[%mul3A_63, %dma_wait3A] : memref<320000x128xf32, #tpu.memory_space<hbm>> -> memref<80x128xf32, #tpu.memory_space<hbm>>
        %dma_wait3A_65 = arith.constant 0 : i32
        %dma_wait3A_66 = tpu.memref_slice %arg3[%mul3A_63, %dma_wait3A_65] : memref<320000x128xf32, #tpu.memory_space<hbm>> -> memref<80x128xf32, #tpu.memory_space<hbm>>
        tpu.wait_dma2 semaphore(%arg15 : memref<!tpu.dma_semaphore, #tpu.memory_space<semaphore_mem>>) src(%dma_wait3A_66 : memref<80x128xf32, #tpu.memory_space<hbm>>) dst(%arg11 : memref<80x128xf32, #tpu.memory_space<vmem>>)
        %dma_wait3A_67 = arith.constant 0 : i32
        %dma_wait3A_68 = arith.constant 0 : i32
        %dma_wait3A_69 = tpu.memref_slice %arg9[%dma_wait3A_67, %dma_wait3A_68] : memref<2x80xi32, #tpu.memory_space<vmem>> -> memref<1x80xi32, #tpu.memory_space<vmem>>
        %dma_wait3A_70 = tpu.memref_squeeze %dma_wait3A_69 : memref<1x80xi32, #tpu.memory_space<vmem>> -> memref<80xi32, #tpu.memory_space<vmem>>
        %dma_wait3A_71 = arith.constant 0 : i32
        %dma_wait3A_72 = arith.constant 0 : i32
        %dma_wait3A_73 = tpu.memref_slice %arg2[%dma_wait3A_71, %dma_wait3A_72] : memref<10240x128xf32, #tpu.memory_space<hbm>> -> memref<10240x128xf32, #tpu.memory_space<hbm>>
        tpu.wait_indirect_dma semaphore(%arg17 : memref<!tpu.dma_semaphore, #tpu.memory_space<semaphore_mem>>) src(%dma_wait3A_73 : memref<10240x128xf32, #tpu.memory_space<hbm>>) dst(%arg13 : memref<80x128xf32, #tpu.memory_space<vmem>>)
        %scan3A_74 = arith.constant 0 : i32
        %scan3A_75 = arith.constant 0 : i32
        %scan3A_76 = arith.constant 80 : i32
        %scan3A_77 = arith.addi %scan3A_75, %scan3A_76 : i32
        %scan3A_78 = arith.constant 1 : i32
        scf.for %scan3A_80 = %scan3A_75 to %scan3A_77 step %scan3A_78  : i32 {
          %get3A = arith.index_cast %scan3A_80 : i32 to index
          %get3A_81 = arith.constant 0 : index
          %get3A_82 = tpu.vector_load %arg13[%get3A, %get3A_81] {strides = array<i32>} : memref<80x128xf32, #tpu.memory_space<vmem>>, vector<1x16xf32>,
          %get3A_83 = vector.shape_cast %get3A_82 : vector<1x16xf32> to vector<16xf32>
          %get3A_84 = arith.index_cast %scan3A_80 : i32 to index
          %get3A_85 = arith.constant 0 : index
          %get3A_86 = tpu.vector_load %arg11[%get3A_84, %get3A_85] {strides = array<i32>} : memref<80x128xf32, #tpu.memory_space<vmem>>, vector<1x16xf32>,
          %get3A_87 = vector.shape_cast %get3A_86 : vector<1x16xf32> to vector<16xf32>
          %add3A_88 = arith.addf %get3A_83, %get3A_87 : vector<16xf32>
          %max3A = arith.constant 0.000000e+00 : f32
          %max3A_89 = vector.broadcast %max3A : f32 to vector<16xf32>
          %max3A_90 = arith.maximumf %add3A_88, %max3A_89 : vector<16xf32>
          %swap3A = arith.index_cast %scan3A_80 : i32 to index
          %swap3A_91 = arith.constant 0 : index
          %swap3A_92 = tpu.vector_load %arg13[%swap3A, %swap3A_91] {strides = array<i32>} : memref<80x128xf32, #tpu.memory_space<vmem>>, vector<1x16xf32>,
          %swap3A_93 = vector.shape_cast %swap3A_92 : vector<1x16xf32> to vector<16xf32>
          %swap3A_94 = vector.shape_cast %max3A_90 : vector<16xf32> to vector<1x16xf32>
          tpu.vector_store %arg13[%swap3A, %swap3A_91], %swap3A_94 {strides = array<i32>} : memref<80x128xf32, #tpu.memory_space<vmem>>, vector<1x16xf32>,
          %get3A_95 = arith.index_cast %scan3A_80 : i32 to index
          %get3A_96 = arith.constant 16 : index
          %get3A_97 = tpu.vector_load %arg13[%get3A_95, %get3A_96] {strides = array<i32>} : memref<80x128xf32, #tpu.memory_space<vmem>>, vector<1x16xf32>,
          %get3A_98 = vector.shape_cast %get3A_97 : vector<1x16xf32> to vector<16xf32>
          %get3A_99 = arith.index_cast %scan3A_80 : i32 to index
          %get3A_100 = arith.constant 16 : index
          %get3A_101 = tpu.vector_load %arg11[%get3A_99, %get3A_100] {strides = array<i32>} : memref<80x128xf32, #tpu.memory_space<vmem>>, vector<1x16xf32>,
          %get3A_102 = vector.shape_cast %get3A_101 : vector<1x16xf32> to vector<16xf32>
          %add3A_103 = arith.addf %get3A_98, %get3A_102 : vector<16xf32>
          %max3A_104 = arith.constant 0.000000e+00 : f32
          %max3A_105 = vector.broadcast %max3A_104 : f32 to vector<16xf32>
          %max3A_106 = arith.maximumf %add3A_103, %max3A_105 : vector<16xf32>
          %swap3A_107 = arith.index_cast %scan3A_80 : i32 to index
          %swap3A_108 = arith.constant 16 : index
          %swap3A_109 = tpu.vector_load %arg13[%swap3A_107, %swap3A_108] {strides = array<i32>} : memref<80x128xf32, #tpu.memory_space<vmem>>, vector<1x16xf32>,
          %swap3A_110 = vector.shape_cast %swap3A_109 : vector<1x16xf32> to vector<16xf32>
          %swap3A_111 = vector.shape_cast %max3A_106 : vector<16xf32> to vector<1x16xf32>
          tpu.vector_store %arg13[%swap3A_107, %swap3A_108], %swap3A_111 {strides = array<i32>} : memref<80x128xf32, #tpu.memory_space<vmem>>, vector<1x16xf32>,
          %get3A_112 = arith.index_cast %scan3A_80 : i32 to index
          %get3A_113 = arith.constant 32 : index
          %get3A_114 = tpu.vector_load %arg13[%get3A_112, %get3A_113] {strides = array<i32>} : memref<80x128xf32, #tpu.memory_space<vmem>>, vector<1x16xf32>,
          %get3A_115 = vector.shape_cast %get3A_114 : vector<1x16xf32> to vector<16xf32>
          %get3A_116 = arith.index_cast %scan3A_80 : i32 to index
          %get3A_117 = arith.constant 32 : index
          %get3A_118 = tpu.vector_load %arg11[%get3A_116, %get3A_117] {strides = array<i32>} : memref<80x128xf32, #tpu.memory_space<vmem>>, vector<1x16xf32>,
          %get3A_119 = vector.shape_cast %get3A_118 : vector<1x16xf32> to vector<16xf32>
          %add3A_120 = arith.addf %get3A_115, %get3A_119 : vector<16xf32>
          %max3A_121 = arith.constant 0.000000e+00 : f32
          %max3A_122 = vector.broadcast %max3A_121 : f32 to vector<16xf32>
          %max3A_123 = arith.maximumf %add3A_120, %max3A_122 : vector<16xf32>
          %swap3A_124 = arith.index_cast %scan3A_80 : i32 to index
          %swap3A_125 = arith.constant 32 : index
          %swap3A_126 = tpu.vector_load %arg13[%swap3A_124, %swap3A_125] {strides = array<i32>} : memref<80x128xf32, #tpu.memory_space<vmem>>, vector<1x16xf32>,
          %swap3A_127 = vector.shape_cast %swap3A_126 : vector<1x16xf32> to vector<16xf32>
          %swap3A_128 = vector.shape_cast %max3A_123 : vector<16xf32> to vector<1x16xf32>
          tpu.vector_store %arg13[%swap3A_124, %swap3A_125], %swap3A_128 {strides = array<i32>} : memref<80x128xf32, #tpu.memory_space<vmem>>, vector<1x16xf32>,
          %get3A_129 = arith.index_cast %scan3A_80 : i32 to index
          %get3A_130 = arith.constant 48 : index
          %get3A_131 = tpu.vector_load %arg13[%get3A_129, %get3A_130] {strides = array<i32>} : memref<80x128xf32, #tpu.memory_space<vmem>>, vector<1x16xf32>,
          %get3A_132 = vector.shape_cast %get3A_131 : vector<1x16xf32> to vector<16xf32>
          %get3A_133 = arith.index_cast %scan3A_80 : i32 to index
          %get3A_134 = arith.constant 48 : index
          %get3A_135 = tpu.vector_load %arg11[%get3A_133, %get3A_134] {strides = array<i32>} : memref<80x128xf32, #tpu.memory_space<vmem>>, vector<1x16xf32>,
          %get3A_136 = vector.shape_cast %get3A_135 : vector<1x16xf32> to vector<16xf32>
          %add3A_137 = arith.addf %get3A_132, %get3A_136 : vector<16xf32>
          %max3A_138 = arith.constant 0.000000e+00 : f32
          %max3A_139 = vector.broadcast %max3A_138 : f32 to vector<16xf32>
          %max3A_140 = arith.maximumf %add3A_137, %max3A_139 : vector<16xf32>
          %swap3A_141 = arith.index_cast %scan3A_80 : i32 to index
          %swap3A_142 = arith.constant 48 : index
          %swap3A_143 = tpu.vector_load %arg13[%swap3A_141, %swap3A_142] {strides = array<i32>} : memref<80x128xf32, #tpu.memory_space<vmem>>, vector<1x16xf32>,
          %swap3A_144 = vector.shape_cast %swap3A_143 : vector<1x16xf32> to vector<16xf32>
          %swap3A_145 = vector.shape_cast %max3A_140 : vector<16xf32> to vector<1x16xf32>
          tpu.vector_store %arg13[%swap3A_141, %swap3A_142], %swap3A_145 {strides = array<i32>} : memref<80x128xf32, #tpu.memory_space<vmem>>, vector<1x16xf32>,
          %get3A_146 = arith.index_cast %scan3A_80 : i32 to index
          %get3A_147 = arith.constant 64 : index
          %get3A_148 = tpu.vector_load %arg13[%get3A_146, %get3A_147] {strides = array<i32>} : memref<80x128xf32, #tpu.memory_space<vmem>>, vector<1x16xf32>,
          %get3A_149 = vector.shape_cast %get3A_148 : vector<1x16xf32> to vector<16xf32>
          %get3A_150 = arith.index_cast %scan3A_80 : i32 to index
          %get3A_151 = arith.constant 64 : index
          %get3A_152 = tpu.vector_load %arg11[%get3A_150, %get3A_151] {strides = array<i32>} : memref<80x128xf32, #tpu.memory_space<vmem>>, vector<1x16xf32>,
          %get3A_153 = vector.shape_cast %get3A_152 : vector<1x16xf32> to vector<16xf32>
          %add3A_154 = arith.addf %get3A_149, %get3A_153 : vector<16xf32>
          %max3A_155 = arith.constant 0.000000e+00 : f32
          %max3A_156 = vector.broadcast %max3A_155 : f32 to vector<16xf32>
          %max3A_157 = arith.maximumf %add3A_154, %max3A_156 : vector<16xf32>
          %swap3A_158 = arith.index_cast %scan3A_80 : i32 to index
          %swap3A_159 = arith.constant 64 : index
          %swap3A_160 = tpu.vector_load %arg13[%swap3A_158, %swap3A_159] {strides = array<i32>} : memref<80x128xf32, #tpu.memory_space<vmem>>, vector<1x16xf32>,
          %swap3A_161 = vector.shape_cast %swap3A_160 : vector<1x16xf32> to vector<16xf32>
          %swap3A_162 = vector.shape_cast %max3A_157 : vector<16xf32> to vector<1x16xf32>
          tpu.vector_store %arg13[%swap3A_158, %swap3A_159], %swap3A_162 {strides = array<i32>} : memref<80x128xf32, #tpu.memory_space<vmem>>, vector<1x16xf32>,
          %get3A_163 = arith.index_cast %scan3A_80 : i32 to index
          %get3A_164 = arith.constant 80 : index
          %get3A_165 = tpu.vector_load %arg13[%get3A_163, %get3A_164] {strides = array<i32>} : memref<80x128xf32, #tpu.memory_space<vmem>>, vector<1x16xf32>,
          %get3A_166 = vector.shape_cast %get3A_165 : vector<1x16xf32> to vector<16xf32>
          %get3A_167 = arith.index_cast %scan3A_80 : i32 to index
          %get3A_168 = arith.constant 80 : index
          %get3A_169 = tpu.vector_load %arg11[%get3A_167, %get3A_168] {strides = array<i32>} : memref<80x128xf32, #tpu.memory_space<vmem>>, vector<1x16xf32>,
          %get3A_170 = vector.shape_cast %get3A_169 : vector<1x16xf32> to vector<16xf32>
          %add3A_171 = arith.addf %get3A_166, %get3A_170 : vector<16xf32>
          %max3A_172 = arith.constant 0.000000e+00 : f32
          %max3A_173 = vector.broadcast %max3A_172 : f32 to vector<16xf32>
          %max3A_174 = arith.maximumf %add3A_171, %max3A_173 : vector<16xf32>
          %swap3A_175 = arith.index_cast %scan3A_80 : i32 to index
          %swap3A_176 = arith.constant 80 : index
          %swap3A_177 = tpu.vector_load %arg13[%swap3A_175, %swap3A_176] {strides = array<i32>} : memref<80x128xf32, #tpu.memory_space<vmem>>, vector<1x16xf32>,
          %swap3A_178 = vector.shape_cast %swap3A_177 : vector<1x16xf32> to vector<16xf32>
          %swap3A_179 = vector.shape_cast %max3A_174 : vector<16xf32> to vector<1x16xf32>
          tpu.vector_store %arg13[%swap3A_175, %swap3A_176], %swap3A_179 {strides = array<i32>} : memref<80x128xf32, #tpu.memory_space<vmem>>, vector<1x16xf32>,
          %get3A_180 = arith.index_cast %scan3A_80 : i32 to index
          %get3A_181 = arith.constant 96 : index
          %get3A_182 = tpu.vector_load %arg13[%get3A_180, %get3A_181] {strides = array<i32>} : memref<80x128xf32, #tpu.memory_space<vmem>>, vector<1x16xf32>,
          %get3A_183 = vector.shape_cast %get3A_182 : vector<1x16xf32> to vector<16xf32>
          %get3A_184 = arith.index_cast %scan3A_80 : i32 to index
          %get3A_185 = arith.constant 96 : index
          %get3A_186 = tpu.vector_load %arg11[%get3A_184, %get3A_185] {strides = array<i32>} : memref<80x128xf32, #tpu.memory_space<vmem>>, vector<1x16xf32>,
          %get3A_187 = vector.shape_cast %get3A_186 : vector<1x16xf32> to vector<16xf32>
          %add3A_188 = arith.addf %get3A_183, %get3A_187 : vector<16xf32>
          %max3A_189 = arith.constant 0.000000e+00 : f32
          %max3A_190 = vector.broadcast %max3A_189 : f32 to vector<16xf32>
          %max3A_191 = arith.maximumf %add3A_188, %max3A_190 : vector<16xf32>
          %swap3A_192 = arith.index_cast %scan3A_80 : i32 to index
          %swap3A_193 = arith.constant 96 : index
          %swap3A_194 = tpu.vector_load %arg13[%swap3A_192, %swap3A_193] {strides = array<i32>} : memref<80x128xf32, #tpu.memory_space<vmem>>, vector<1x16xf32>,
          %swap3A_195 = vector.shape_cast %swap3A_194 : vector<1x16xf32> to vector<16xf32>
          %swap3A_196 = vector.shape_cast %max3A_191 : vector<16xf32> to vector<1x16xf32>
          tpu.vector_store %arg13[%swap3A_192, %swap3A_193], %swap3A_196 {strides = array<i32>} : memref<80x128xf32, #tpu.memory_space<vmem>>, vector<1x16xf32>,
          %get3A_197 = arith.index_cast %scan3A_80 : i32 to index
          %get3A_198 = arith.constant 112 : index
          %get3A_199 = tpu.vector_load %arg13[%get3A_197, %get3A_198] {strides = array<i32>} : memref<80x128xf32, #tpu.memory_space<vmem>>, vector<1x16xf32>,
          %get3A_200 = vector.shape_cast %get3A_199 : vector<1x16xf32> to vector<16xf32>
          %get3A_201 = arith.index_cast %scan3A_80 : i32 to index
          %get3A_202 = arith.constant 112 : index
          %get3A_203 = tpu.vector_load %arg11[%get3A_201, %get3A_202] {strides = array<i32>} : memref<80x128xf32, #tpu.memory_space<vmem>>, vector<1x16xf32>,
          %get3A_204 = vector.shape_cast %get3A_203 : vector<1x16xf32> to vector<16xf32>
          %add3A_205 = arith.addf %get3A_200, %get3A_204 : vector<16xf32>
          %max3A_206 = arith.constant 0.000000e+00 : f32
          %max3A_207 = vector.broadcast %max3A_206 : f32 to vector<16xf32>
          %max3A_208 = arith.maximumf %add3A_205, %max3A_207 : vector<16xf32>
          %swap3A_209 = arith.index_cast %scan3A_80 : i32 to index
          %swap3A_210 = arith.constant 112 : index
          %swap3A_211 = tpu.vector_load %arg13[%swap3A_209, %swap3A_210] {strides = array<i32>} : memref<80x128xf32, #tpu.memory_space<vmem>>, vector<1x16xf32>,
          %swap3A_212 = vector.shape_cast %swap3A_211 : vector<1x16xf32> to vector<16xf32>
          %swap3A_213 = vector.shape_cast %max3A_208 : vector<16xf32> to vector<1x16xf32>
          tpu.vector_store %arg13[%swap3A_209, %swap3A_210], %swap3A_213 {strides = array<i32>} : memref<80x128xf32, #tpu.memory_space<vmem>>, vector<1x16xf32>,
        }
        %scan3A_79 = arith.constant 80 : i32
        %run_scoped3A = arith.constant 1 : i32
        "tpu.region"() ({
          %run_scoped3A_80 = tpu.sem_alloc : memref<!tpu.dma_semaphore, #tpu.memory_space<semaphore_mem>>
          %dma_start3A = arith.constant 0 : i32
          %dma_start3A_81 = tpu.memref_slice %arg9[%run_scoped3A, %dma_start3A] : memref<2x80xi32, #tpu.memory_space<vmem>> -> memref<1x80xi32, #tpu.memory_space<vmem>>
          %dma_start3A_82 = tpu.memref_squeeze %dma_start3A_81 : memref<1x80xi32, #tpu.memory_space<vmem>> -> memref<80xi32, #tpu.memory_space<vmem>>
          %dma_start3A_83 = arith.constant 0 : i32
          %dma_start3A_84 = arith.constant 0 : i32
          %dma_start3A_85 = tpu.memref_slice %arg7[%dma_start3A_83, %dma_start3A_84] : memref<10240x128xf32, #tpu.memory_space<vmem_shared>> -> memref<10240x128xf32, #tpu.memory_space<vmem_shared>>
          tpu.enqueue_indirect_dma source(%arg13 : memref<80x128xf32, #tpu.memory_space<vmem>>) target(%dma_start3A_85 : memref<10240x128xf32, #tpu.memory_space<vmem_shared>>) offsets(%dma_start3A_82 : memref<80xi32, #tpu.memory_space<vmem>>) semaphore(%run_scoped3A_80 : memref<!tpu.dma_semaphore, #tpu.memory_space<semaphore_mem>>) {add = true}
          %dma_wait3A_86 = arith.constant 0 : i32
          %dma_wait3A_87 = tpu.memref_slice %arg9[%run_scoped3A, %dma_wait3A_86] : memref<2x80xi32, #tpu.memory_space<vmem>> -> memref<1x80xi32, #tpu.memory_space<vmem>>
          %dma_wait3A_88 = tpu.memref_squeeze %dma_wait3A_87 : memref<1x80xi32, #tpu.memory_space<vmem>> -> memref<80xi32, #tpu.memory_space<vmem>>
          %dma_wait3A_89 = arith.constant 0 : i32
          %dma_wait3A_90 = arith.constant 0 : i32
          %dma_wait3A_91 = tpu.memref_slice %arg7[%dma_wait3A_89, %dma_wait3A_90] : memref<10240x128xf32, #tpu.memory_space<vmem_shared>> -> memref<10240x128xf32, #tpu.memory_space<vmem_shared>>
          tpu.wait_indirect_dma semaphore(%run_scoped3A_80 : memref<!tpu.dma_semaphore, #tpu.memory_space<semaphore_mem>>) src(%arg13 : memref<80x128xf32, #tpu.memory_space<vmem>>) dst(%dma_wait3A_91 : memref<10240x128xf32, #tpu.memory_space<vmem_shared>>)
          tpu.yield
        }) : () -> ()
      } else {
      }
    }
    %scan3A_11 = arith.constant 63 : i32
    %barrier3A_12 = arith.constant 0 : index
    tpu.barrier barrier_id(%barrier3A_12)
    %mul3A_13 = arith.constant 640 : i32
    %mul3A_14 = arith.muli %arg1, %mul3A_13 : i32
    %mul3A_15 = arith.constant 640 : i32
    %mul3A_16 = arith.muli %arg1, %mul3A_15 : i32
    "tpu.region"() ({
      %run_scoped3A = tpu.sem_alloc : memref<!tpu.dma_semaphore, #tpu.memory_space<semaphore_mem>>
      %dma_start3A = arith.constant 0 : i32
      %dma_start3A_17 = tpu.memref_slice %arg6[%arg0, %mul3A_16, %dma_start3A] : memref<2x10240x128xf32, #tpu.memory_space<hbm>> -> memref<1x640x128xf32, #tpu.memory_space<hbm>>
      %dma_start3A_18 = tpu.memref_squeeze %dma_start3A_17 : memref<1x640x128xf32, #tpu.memory_space<hbm>> -> memref<640x128xf32, #tpu.memory_space<hbm>>
      %dma_start3A_19 = arith.constant 0 : i32
      %dma_start3A_20 = tpu.memref_slice %arg7[%mul3A_14, %dma_start3A_19] : memref<10240x128xf32, #tpu.memory_space<vmem_shared>> -> memref<640x128xf32, #tpu.memory_space<vmem_shared>>
      tpu.enqueue_dma source(%dma_start3A_20 : memref<640x128xf32, #tpu.memory_space<vmem_shared>>) target(%dma_start3A_18 : memref<640x128xf32, #tpu.memory_space<hbm>>) target_semaphore(%run_scoped3A : memref<!tpu.dma_semaphore, #tpu.memory_space<semaphore_mem>>)
      %dma_wait3A = arith.constant 0 : i32
      %dma_wait3A_21 = tpu.memref_slice %arg6[%arg0, %mul3A_16, %dma_wait3A] : memref<2x10240x128xf32, #tpu.memory_space<hbm>> -> memref<1x640x128xf32, #tpu.memory_space<hbm>>
      %dma_wait3A_22 = tpu.memref_squeeze %dma_wait3A_21 : memref<1x640x128xf32, #tpu.memory_space<hbm>> -> memref<640x128xf32, #tpu.memory_space<hbm>>
      %dma_wait3A_23 = arith.constant 0 : i32
      %dma_wait3A_24 = tpu.memref_slice %arg7[%mul3A_14, %dma_wait3A_23] : memref<10240x128xf32, #tpu.memory_space<vmem_shared>> -> memref<640x128xf32, #tpu.memory_space<vmem_shared>>
      tpu.wait_dma2 semaphore(%run_scoped3A : memref<!tpu.dma_semaphore, #tpu.memory_space<semaphore_mem>>) src(%dma_wait3A_24 : memref<640x128xf32, #tpu.memory_space<vmem_shared>>) dst(%dma_wait3A_22 : memref<640x128xf32, #tpu.memory_space<hbm>>)
      tpu.yield
    }) : () -> ()
    return
  }
}

#map = affine_map<(d0, d1) -> (0, 0)>
#map1 = affine_map<(d0, d1) -> (0, 0, 0)>
module attributes {stable_mosaic.version = 14 : i64} {
  func.func @_sweep0_body(%arg0: i32, %arg1: i32, %arg2: memref<10000x128xf32, #tpu.memory_space<hbm>>, %arg3: memref<320000x128xf32, #tpu.memory_space<hbm>>, %arg4: memref<4000x2x80xi32, #tpu.memory_space<hbm>>, %arg5: memref<640x128xf32, #tpu.memory_space<hbm>>, %arg6: memref<2x10240x128xf32, #tpu.memory_space<hbm>>, %arg7: memref<320000x128xf32, #tpu.memory_space<hbm>>, %arg8: memref<10240x128xf32, #tpu.memory_space<vmem_shared>>, %arg9: memref<2x80xi32, #tpu.memory_space<vmem>>, %arg10: memref<2x80xi32, #tpu.memory_space<vmem>>, %arg11: memref<80x128xf32, #tpu.memory_space<vmem>>, %arg12: memref<80x128xf32, #tpu.memory_space<vmem>>, %arg13: memref<80x128xf32, #tpu.memory_space<vmem>>, %arg14: memref<80x128xf32, #tpu.memory_space<vmem>>, %arg15: memref<!tpu.dma_semaphore, #tpu.memory_space<semaphore_mem>>, %arg16: memref<!tpu.dma_semaphore, #tpu.memory_space<semaphore_mem>>, %arg17: memref<!tpu.dma_semaphore, #tpu.memory_space<semaphore_mem>>, %arg18: memref<!tpu.dma_semaphore, #tpu.memory_space<semaphore_mem>>) attributes {dimension_semantics = [#tpu.dimension_semantics<core_parallel>, #tpu.dimension_semantics<subcore_parallel>], iteration_bounds = array<i64: 2, 16>, scalar_prefetch = 0 : i64, scratch_operands = 11 : i64, tpu.core_type = #tpu.core_type<sc_vector_subcore>, window_params = [{transform_indices = #map}, {transform_indices = #map}, {transform_indices = #map1}, {transform_indices = #map}, {transform_indices = #map1}, {transform_indices = #map}]} {
    %mul3A = arith.constant 2 : i32
    %mul3A_0 = arith.muli %arg1, %mul3A : i32
    %add3A = arith.addi %mul3A_0, %arg0 : i32
    %mul3A_1 = arith.constant 640 : i32
    %mul3A_2 = arith.muli %arg1, %mul3A_1 : i32
    "tpu.region"() ({
      %run_scoped3A = tpu.sem_alloc : memref<!tpu.dma_semaphore, #tpu.memory_space<semaphore_mem>>
      %dma_start3A = arith.constant 0 : i32
      %dma_start3A_17 = tpu.memref_slice %arg8[%mul3A_2, %dma_start3A] : memref<10240x128xf32, #tpu.memory_space<vmem_shared>> -> memref<640x128xf32, #tpu.memory_space<vmem_shared>>
      tpu.enqueue_dma source(%arg5 : memref<640x128xf32, #tpu.memory_space<hbm>>) target(%dma_start3A_17 : memref<640x128xf32, #tpu.memory_space<vmem_shared>>) target_semaphore(%run_scoped3A : memref<!tpu.dma_semaphore, #tpu.memory_space<semaphore_mem>>)
      %dma_wait3A = arith.constant 0 : i32
      %dma_wait3A_18 = tpu.memref_slice %arg8[%mul3A_2, %dma_wait3A] : memref<10240x128xf32, #tpu.memory_space<vmem_shared>> -> memref<640x128xf32, #tpu.memory_space<vmem_shared>>
      tpu.wait_dma2 semaphore(%run_scoped3A : memref<!tpu.dma_semaphore, #tpu.memory_space<semaphore_mem>>) src(%arg5 : memref<640x128xf32, #tpu.memory_space<hbm>>) dst(%dma_wait3A_18 : memref<640x128xf32, #tpu.memory_space<vmem_shared>>)
      tpu.yield
    }) : () -> ()
    %barrier3A = arith.constant 0 : index
    tpu.barrier barrier_id(%barrier3A)
    %add3A_3 = arith.constant 0 : i32
    %add3A_4 = arith.addi %add3A, %add3A_3 : i32
    %lt3A = arith.constant 4000 : i32
    %lt3A_5 = arith.cmpi slt, %add3A_4, %lt3A : i32
    %convert_element_type3A = arith.extui %lt3A_5 : i1 to i32
    %cond3A = arith.constant 0 : i32
    %cond3A_6 = arith.cmpi ne, %convert_element_type3A, %cond3A : i32
    scf.if %cond3A_6 {
      "tpu.region"() ({
        %run_scoped3A = tpu.sem_alloc : memref<!tpu.dma_semaphore, #tpu.memory_space<semaphore_mem>>
        %dma_start3A_29 = arith.constant 0 : i32
        %dma_start3A_30 = arith.constant 0 : i32
        %dma_start3A_31 = tpu.memref_slice %arg4[%add3A_4, %dma_start3A_29, %dma_start3A_30] : memref<4000x2x80xi32, #tpu.memory_space<hbm>> -> memref<1x2x80xi32, #tpu.memory_space<hbm>>
        %dma_start3A_32 = tpu.memref_squeeze %dma_start3A_31 : memref<1x2x80xi32, #tpu.memory_space<hbm>> -> memref<2x80xi32, #tpu.memory_space<hbm>>
        %dma_start3A_33 = arith.constant 0 : i32
        %dma_start3A_34 = arith.constant 0 : i32
        %dma_start3A_35 = tpu.memref_slice %arg4[%add3A_4, %dma_start3A_33, %dma_start3A_34] : memref<4000x2x80xi32, #tpu.memory_space<hbm>> -> memref<1x2x80xi32, #tpu.memory_space<hbm>>
        %dma_start3A_36 = tpu.memref_squeeze %dma_start3A_35 : memref<1x2x80xi32, #tpu.memory_space<hbm>> -> memref<2x80xi32, #tpu.memory_space<hbm>>
        tpu.enqueue_dma source(%dma_start3A_36 : memref<2x80xi32, #tpu.memory_space<hbm>>) target(%arg9 : memref<2x80xi32, #tpu.memory_space<vmem>>) target_semaphore(%run_scoped3A : memref<!tpu.dma_semaphore, #tpu.memory_space<semaphore_mem>>)
        %dma_wait3A = arith.constant 0 : i32
        %dma_wait3A_37 = arith.constant 0 : i32
        %dma_wait3A_38 = tpu.memref_slice %arg4[%add3A_4, %dma_wait3A, %dma_wait3A_37] : memref<4000x2x80xi32, #tpu.memory_space<hbm>> -> memref<1x2x80xi32, #tpu.memory_space<hbm>>
        %dma_wait3A_39 = tpu.memref_squeeze %dma_wait3A_38 : memref<1x2x80xi32, #tpu.memory_space<hbm>> -> memref<2x80xi32, #tpu.memory_space<hbm>>
        %dma_wait3A_40 = arith.constant 0 : i32
        %dma_wait3A_41 = arith.constant 0 : i32
        %dma_wait3A_42 = tpu.memref_slice %arg4[%add3A_4, %dma_wait3A_40, %dma_wait3A_41] : memref<4000x2x80xi32, #tpu.memory_space<hbm>> -> memref<1x2x80xi32, #tpu.memory_space<hbm>>
        %dma_wait3A_43 = tpu.memref_squeeze %dma_wait3A_42 : memref<1x2x80xi32, #tpu.memory_space<hbm>> -> memref<2x80xi32, #tpu.memory_space<hbm>>
        tpu.wait_dma2 semaphore(%run_scoped3A : memref<!tpu.dma_semaphore, #tpu.memory_space<semaphore_mem>>) src(%dma_wait3A_43 : memref<2x80xi32, #tpu.memory_space<hbm>>) dst(%arg9 : memref<2x80xi32, #tpu.memory_space<vmem>>)
        tpu.yield
      }) : () -> ()
      %mul3A_17 = arith.constant 80 : i32
      %mul3A_18 = arith.muli %add3A_4, %mul3A_17 : i32
      %dma_start3A = arith.constant 0 : i32
      %dma_start3A_19 = tpu.memref_slice %arg3[%mul3A_18, %dma_start3A] : memref<320000x128xf32, #tpu.memory_space<hbm>> -> memref<80x128xf32, #tpu.memory_space<hbm>>
      %dma_start3A_20 = arith.constant 0 : i32
      %dma_start3A_21 = tpu.memref_slice %arg3[%mul3A_18, %dma_start3A_20] : memref<320000x128xf32, #tpu.memory_space<hbm>> -> memref<80x128xf32, #tpu.memory_space<hbm>>
      tpu.enqueue_dma source(%dma_start3A_21 : memref<80x128xf32, #tpu.memory_space<hbm>>) target(%arg11 : memref<80x128xf32, #tpu.memory_space<vmem>>) target_semaphore(%arg15 : memref<!tpu.dma_semaphore, #tpu.memory_space<semaphore_mem>>)
      %dma_start3A_22 = arith.constant 0 : i32
      %dma_start3A_23 = arith.constant 0 : i32
      %dma_start3A_24 = tpu.memref_slice %arg9[%dma_start3A_22, %dma_start3A_23] : memref<2x80xi32, #tpu.memory_space<vmem>> -> memref<1x80xi32, #tpu.memory_space<vmem>>
      %dma_start3A_25 = tpu.memref_squeeze %dma_start3A_24 : memref<1x80xi32, #tpu.memory_space<vmem>> -> memref<80xi32, #tpu.memory_space<vmem>>
      %dma_start3A_26 = arith.constant 0 : i32
      %dma_start3A_27 = arith.constant 0 : i32
      %dma_start3A_28 = tpu.memref_slice %arg2[%dma_start3A_26, %dma_start3A_27] : memref<10000x128xf32, #tpu.memory_space<hbm>> -> memref<10000x128xf32, #tpu.memory_space<hbm>>
      tpu.enqueue_indirect_dma source(%dma_start3A_28 : memref<10000x128xf32, #tpu.memory_space<hbm>>) target(%arg13 : memref<80x128xf32, #tpu.memory_space<vmem>>) offsets(%dma_start3A_25 : memref<80xi32, #tpu.memory_space<vmem>>) semaphore(%arg17 : memref<!tpu.dma_semaphore, #tpu.memory_space<semaphore_mem>>)
    } else {
    }
    %scan3A = arith.constant 0 : i32
    %scan3A_7 = arith.constant 0 : i32
    %scan3A_8 = arith.constant 63 : i32
    %scan3A_9 = arith.addi %scan3A_7, %scan3A_8 : i32
    %scan3A_10 = arith.constant 1 : i32
    scf.for %scan3A_17 = %scan3A_7 to %scan3A_9 step %scan3A_10  : i32 {
      %mul3A_18 = arith.constant 2 : i32
      %mul3A_19 = arith.muli %scan3A_17, %mul3A_18 : i32
      %add3A_20 = arith.constant 0 : i32
      %add3A_21 = arith.addi %mul3A_19, %add3A_20 : i32
      %mul3A_22 = arith.constant 32 : i32
      %mul3A_23 = arith.muli %mul3A_22, %add3A_21 : i32
      %add3A_24 = arith.addi %add3A, %mul3A_23 : i32
      %add3A_25 = arith.constant 1 : i32
      %add3A_26 = arith.addi %add3A_21, %add3A_25 : i32
      %mul3A_27 = arith.constant 32 : i32
      %mul3A_28 = arith.muli %mul3A_27, %add3A_26 : i32
      %add3A_29 = arith.addi %add3A, %mul3A_28 : i32
      %lt3A_30 = arith.constant 4000 : i32
      %lt3A_31 = arith.cmpi slt, %add3A_29, %lt3A_30 : i32
      %convert_element_type3A_32 = arith.extui %lt3A_31 : i1 to i32
      %cond3A_33 = arith.constant 0 : i32
      %cond3A_34 = arith.cmpi ne, %convert_element_type3A_32, %cond3A_33 : i32
      scf.if %cond3A_34 {
        "tpu.region"() ({
          %run_scoped3A = tpu.sem_alloc : memref<!tpu.dma_semaphore, #tpu.memory_space<semaphore_mem>>
          %dma_start3A_74 = arith.constant 0 : i32
          %dma_start3A_75 = arith.constant 0 : i32
          %dma_start3A_76 = tpu.memref_slice %arg4[%add3A_29, %dma_start3A_74, %dma_start3A_75] : memref<4000x2x80xi32, #tpu.memory_space<hbm>> -> memref<1x2x80xi32, #tpu.memory_space<hbm>>
          %dma_start3A_77 = tpu.memref_squeeze %dma_start3A_76 : memref<1x2x80xi32, #tpu.memory_space<hbm>> -> memref<2x80xi32, #tpu.memory_space<hbm>>
          %dma_start3A_78 = arith.constant 0 : i32
          %dma_start3A_79 = arith.constant 0 : i32
          %dma_start3A_80 = tpu.memref_slice %arg4[%add3A_29, %dma_start3A_78, %dma_start3A_79] : memref<4000x2x80xi32, #tpu.memory_space<hbm>> -> memref<1x2x80xi32, #tpu.memory_space<hbm>>
          %dma_start3A_81 = tpu.memref_squeeze %dma_start3A_80 : memref<1x2x80xi32, #tpu.memory_space<hbm>> -> memref<2x80xi32, #tpu.memory_space<hbm>>
          tpu.enqueue_dma source(%dma_start3A_81 : memref<2x80xi32, #tpu.memory_space<hbm>>) target(%arg10 : memref<2x80xi32, #tpu.memory_space<vmem>>) target_semaphore(%run_scoped3A : memref<!tpu.dma_semaphore, #tpu.memory_space<semaphore_mem>>)
          %dma_wait3A = arith.constant 0 : i32
          %dma_wait3A_82 = arith.constant 0 : i32
          %dma_wait3A_83 = tpu.memref_slice %arg4[%add3A_29, %dma_wait3A, %dma_wait3A_82] : memref<4000x2x80xi32, #tpu.memory_space<hbm>> -> memref<1x2x80xi32, #tpu.memory_space<hbm>>
          %dma_wait3A_84 = tpu.memref_squeeze %dma_wait3A_83 : memref<1x2x80xi32, #tpu.memory_space<hbm>> -> memref<2x80xi32, #tpu.memory_space<hbm>>
          %dma_wait3A_85 = arith.constant 0 : i32
          %dma_wait3A_86 = arith.constant 0 : i32
          %dma_wait3A_87 = tpu.memref_slice %arg4[%add3A_29, %dma_wait3A_85, %dma_wait3A_86] : memref<4000x2x80xi32, #tpu.memory_space<hbm>> -> memref<1x2x80xi32, #tpu.memory_space<hbm>>
          %dma_wait3A_88 = tpu.memref_squeeze %dma_wait3A_87 : memref<1x2x80xi32, #tpu.memory_space<hbm>> -> memref<2x80xi32, #tpu.memory_space<hbm>>
          tpu.wait_dma2 semaphore(%run_scoped3A : memref<!tpu.dma_semaphore, #tpu.memory_space<semaphore_mem>>) src(%dma_wait3A_88 : memref<2x80xi32, #tpu.memory_space<hbm>>) dst(%arg10 : memref<2x80xi32, #tpu.memory_space<vmem>>)
          tpu.yield
        }) : () -> ()
        %mul3A_62 = arith.constant 80 : i32
        %mul3A_63 = arith.muli %add3A_29, %mul3A_62 : i32
        %dma_start3A = arith.constant 0 : i32
        %dma_start3A_64 = tpu.memref_slice %arg3[%mul3A_63, %dma_start3A] : memref<320000x128xf32, #tpu.memory_space<hbm>> -> memref<80x128xf32, #tpu.memory_space<hbm>>
        %dma_start3A_65 = arith.constant 0 : i32
        %dma_start3A_66 = tpu.memref_slice %arg3[%mul3A_63, %dma_start3A_65] : memref<320000x128xf32, #tpu.memory_space<hbm>> -> memref<80x128xf32, #tpu.memory_space<hbm>>
        tpu.enqueue_dma source(%dma_start3A_66 : memref<80x128xf32, #tpu.memory_space<hbm>>) target(%arg12 : memref<80x128xf32, #tpu.memory_space<vmem>>) target_semaphore(%arg16 : memref<!tpu.dma_semaphore, #tpu.memory_space<semaphore_mem>>)
        %dma_start3A_67 = arith.constant 0 : i32
        %dma_start3A_68 = arith.constant 0 : i32
        %dma_start3A_69 = tpu.memref_slice %arg10[%dma_start3A_67, %dma_start3A_68] : memref<2x80xi32, #tpu.memory_space<vmem>> -> memref<1x80xi32, #tpu.memory_space<vmem>>
        %dma_start3A_70 = tpu.memref_squeeze %dma_start3A_69 : memref<1x80xi32, #tpu.memory_space<vmem>> -> memref<80xi32, #tpu.memory_space<vmem>>
        %dma_start3A_71 = arith.constant 0 : i32
        %dma_start3A_72 = arith.constant 0 : i32
        %dma_start3A_73 = tpu.memref_slice %arg2[%dma_start3A_71, %dma_start3A_72] : memref<10000x128xf32, #tpu.memory_space<hbm>> -> memref<10000x128xf32, #tpu.memory_space<hbm>>
        tpu.enqueue_indirect_dma source(%dma_start3A_73 : memref<10000x128xf32, #tpu.memory_space<hbm>>) target(%arg14 : memref<80x128xf32, #tpu.memory_space<vmem>>) offsets(%dma_start3A_70 : memref<80xi32, #tpu.memory_space<vmem>>) semaphore(%arg18 : memref<!tpu.dma_semaphore, #tpu.memory_space<semaphore_mem>>)
      } else {
      }
      %lt3A_35 = arith.constant 4000 : i32
      %lt3A_36 = arith.cmpi slt, %add3A_24, %lt3A_35 : i32
      %convert_element_type3A_37 = arith.extui %lt3A_36 : i1 to i32
      %cond3A_38 = arith.constant 0 : i32
      %cond3A_39 = arith.cmpi ne, %convert_element_type3A_37, %cond3A_38 : i32
      scf.if %cond3A_39 {
        %mul3A_62 = arith.constant 80 : i32
        %mul3A_63 = arith.muli %add3A_24, %mul3A_62 : i32
        %dma_wait3A = arith.constant 0 : i32
        %dma_wait3A_64 = tpu.memref_slice %arg3[%mul3A_63, %dma_wait3A] : memref<320000x128xf32, #tpu.memory_space<hbm>> -> memref<80x128xf32, #tpu.memory_space<hbm>>
        %dma_wait3A_65 = arith.constant 0 : i32
        %dma_wait3A_66 = tpu.memref_slice %arg3[%mul3A_63, %dma_wait3A_65] : memref<320000x128xf32, #tpu.memory_space<hbm>> -> memref<80x128xf32, #tpu.memory_space<hbm>>
        tpu.wait_dma2 semaphore(%arg15 : memref<!tpu.dma_semaphore, #tpu.memory_space<semaphore_mem>>) src(%dma_wait3A_66 : memref<80x128xf32, #tpu.memory_space<hbm>>) dst(%arg11 : memref<80x128xf32, #tpu.memory_space<vmem>>)
        %dma_wait3A_67 = arith.constant 0 : i32
        %dma_wait3A_68 = arith.constant 0 : i32
        %dma_wait3A_69 = tpu.memref_slice %arg9[%dma_wait3A_67, %dma_wait3A_68] : memref<2x80xi32, #tpu.memory_space<vmem>> -> memref<1x80xi32, #tpu.memory_space<vmem>>
        %dma_wait3A_70 = tpu.memref_squeeze %dma_wait3A_69 : memref<1x80xi32, #tpu.memory_space<vmem>> -> memref<80xi32, #tpu.memory_space<vmem>>
        %dma_wait3A_71 = arith.constant 0 : i32
        %dma_wait3A_72 = arith.constant 0 : i32
        %dma_wait3A_73 = tpu.memref_slice %arg2[%dma_wait3A_71, %dma_wait3A_72] : memref<10000x128xf32, #tpu.memory_space<hbm>> -> memref<10000x128xf32, #tpu.memory_space<hbm>>
        tpu.wait_indirect_dma semaphore(%arg17 : memref<!tpu.dma_semaphore, #tpu.memory_space<semaphore_mem>>) src(%dma_wait3A_73 : memref<10000x128xf32, #tpu.memory_space<hbm>>) dst(%arg13 : memref<80x128xf32, #tpu.memory_space<vmem>>)
        %scan3A_74 = arith.constant 0 : i32
        %scan3A_75 = arith.constant 0 : i32
        %scan3A_76 = arith.constant 80 : i32
        %scan3A_77 = arith.addi %scan3A_75, %scan3A_76 : i32
        %scan3A_78 = arith.constant 1 : i32
        scf.for %scan3A_82 = %scan3A_75 to %scan3A_77 step %scan3A_78  : i32 {
          %get3A = arith.index_cast %scan3A_82 : i32 to index
          %get3A_83 = arith.constant 0 : index
          %get3A_84 = tpu.vector_load %arg13[%get3A, %get3A_83] {strides = array<i32>} : memref<80x128xf32, #tpu.memory_space<vmem>>, vector<1x16xf32>,
          %get3A_85 = vector.shape_cast %get3A_84 : vector<1x16xf32> to vector<16xf32>
          %get3A_86 = arith.index_cast %scan3A_82 : i32 to index
          %get3A_87 = arith.constant 0 : index
          %get3A_88 = tpu.vector_load %arg11[%get3A_86, %get3A_87] {strides = array<i32>} : memref<80x128xf32, #tpu.memory_space<vmem>>, vector<1x16xf32>,
          %get3A_89 = vector.shape_cast %get3A_88 : vector<1x16xf32> to vector<16xf32>
          %add3A_90 = arith.addf %get3A_85, %get3A_89 : vector<16xf32>
          %max3A = arith.constant 0.000000e+00 : f32
          %max3A_91 = vector.broadcast %max3A : f32 to vector<16xf32>
          %max3A_92 = arith.maximumf %add3A_90, %max3A_91 : vector<16xf32>
          %swap3A = arith.index_cast %scan3A_82 : i32 to index
          %swap3A_93 = arith.constant 0 : index
          %swap3A_94 = tpu.vector_load %arg13[%swap3A, %swap3A_93] {strides = array<i32>} : memref<80x128xf32, #tpu.memory_space<vmem>>, vector<1x16xf32>,
          %swap3A_95 = vector.shape_cast %swap3A_94 : vector<1x16xf32> to vector<16xf32>
          %swap3A_96 = vector.shape_cast %max3A_92 : vector<16xf32> to vector<1x16xf32>
          tpu.vector_store %arg13[%swap3A, %swap3A_93], %swap3A_96 {strides = array<i32>} : memref<80x128xf32, #tpu.memory_space<vmem>>, vector<1x16xf32>,
          %get3A_97 = arith.index_cast %scan3A_82 : i32 to index
          %get3A_98 = arith.constant 16 : index
          %get3A_99 = tpu.vector_load %arg13[%get3A_97, %get3A_98] {strides = array<i32>} : memref<80x128xf32, #tpu.memory_space<vmem>>, vector<1x16xf32>,
          %get3A_100 = vector.shape_cast %get3A_99 : vector<1x16xf32> to vector<16xf32>
          %get3A_101 = arith.index_cast %scan3A_82 : i32 to index
          %get3A_102 = arith.constant 16 : index
          %get3A_103 = tpu.vector_load %arg11[%get3A_101, %get3A_102] {strides = array<i32>} : memref<80x128xf32, #tpu.memory_space<vmem>>, vector<1x16xf32>,
          %get3A_104 = vector.shape_cast %get3A_103 : vector<1x16xf32> to vector<16xf32>
          %add3A_105 = arith.addf %get3A_100, %get3A_104 : vector<16xf32>
          %max3A_106 = arith.constant 0.000000e+00 : f32
          %max3A_107 = vector.broadcast %max3A_106 : f32 to vector<16xf32>
          %max3A_108 = arith.maximumf %add3A_105, %max3A_107 : vector<16xf32>
          %swap3A_109 = arith.index_cast %scan3A_82 : i32 to index
          %swap3A_110 = arith.constant 16 : index
          %swap3A_111 = tpu.vector_load %arg13[%swap3A_109, %swap3A_110] {strides = array<i32>} : memref<80x128xf32, #tpu.memory_space<vmem>>, vector<1x16xf32>,
          %swap3A_112 = vector.shape_cast %swap3A_111 : vector<1x16xf32> to vector<16xf32>
          %swap3A_113 = vector.shape_cast %max3A_108 : vector<16xf32> to vector<1x16xf32>
          tpu.vector_store %arg13[%swap3A_109, %swap3A_110], %swap3A_113 {strides = array<i32>} : memref<80x128xf32, #tpu.memory_space<vmem>>, vector<1x16xf32>,
          %get3A_114 = arith.index_cast %scan3A_82 : i32 to index
          %get3A_115 = arith.constant 32 : index
          %get3A_116 = tpu.vector_load %arg13[%get3A_114, %get3A_115] {strides = array<i32>} : memref<80x128xf32, #tpu.memory_space<vmem>>, vector<1x16xf32>,
          %get3A_117 = vector.shape_cast %get3A_116 : vector<1x16xf32> to vector<16xf32>
          %get3A_118 = arith.index_cast %scan3A_82 : i32 to index
          %get3A_119 = arith.constant 32 : index
          %get3A_120 = tpu.vector_load %arg11[%get3A_118, %get3A_119] {strides = array<i32>} : memref<80x128xf32, #tpu.memory_space<vmem>>, vector<1x16xf32>,
          %get3A_121 = vector.shape_cast %get3A_120 : vector<1x16xf32> to vector<16xf32>
          %add3A_122 = arith.addf %get3A_117, %get3A_121 : vector<16xf32>
          %max3A_123 = arith.constant 0.000000e+00 : f32
          %max3A_124 = vector.broadcast %max3A_123 : f32 to vector<16xf32>
          %max3A_125 = arith.maximumf %add3A_122, %max3A_124 : vector<16xf32>
          %swap3A_126 = arith.index_cast %scan3A_82 : i32 to index
          %swap3A_127 = arith.constant 32 : index
          %swap3A_128 = tpu.vector_load %arg13[%swap3A_126, %swap3A_127] {strides = array<i32>} : memref<80x128xf32, #tpu.memory_space<vmem>>, vector<1x16xf32>,
          %swap3A_129 = vector.shape_cast %swap3A_128 : vector<1x16xf32> to vector<16xf32>
          %swap3A_130 = vector.shape_cast %max3A_125 : vector<16xf32> to vector<1x16xf32>
          tpu.vector_store %arg13[%swap3A_126, %swap3A_127], %swap3A_130 {strides = array<i32>} : memref<80x128xf32, #tpu.memory_space<vmem>>, vector<1x16xf32>,
          %get3A_131 = arith.index_cast %scan3A_82 : i32 to index
          %get3A_132 = arith.constant 48 : index
          %get3A_133 = tpu.vector_load %arg13[%get3A_131, %get3A_132] {strides = array<i32>} : memref<80x128xf32, #tpu.memory_space<vmem>>, vector<1x16xf32>,
          %get3A_134 = vector.shape_cast %get3A_133 : vector<1x16xf32> to vector<16xf32>
          %get3A_135 = arith.index_cast %scan3A_82 : i32 to index
          %get3A_136 = arith.constant 48 : index
          %get3A_137 = tpu.vector_load %arg11[%get3A_135, %get3A_136] {strides = array<i32>} : memref<80x128xf32, #tpu.memory_space<vmem>>, vector<1x16xf32>,
          %get3A_138 = vector.shape_cast %get3A_137 : vector<1x16xf32> to vector<16xf32>
          %add3A_139 = arith.addf %get3A_134, %get3A_138 : vector<16xf32>
          %max3A_140 = arith.constant 0.000000e+00 : f32
          %max3A_141 = vector.broadcast %max3A_140 : f32 to vector<16xf32>
          %max3A_142 = arith.maximumf %add3A_139, %max3A_141 : vector<16xf32>
          %swap3A_143 = arith.index_cast %scan3A_82 : i32 to index
          %swap3A_144 = arith.constant 48 : index
          %swap3A_145 = tpu.vector_load %arg13[%swap3A_143, %swap3A_144] {strides = array<i32>} : memref<80x128xf32, #tpu.memory_space<vmem>>, vector<1x16xf32>,
          %swap3A_146 = vector.shape_cast %swap3A_145 : vector<1x16xf32> to vector<16xf32>
          %swap3A_147 = vector.shape_cast %max3A_142 : vector<16xf32> to vector<1x16xf32>
          tpu.vector_store %arg13[%swap3A_143, %swap3A_144], %swap3A_147 {strides = array<i32>} : memref<80x128xf32, #tpu.memory_space<vmem>>, vector<1x16xf32>,
          %get3A_148 = arith.index_cast %scan3A_82 : i32 to index
          %get3A_149 = arith.constant 64 : index
          %get3A_150 = tpu.vector_load %arg13[%get3A_148, %get3A_149] {strides = array<i32>} : memref<80x128xf32, #tpu.memory_space<vmem>>, vector<1x16xf32>,
          %get3A_151 = vector.shape_cast %get3A_150 : vector<1x16xf32> to vector<16xf32>
          %get3A_152 = arith.index_cast %scan3A_82 : i32 to index
          %get3A_153 = arith.constant 64 : index
          %get3A_154 = tpu.vector_load %arg11[%get3A_152, %get3A_153] {strides = array<i32>} : memref<80x128xf32, #tpu.memory_space<vmem>>, vector<1x16xf32>,
          %get3A_155 = vector.shape_cast %get3A_154 : vector<1x16xf32> to vector<16xf32>
          %add3A_156 = arith.addf %get3A_151, %get3A_155 : vector<16xf32>
          %max3A_157 = arith.constant 0.000000e+00 : f32
          %max3A_158 = vector.broadcast %max3A_157 : f32 to vector<16xf32>
          %max3A_159 = arith.maximumf %add3A_156, %max3A_158 : vector<16xf32>
          %swap3A_160 = arith.index_cast %scan3A_82 : i32 to index
          %swap3A_161 = arith.constant 64 : index
          %swap3A_162 = tpu.vector_load %arg13[%swap3A_160, %swap3A_161] {strides = array<i32>} : memref<80x128xf32, #tpu.memory_space<vmem>>, vector<1x16xf32>,
          %swap3A_163 = vector.shape_cast %swap3A_162 : vector<1x16xf32> to vector<16xf32>
          %swap3A_164 = vector.shape_cast %max3A_159 : vector<16xf32> to vector<1x16xf32>
          tpu.vector_store %arg13[%swap3A_160, %swap3A_161], %swap3A_164 {strides = array<i32>} : memref<80x128xf32, #tpu.memory_space<vmem>>, vector<1x16xf32>,
          %get3A_165 = arith.index_cast %scan3A_82 : i32 to index
          %get3A_166 = arith.constant 80 : index
          %get3A_167 = tpu.vector_load %arg13[%get3A_165, %get3A_166] {strides = array<i32>} : memref<80x128xf32, #tpu.memory_space<vmem>>, vector<1x16xf32>,
          %get3A_168 = vector.shape_cast %get3A_167 : vector<1x16xf32> to vector<16xf32>
          %get3A_169 = arith.index_cast %scan3A_82 : i32 to index
          %get3A_170 = arith.constant 80 : index
          %get3A_171 = tpu.vector_load %arg11[%get3A_169, %get3A_170] {strides = array<i32>} : memref<80x128xf32, #tpu.memory_space<vmem>>, vector<1x16xf32>,
          %get3A_172 = vector.shape_cast %get3A_171 : vector<1x16xf32> to vector<16xf32>
          %add3A_173 = arith.addf %get3A_168, %get3A_172 : vector<16xf32>
          %max3A_174 = arith.constant 0.000000e+00 : f32
          %max3A_175 = vector.broadcast %max3A_174 : f32 to vector<16xf32>
          %max3A_176 = arith.maximumf %add3A_173, %max3A_175 : vector<16xf32>
          %swap3A_177 = arith.index_cast %scan3A_82 : i32 to index
          %swap3A_178 = arith.constant 80 : index
          %swap3A_179 = tpu.vector_load %arg13[%swap3A_177, %swap3A_178] {strides = array<i32>} : memref<80x128xf32, #tpu.memory_space<vmem>>, vector<1x16xf32>,
          %swap3A_180 = vector.shape_cast %swap3A_179 : vector<1x16xf32> to vector<16xf32>
          %swap3A_181 = vector.shape_cast %max3A_176 : vector<16xf32> to vector<1x16xf32>
          tpu.vector_store %arg13[%swap3A_177, %swap3A_178], %swap3A_181 {strides = array<i32>} : memref<80x128xf32, #tpu.memory_space<vmem>>, vector<1x16xf32>,
          %get3A_182 = arith.index_cast %scan3A_82 : i32 to index
          %get3A_183 = arith.constant 96 : index
          %get3A_184 = tpu.vector_load %arg13[%get3A_182, %get3A_183] {strides = array<i32>} : memref<80x128xf32, #tpu.memory_space<vmem>>, vector<1x16xf32>,
          %get3A_185 = vector.shape_cast %get3A_184 : vector<1x16xf32> to vector<16xf32>
          %get3A_186 = arith.index_cast %scan3A_82 : i32 to index
          %get3A_187 = arith.constant 96 : index
          %get3A_188 = tpu.vector_load %arg11[%get3A_186, %get3A_187] {strides = array<i32>} : memref<80x128xf32, #tpu.memory_space<vmem>>, vector<1x16xf32>,
          %get3A_189 = vector.shape_cast %get3A_188 : vector<1x16xf32> to vector<16xf32>
          %add3A_190 = arith.addf %get3A_185, %get3A_189 : vector<16xf32>
          %max3A_191 = arith.constant 0.000000e+00 : f32
          %max3A_192 = vector.broadcast %max3A_191 : f32 to vector<16xf32>
          %max3A_193 = arith.maximumf %add3A_190, %max3A_192 : vector<16xf32>
          %swap3A_194 = arith.index_cast %scan3A_82 : i32 to index
          %swap3A_195 = arith.constant 96 : index
          %swap3A_196 = tpu.vector_load %arg13[%swap3A_194, %swap3A_195] {strides = array<i32>} : memref<80x128xf32, #tpu.memory_space<vmem>>, vector<1x16xf32>,
          %swap3A_197 = vector.shape_cast %swap3A_196 : vector<1x16xf32> to vector<16xf32>
          %swap3A_198 = vector.shape_cast %max3A_193 : vector<16xf32> to vector<1x16xf32>
          tpu.vector_store %arg13[%swap3A_194, %swap3A_195], %swap3A_198 {strides = array<i32>} : memref<80x128xf32, #tpu.memory_space<vmem>>, vector<1x16xf32>,
          %get3A_199 = arith.index_cast %scan3A_82 : i32 to index
          %get3A_200 = arith.constant 112 : index
          %get3A_201 = tpu.vector_load %arg13[%get3A_199, %get3A_200] {strides = array<i32>} : memref<80x128xf32, #tpu.memory_space<vmem>>, vector<1x16xf32>,
          %get3A_202 = vector.shape_cast %get3A_201 : vector<1x16xf32> to vector<16xf32>
          %get3A_203 = arith.index_cast %scan3A_82 : i32 to index
          %get3A_204 = arith.constant 112 : index
          %get3A_205 = tpu.vector_load %arg11[%get3A_203, %get3A_204] {strides = array<i32>} : memref<80x128xf32, #tpu.memory_space<vmem>>, vector<1x16xf32>,
          %get3A_206 = vector.shape_cast %get3A_205 : vector<1x16xf32> to vector<16xf32>
          %add3A_207 = arith.addf %get3A_202, %get3A_206 : vector<16xf32>
          %max3A_208 = arith.constant 0.000000e+00 : f32
          %max3A_209 = vector.broadcast %max3A_208 : f32 to vector<16xf32>
          %max3A_210 = arith.maximumf %add3A_207, %max3A_209 : vector<16xf32>
          %swap3A_211 = arith.index_cast %scan3A_82 : i32 to index
          %swap3A_212 = arith.constant 112 : index
          %swap3A_213 = tpu.vector_load %arg13[%swap3A_211, %swap3A_212] {strides = array<i32>} : memref<80x128xf32, #tpu.memory_space<vmem>>, vector<1x16xf32>,
          %swap3A_214 = vector.shape_cast %swap3A_213 : vector<1x16xf32> to vector<16xf32>
          %swap3A_215 = vector.shape_cast %max3A_210 : vector<16xf32> to vector<1x16xf32>
          tpu.vector_store %arg13[%swap3A_211, %swap3A_212], %swap3A_215 {strides = array<i32>} : memref<80x128xf32, #tpu.memory_space<vmem>>, vector<1x16xf32>,
        }
        %scan3A_79 = arith.constant 80 : i32
        %mul3A_80 = arith.constant 80 : i32
        %mul3A_81 = arith.muli %add3A_24, %mul3A_80 : i32
        "tpu.region"() ({
          %run_scoped3A_82 = tpu.sem_alloc : memref<!tpu.dma_semaphore, #tpu.memory_space<semaphore_mem>>
          %dma_start3A = arith.constant 0 : i32
          %dma_start3A_83 = tpu.memref_slice %arg7[%mul3A_81, %dma_start3A] : memref<320000x128xf32, #tpu.memory_space<hbm>> -> memref<80x128xf32, #tpu.memory_space<hbm>>
          %dma_start3A_84 = arith.constant 0 : i32
          %dma_start3A_85 = tpu.memref_slice %arg7[%mul3A_81, %dma_start3A_84] : memref<320000x128xf32, #tpu.memory_space<hbm>> -> memref<80x128xf32, #tpu.memory_space<hbm>>
          tpu.enqueue_dma source(%arg13 : memref<80x128xf32, #tpu.memory_space<vmem>>) target(%dma_start3A_85 : memref<80x128xf32, #tpu.memory_space<hbm>>) target_semaphore(%run_scoped3A_82 : memref<!tpu.dma_semaphore, #tpu.memory_space<semaphore_mem>>)
          %dma_wait3A_86 = arith.constant 0 : i32
          %dma_wait3A_87 = tpu.memref_slice %arg7[%mul3A_81, %dma_wait3A_86] : memref<320000x128xf32, #tpu.memory_space<hbm>> -> memref<80x128xf32, #tpu.memory_space<hbm>>
          %dma_wait3A_88 = arith.constant 0 : i32
          %dma_wait3A_89 = tpu.memref_slice %arg7[%mul3A_81, %dma_wait3A_88] : memref<320000x128xf32, #tpu.memory_space<hbm>> -> memref<80x128xf32, #tpu.memory_space<hbm>>
          tpu.wait_dma2 semaphore(%run_scoped3A_82 : memref<!tpu.dma_semaphore, #tpu.memory_space<semaphore_mem>>) src(%arg13 : memref<80x128xf32, #tpu.memory_space<vmem>>) dst(%dma_wait3A_89 : memref<80x128xf32, #tpu.memory_space<hbm>>)
          tpu.yield
        }) : () -> ()
        %run_scoped3A = arith.constant 1 : i32
        "tpu.region"() ({
          %run_scoped3A_82 = tpu.sem_alloc : memref<!tpu.dma_semaphore, #tpu.memory_space<semaphore_mem>>
          %dma_start3A = arith.constant 0 : i32
          %dma_start3A_83 = tpu.memref_slice %arg9[%run_scoped3A, %dma_start3A] : memref<2x80xi32, #tpu.memory_space<vmem>> -> memref<1x80xi32, #tpu.memory_space<vmem>>
          %dma_start3A_84 = tpu.memref_squeeze %dma_start3A_83 : memref<1x80xi32, #tpu.memory_space<vmem>> -> memref<80xi32, #tpu.memory_space<vmem>>
          %dma_start3A_85 = arith.constant 0 : i32
          %dma_start3A_86 = arith.constant 0 : i32
          %dma_start3A_87 = tpu.memref_slice %arg8[%dma_start3A_85, %dma_start3A_86] : memref<10240x128xf32, #tpu.memory_space<vmem_shared>> -> memref<10240x128xf32, #tpu.memory_space<vmem_shared>>
          tpu.enqueue_indirect_dma source(%arg13 : memref<80x128xf32, #tpu.memory_space<vmem>>) target(%dma_start3A_87 : memref<10240x128xf32, #tpu.memory_space<vmem_shared>>) offsets(%dma_start3A_84 : memref<80xi32, #tpu.memory_space<vmem>>) semaphore(%run_scoped3A_82 : memref<!tpu.dma_semaphore, #tpu.memory_space<semaphore_mem>>) {add = true}
          %dma_wait3A_88 = arith.constant 0 : i32
          %dma_wait3A_89 = tpu.memref_slice %arg9[%run_scoped3A, %dma_wait3A_88] : memref<2x80xi32, #tpu.memory_space<vmem>> -> memref<1x80xi32, #tpu.memory_space<vmem>>
          %dma_wait3A_90 = tpu.memref_squeeze %dma_wait3A_89 : memref<1x80xi32, #tpu.memory_space<vmem>> -> memref<80xi32, #tpu.memory_space<vmem>>
          %dma_wait3A_91 = arith.constant 0 : i32
          %dma_wait3A_92 = arith.constant 0 : i32
          %dma_wait3A_93 = tpu.memref_slice %arg8[%dma_wait3A_91, %dma_wait3A_92] : memref<10240x128xf32, #tpu.memory_space<vmem_shared>> -> memref<10240x128xf32, #tpu.memory_space<vmem_shared>>
          tpu.wait_indirect_dma semaphore(%run_scoped3A_82 : memref<!tpu.dma_semaphore, #tpu.memory_space<semaphore_mem>>) src(%arg13 : memref<80x128xf32, #tpu.memory_space<vmem>>) dst(%dma_wait3A_93 : memref<10240x128xf32, #tpu.memory_space<vmem_shared>>)
          tpu.yield
        }) : () -> ()
      } else {
      }
      %mul3A_40 = arith.constant 2 : i32
      %mul3A_41 = arith.muli %scan3A_17, %mul3A_40 : i32
      %add3A_42 = arith.constant 1 : i32
      %add3A_43 = arith.addi %mul3A_41, %add3A_42 : i32
      %mul3A_44 = arith.constant 32 : i32
      %mul3A_45 = arith.muli %mul3A_44, %add3A_43 : i32
      %add3A_46 = arith.addi %add3A, %mul3A_45 : i32
      %add3A_47 = arith.constant 1 : i32
      %add3A_48 = arith.addi %add3A_43, %add3A_47 : i32
      %mul3A_49 = arith.constant 32 : i32
      %mul3A_50 = arith.muli %mul3A_49, %add3A_48 : i32
      %add3A_51 = arith.addi %add3A, %mul3A_50 : i32
      %lt3A_52 = arith.constant 4000 : i32
      %lt3A_53 = arith.cmpi slt, %add3A_51, %lt3A_52 : i32
      %convert_element_type3A_54 = arith.extui %lt3A_53 : i1 to i32
      %cond3A_55 = arith.constant 0 : i32
      %cond3A_56 = arith.cmpi ne, %convert_element_type3A_54, %cond3A_55 : i32
      scf.if %cond3A_56 {
        "tpu.region"() ({
          %run_scoped3A = tpu.sem_alloc : memref<!tpu.dma_semaphore, #tpu.memory_space<semaphore_mem>>
          %dma_start3A_74 = arith.constant 0 : i32
          %dma_start3A_75 = arith.constant 0 : i32
          %dma_start3A_76 = tpu.memref_slice %arg4[%add3A_51, %dma_start3A_74, %dma_start3A_75] : memref<4000x2x80xi32, #tpu.memory_space<hbm>> -> memref<1x2x80xi32, #tpu.memory_space<hbm>>
          %dma_start3A_77 = tpu.memref_squeeze %dma_start3A_76 : memref<1x2x80xi32, #tpu.memory_space<hbm>> -> memref<2x80xi32, #tpu.memory_space<hbm>>
          %dma_start3A_78 = arith.constant 0 : i32
          %dma_start3A_79 = arith.constant 0 : i32
          %dma_start3A_80 = tpu.memref_slice %arg4[%add3A_51, %dma_start3A_78, %dma_start3A_79] : memref<4000x2x80xi32, #tpu.memory_space<hbm>> -> memref<1x2x80xi32, #tpu.memory_space<hbm>>
          %dma_start3A_81 = tpu.memref_squeeze %dma_start3A_80 : memref<1x2x80xi32, #tpu.memory_space<hbm>> -> memref<2x80xi32, #tpu.memory_space<hbm>>
          tpu.enqueue_dma source(%dma_start3A_81 : memref<2x80xi32, #tpu.memory_space<hbm>>) target(%arg9 : memref<2x80xi32, #tpu.memory_space<vmem>>) target_semaphore(%run_scoped3A : memref<!tpu.dma_semaphore, #tpu.memory_space<semaphore_mem>>)
          %dma_wait3A = arith.constant 0 : i32
          %dma_wait3A_82 = arith.constant 0 : i32
          %dma_wait3A_83 = tpu.memref_slice %arg4[%add3A_51, %dma_wait3A, %dma_wait3A_82] : memref<4000x2x80xi32, #tpu.memory_space<hbm>> -> memref<1x2x80xi32, #tpu.memory_space<hbm>>
          %dma_wait3A_84 = tpu.memref_squeeze %dma_wait3A_83 : memref<1x2x80xi32, #tpu.memory_space<hbm>> -> memref<2x80xi32, #tpu.memory_space<hbm>>
          %dma_wait3A_85 = arith.constant 0 : i32
          %dma_wait3A_86 = arith.constant 0 : i32
          %dma_wait3A_87 = tpu.memref_slice %arg4[%add3A_51, %dma_wait3A_85, %dma_wait3A_86] : memref<4000x2x80xi32, #tpu.memory_space<hbm>> -> memref<1x2x80xi32, #tpu.memory_space<hbm>>
          %dma_wait3A_88 = tpu.memref_squeeze %dma_wait3A_87 : memref<1x2x80xi32, #tpu.memory_space<hbm>> -> memref<2x80xi32, #tpu.memory_space<hbm>>
          tpu.wait_dma2 semaphore(%run_scoped3A : memref<!tpu.dma_semaphore, #tpu.memory_space<semaphore_mem>>) src(%dma_wait3A_88 : memref<2x80xi32, #tpu.memory_space<hbm>>) dst(%arg9 : memref<2x80xi32, #tpu.memory_space<vmem>>)
          tpu.yield
        }) : () -> ()
        %mul3A_62 = arith.constant 80 : i32
        %mul3A_63 = arith.muli %add3A_51, %mul3A_62 : i32
        %dma_start3A = arith.constant 0 : i32
        %dma_start3A_64 = tpu.memref_slice %arg3[%mul3A_63, %dma_start3A] : memref<320000x128xf32, #tpu.memory_space<hbm>> -> memref<80x128xf32, #tpu.memory_space<hbm>>
        %dma_start3A_65 = arith.constant 0 : i32
        %dma_start3A_66 = tpu.memref_slice %arg3[%mul3A_63, %dma_start3A_65] : memref<320000x128xf32, #tpu.memory_space<hbm>> -> memref<80x128xf32, #tpu.memory_space<hbm>>
        tpu.enqueue_dma source(%dma_start3A_66 : memref<80x128xf32, #tpu.memory_space<hbm>>) target(%arg11 : memref<80x128xf32, #tpu.memory_space<vmem>>) target_semaphore(%arg15 : memref<!tpu.dma_semaphore, #tpu.memory_space<semaphore_mem>>)
        %dma_start3A_67 = arith.constant 0 : i32
        %dma_start3A_68 = arith.constant 0 : i32
        %dma_start3A_69 = tpu.memref_slice %arg9[%dma_start3A_67, %dma_start3A_68] : memref<2x80xi32, #tpu.memory_space<vmem>> -> memref<1x80xi32, #tpu.memory_space<vmem>>
        %dma_start3A_70 = tpu.memref_squeeze %dma_start3A_69 : memref<1x80xi32, #tpu.memory_space<vmem>> -> memref<80xi32, #tpu.memory_space<vmem>>
        %dma_start3A_71 = arith.constant 0 : i32
        %dma_start3A_72 = arith.constant 0 : i32
        %dma_start3A_73 = tpu.memref_slice %arg2[%dma_start3A_71, %dma_start3A_72] : memref<10000x128xf32, #tpu.memory_space<hbm>> -> memref<10000x128xf32, #tpu.memory_space<hbm>>
        tpu.enqueue_indirect_dma source(%dma_start3A_73 : memref<10000x128xf32, #tpu.memory_space<hbm>>) target(%arg13 : memref<80x128xf32, #tpu.memory_space<vmem>>) offsets(%dma_start3A_70 : memref<80xi32, #tpu.memory_space<vmem>>) semaphore(%arg17 : memref<!tpu.dma_semaphore, #tpu.memory_space<semaphore_mem>>)
      } else {
      }
      %lt3A_57 = arith.constant 4000 : i32
      %lt3A_58 = arith.cmpi slt, %add3A_46, %lt3A_57 : i32
      %convert_element_type3A_59 = arith.extui %lt3A_58 : i1 to i32
      %cond3A_60 = arith.constant 0 : i32
      %cond3A_61 = arith.cmpi ne, %convert_element_type3A_59, %cond3A_60 : i32
      scf.if %cond3A_61 {
        %mul3A_62 = arith.constant 80 : i32
        %mul3A_63 = arith.muli %add3A_46, %mul3A_62 : i32
        %dma_wait3A = arith.constant 0 : i32
        %dma_wait3A_64 = tpu.memref_slice %arg3[%mul3A_63, %dma_wait3A] : memref<320000x128xf32, #tpu.memory_space<hbm>> -> memref<80x128xf32, #tpu.memory_space<hbm>>
        %dma_wait3A_65 = arith.constant 0 : i32
        %dma_wait3A_66 = tpu.memref_slice %arg3[%mul3A_63, %dma_wait3A_65] : memref<320000x128xf32, #tpu.memory_space<hbm>> -> memref<80x128xf32, #tpu.memory_space<hbm>>
        tpu.wait_dma2 semaphore(%arg16 : memref<!tpu.dma_semaphore, #tpu.memory_space<semaphore_mem>>) src(%dma_wait3A_66 : memref<80x128xf32, #tpu.memory_space<hbm>>) dst(%arg12 : memref<80x128xf32, #tpu.memory_space<vmem>>)
        %dma_wait3A_67 = arith.constant 0 : i32
        %dma_wait3A_68 = arith.constant 0 : i32
        %dma_wait3A_69 = tpu.memref_slice %arg10[%dma_wait3A_67, %dma_wait3A_68] : memref<2x80xi32, #tpu.memory_space<vmem>> -> memref<1x80xi32, #tpu.memory_space<vmem>>
        %dma_wait3A_70 = tpu.memref_squeeze %dma_wait3A_69 : memref<1x80xi32, #tpu.memory_space<vmem>> -> memref<80xi32, #tpu.memory_space<vmem>>
        %dma_wait3A_71 = arith.constant 0 : i32
        %dma_wait3A_72 = arith.constant 0 : i32
        %dma_wait3A_73 = tpu.memref_slice %arg2[%dma_wait3A_71, %dma_wait3A_72] : memref<10000x128xf32, #tpu.memory_space<hbm>> -> memref<10000x128xf32, #tpu.memory_space<hbm>>
        tpu.wait_indirect_dma semaphore(%arg18 : memref<!tpu.dma_semaphore, #tpu.memory_space<semaphore_mem>>) src(%dma_wait3A_73 : memref<10000x128xf32, #tpu.memory_space<hbm>>) dst(%arg14 : memref<80x128xf32, #tpu.memory_space<vmem>>)
        %scan3A_74 = arith.constant 0 : i32
        %scan3A_75 = arith.constant 0 : i32
        %scan3A_76 = arith.constant 80 : i32
        %scan3A_77 = arith.addi %scan3A_75, %scan3A_76 : i32
        %scan3A_78 = arith.constant 1 : i32
        scf.for %scan3A_82 = %scan3A_75 to %scan3A_77 step %scan3A_78  : i32 {
          %get3A = arith.index_cast %scan3A_82 : i32 to index
          %get3A_83 = arith.constant 0 : index
          %get3A_84 = tpu.vector_load %arg14[%get3A, %get3A_83] {strides = array<i32>} : memref<80x128xf32, #tpu.memory_space<vmem>>, vector<1x16xf32>,
          %get3A_85 = vector.shape_cast %get3A_84 : vector<1x16xf32> to vector<16xf32>
          %get3A_86 = arith.index_cast %scan3A_82 : i32 to index
          %get3A_87 = arith.constant 0 : index
          %get3A_88 = tpu.vector_load %arg12[%get3A_86, %get3A_87] {strides = array<i32>} : memref<80x128xf32, #tpu.memory_space<vmem>>, vector<1x16xf32>,
          %get3A_89 = vector.shape_cast %get3A_88 : vector<1x16xf32> to vector<16xf32>
          %add3A_90 = arith.addf %get3A_85, %get3A_89 : vector<16xf32>
          %max3A = arith.constant 0.000000e+00 : f32
          %max3A_91 = vector.broadcast %max3A : f32 to vector<16xf32>
          %max3A_92 = arith.maximumf %add3A_90, %max3A_91 : vector<16xf32>
          %swap3A = arith.index_cast %scan3A_82 : i32 to index
          %swap3A_93 = arith.constant 0 : index
          %swap3A_94 = tpu.vector_load %arg14[%swap3A, %swap3A_93] {strides = array<i32>} : memref<80x128xf32, #tpu.memory_space<vmem>>, vector<1x16xf32>,
          %swap3A_95 = vector.shape_cast %swap3A_94 : vector<1x16xf32> to vector<16xf32>
          %swap3A_96 = vector.shape_cast %max3A_92 : vector<16xf32> to vector<1x16xf32>
          tpu.vector_store %arg14[%swap3A, %swap3A_93], %swap3A_96 {strides = array<i32>} : memref<80x128xf32, #tpu.memory_space<vmem>>, vector<1x16xf32>,
          %get3A_97 = arith.index_cast %scan3A_82 : i32 to index
          %get3A_98 = arith.constant 16 : index
          %get3A_99 = tpu.vector_load %arg14[%get3A_97, %get3A_98] {strides = array<i32>} : memref<80x128xf32, #tpu.memory_space<vmem>>, vector<1x16xf32>,
          %get3A_100 = vector.shape_cast %get3A_99 : vector<1x16xf32> to vector<16xf32>
          %get3A_101 = arith.index_cast %scan3A_82 : i32 to index
          %get3A_102 = arith.constant 16 : index
          %get3A_103 = tpu.vector_load %arg12[%get3A_101, %get3A_102] {strides = array<i32>} : memref<80x128xf32, #tpu.memory_space<vmem>>, vector<1x16xf32>,
          %get3A_104 = vector.shape_cast %get3A_103 : vector<1x16xf32> to vector<16xf32>
          %add3A_105 = arith.addf %get3A_100, %get3A_104 : vector<16xf32>
          %max3A_106 = arith.constant 0.000000e+00 : f32
          %max3A_107 = vector.broadcast %max3A_106 : f32 to vector<16xf32>
          %max3A_108 = arith.maximumf %add3A_105, %max3A_107 : vector<16xf32>
          %swap3A_109 = arith.index_cast %scan3A_82 : i32 to index
          %swap3A_110 = arith.constant 16 : index
          %swap3A_111 = tpu.vector_load %arg14[%swap3A_109, %swap3A_110] {strides = array<i32>} : memref<80x128xf32, #tpu.memory_space<vmem>>, vector<1x16xf32>,
          %swap3A_112 = vector.shape_cast %swap3A_111 : vector<1x16xf32> to vector<16xf32>
          %swap3A_113 = vector.shape_cast %max3A_108 : vector<16xf32> to vector<1x16xf32>
          tpu.vector_store %arg14[%swap3A_109, %swap3A_110], %swap3A_113 {strides = array<i32>} : memref<80x128xf32, #tpu.memory_space<vmem>>, vector<1x16xf32>,
          %get3A_114 = arith.index_cast %scan3A_82 : i32 to index
          %get3A_115 = arith.constant 32 : index
          %get3A_116 = tpu.vector_load %arg14[%get3A_114, %get3A_115] {strides = array<i32>} : memref<80x128xf32, #tpu.memory_space<vmem>>, vector<1x16xf32>,
          %get3A_117 = vector.shape_cast %get3A_116 : vector<1x16xf32> to vector<16xf32>
          %get3A_118 = arith.index_cast %scan3A_82 : i32 to index
          %get3A_119 = arith.constant 32 : index
          %get3A_120 = tpu.vector_load %arg12[%get3A_118, %get3A_119] {strides = array<i32>} : memref<80x128xf32, #tpu.memory_space<vmem>>, vector<1x16xf32>,
          %get3A_121 = vector.shape_cast %get3A_120 : vector<1x16xf32> to vector<16xf32>
          %add3A_122 = arith.addf %get3A_117, %get3A_121 : vector<16xf32>
          %max3A_123 = arith.constant 0.000000e+00 : f32
          %max3A_124 = vector.broadcast %max3A_123 : f32 to vector<16xf32>
          %max3A_125 = arith.maximumf %add3A_122, %max3A_124 : vector<16xf32>
          %swap3A_126 = arith.index_cast %scan3A_82 : i32 to index
          %swap3A_127 = arith.constant 32 : index
          %swap3A_128 = tpu.vector_load %arg14[%swap3A_126, %swap3A_127] {strides = array<i32>} : memref<80x128xf32, #tpu.memory_space<vmem>>, vector<1x16xf32>,
          %swap3A_129 = vector.shape_cast %swap3A_128 : vector<1x16xf32> to vector<16xf32>
          %swap3A_130 = vector.shape_cast %max3A_125 : vector<16xf32> to vector<1x16xf32>
          tpu.vector_store %arg14[%swap3A_126, %swap3A_127], %swap3A_130 {strides = array<i32>} : memref<80x128xf32, #tpu.memory_space<vmem>>, vector<1x16xf32>,
          %get3A_131 = arith.index_cast %scan3A_82 : i32 to index
          %get3A_132 = arith.constant 48 : index
          %get3A_133 = tpu.vector_load %arg14[%get3A_131, %get3A_132] {strides = array<i32>} : memref<80x128xf32, #tpu.memory_space<vmem>>, vector<1x16xf32>,
          %get3A_134 = vector.shape_cast %get3A_133 : vector<1x16xf32> to vector<16xf32>
          %get3A_135 = arith.index_cast %scan3A_82 : i32 to index
          %get3A_136 = arith.constant 48 : index
          %get3A_137 = tpu.vector_load %arg12[%get3A_135, %get3A_136] {strides = array<i32>} : memref<80x128xf32, #tpu.memory_space<vmem>>, vector<1x16xf32>,
          %get3A_138 = vector.shape_cast %get3A_137 : vector<1x16xf32> to vector<16xf32>
          %add3A_139 = arith.addf %get3A_134, %get3A_138 : vector<16xf32>
          %max3A_140 = arith.constant 0.000000e+00 : f32
          %max3A_141 = vector.broadcast %max3A_140 : f32 to vector<16xf32>
          %max3A_142 = arith.maximumf %add3A_139, %max3A_141 : vector<16xf32>
          %swap3A_143 = arith.index_cast %scan3A_82 : i32 to index
          %swap3A_144 = arith.constant 48 : index
          %swap3A_145 = tpu.vector_load %arg14[%swap3A_143, %swap3A_144] {strides = array<i32>} : memref<80x128xf32, #tpu.memory_space<vmem>>, vector<1x16xf32>,
          %swap3A_146 = vector.shape_cast %swap3A_145 : vector<1x16xf32> to vector<16xf32>
          %swap3A_147 = vector.shape_cast %max3A_142 : vector<16xf32> to vector<1x16xf32>
          tpu.vector_store %arg14[%swap3A_143, %swap3A_144], %swap3A_147 {strides = array<i32>} : memref<80x128xf32, #tpu.memory_space<vmem>>, vector<1x16xf32>,
          %get3A_148 = arith.index_cast %scan3A_82 : i32 to index
          %get3A_149 = arith.constant 64 : index
          %get3A_150 = tpu.vector_load %arg14[%get3A_148, %get3A_149] {strides = array<i32>} : memref<80x128xf32, #tpu.memory_space<vmem>>, vector<1x16xf32>,
          %get3A_151 = vector.shape_cast %get3A_150 : vector<1x16xf32> to vector<16xf32>
          %get3A_152 = arith.index_cast %scan3A_82 : i32 to index
          %get3A_153 = arith.constant 64 : index
          %get3A_154 = tpu.vector_load %arg12[%get3A_152, %get3A_153] {strides = array<i32>} : memref<80x128xf32, #tpu.memory_space<vmem>>, vector<1x16xf32>,
          %get3A_155 = vector.shape_cast %get3A_154 : vector<1x16xf32> to vector<16xf32>
          %add3A_156 = arith.addf %get3A_151, %get3A_155 : vector<16xf32>
          %max3A_157 = arith.constant 0.000000e+00 : f32
          %max3A_158 = vector.broadcast %max3A_157 : f32 to vector<16xf32>
          %max3A_159 = arith.maximumf %add3A_156, %max3A_158 : vector<16xf32>
          %swap3A_160 = arith.index_cast %scan3A_82 : i32 to index
          %swap3A_161 = arith.constant 64 : index
          %swap3A_162 = tpu.vector_load %arg14[%swap3A_160, %swap3A_161] {strides = array<i32>} : memref<80x128xf32, #tpu.memory_space<vmem>>, vector<1x16xf32>,
          %swap3A_163 = vector.shape_cast %swap3A_162 : vector<1x16xf32> to vector<16xf32>
          %swap3A_164 = vector.shape_cast %max3A_159 : vector<16xf32> to vector<1x16xf32>
          tpu.vector_store %arg14[%swap3A_160, %swap3A_161], %swap3A_164 {strides = array<i32>} : memref<80x128xf32, #tpu.memory_space<vmem>>, vector<1x16xf32>,
          %get3A_165 = arith.index_cast %scan3A_82 : i32 to index
          %get3A_166 = arith.constant 80 : index
          %get3A_167 = tpu.vector_load %arg14[%get3A_165, %get3A_166] {strides = array<i32>} : memref<80x128xf32, #tpu.memory_space<vmem>>, vector<1x16xf32>,
          %get3A_168 = vector.shape_cast %get3A_167 : vector<1x16xf32> to vector<16xf32>
          %get3A_169 = arith.index_cast %scan3A_82 : i32 to index
          %get3A_170 = arith.constant 80 : index
          %get3A_171 = tpu.vector_load %arg12[%get3A_169, %get3A_170] {strides = array<i32>} : memref<80x128xf32, #tpu.memory_space<vmem>>, vector<1x16xf32>,
          %get3A_172 = vector.shape_cast %get3A_171 : vector<1x16xf32> to vector<16xf32>
          %add3A_173 = arith.addf %get3A_168, %get3A_172 : vector<16xf32>
          %max3A_174 = arith.constant 0.000000e+00 : f32
          %max3A_175 = vector.broadcast %max3A_174 : f32 to vector<16xf32>
          %max3A_176 = arith.maximumf %add3A_173, %max3A_175 : vector<16xf32>
          %swap3A_177 = arith.index_cast %scan3A_82 : i32 to index
          %swap3A_178 = arith.constant 80 : index
          %swap3A_179 = tpu.vector_load %arg14[%swap3A_177, %swap3A_178] {strides = array<i32>} : memref<80x128xf32, #tpu.memory_space<vmem>>, vector<1x16xf32>,
          %swap3A_180 = vector.shape_cast %swap3A_179 : vector<1x16xf32> to vector<16xf32>
          %swap3A_181 = vector.shape_cast %max3A_176 : vector<16xf32> to vector<1x16xf32>
          tpu.vector_store %arg14[%swap3A_177, %swap3A_178], %swap3A_181 {strides = array<i32>} : memref<80x128xf32, #tpu.memory_space<vmem>>, vector<1x16xf32>,
          %get3A_182 = arith.index_cast %scan3A_82 : i32 to index
          %get3A_183 = arith.constant 96 : index
          %get3A_184 = tpu.vector_load %arg14[%get3A_182, %get3A_183] {strides = array<i32>} : memref<80x128xf32, #tpu.memory_space<vmem>>, vector<1x16xf32>,
          %get3A_185 = vector.shape_cast %get3A_184 : vector<1x16xf32> to vector<16xf32>
          %get3A_186 = arith.index_cast %scan3A_82 : i32 to index
          %get3A_187 = arith.constant 96 : index
          %get3A_188 = tpu.vector_load %arg12[%get3A_186, %get3A_187] {strides = array<i32>} : memref<80x128xf32, #tpu.memory_space<vmem>>, vector<1x16xf32>,
          %get3A_189 = vector.shape_cast %get3A_188 : vector<1x16xf32> to vector<16xf32>
          %add3A_190 = arith.addf %get3A_185, %get3A_189 : vector<16xf32>
          %max3A_191 = arith.constant 0.000000e+00 : f32
          %max3A_192 = vector.broadcast %max3A_191 : f32 to vector<16xf32>
          %max3A_193 = arith.maximumf %add3A_190, %max3A_192 : vector<16xf32>
          %swap3A_194 = arith.index_cast %scan3A_82 : i32 to index
          %swap3A_195 = arith.constant 96 : index
          %swap3A_196 = tpu.vector_load %arg14[%swap3A_194, %swap3A_195] {strides = array<i32>} : memref<80x128xf32, #tpu.memory_space<vmem>>, vector<1x16xf32>,
          %swap3A_197 = vector.shape_cast %swap3A_196 : vector<1x16xf32> to vector<16xf32>
          %swap3A_198 = vector.shape_cast %max3A_193 : vector<16xf32> to vector<1x16xf32>
          tpu.vector_store %arg14[%swap3A_194, %swap3A_195], %swap3A_198 {strides = array<i32>} : memref<80x128xf32, #tpu.memory_space<vmem>>, vector<1x16xf32>,
          %get3A_199 = arith.index_cast %scan3A_82 : i32 to index
          %get3A_200 = arith.constant 112 : index
          %get3A_201 = tpu.vector_load %arg14[%get3A_199, %get3A_200] {strides = array<i32>} : memref<80x128xf32, #tpu.memory_space<vmem>>, vector<1x16xf32>,
          %get3A_202 = vector.shape_cast %get3A_201 : vector<1x16xf32> to vector<16xf32>
          %get3A_203 = arith.index_cast %scan3A_82 : i32 to index
          %get3A_204 = arith.constant 112 : index
          %get3A_205 = tpu.vector_load %arg12[%get3A_203, %get3A_204] {strides = array<i32>} : memref<80x128xf32, #tpu.memory_space<vmem>>, vector<1x16xf32>,
          %get3A_206 = vector.shape_cast %get3A_205 : vector<1x16xf32> to vector<16xf32>
          %add3A_207 = arith.addf %get3A_202, %get3A_206 : vector<16xf32>
          %max3A_208 = arith.constant 0.000000e+00 : f32
          %max3A_209 = vector.broadcast %max3A_208 : f32 to vector<16xf32>
          %max3A_210 = arith.maximumf %add3A_207, %max3A_209 : vector<16xf32>
          %swap3A_211 = arith.index_cast %scan3A_82 : i32 to index
          %swap3A_212 = arith.constant 112 : index
          %swap3A_213 = tpu.vector_load %arg14[%swap3A_211, %swap3A_212] {strides = array<i32>} : memref<80x128xf32, #tpu.memory_space<vmem>>, vector<1x16xf32>,
          %swap3A_214 = vector.shape_cast %swap3A_213 : vector<1x16xf32> to vector<16xf32>
          %swap3A_215 = vector.shape_cast %max3A_210 : vector<16xf32> to vector<1x16xf32>
          tpu.vector_store %arg14[%swap3A_211, %swap3A_212], %swap3A_215 {strides = array<i32>} : memref<80x128xf32, #tpu.memory_space<vmem>>, vector<1x16xf32>,
        }
        %scan3A_79 = arith.constant 80 : i32
        %mul3A_80 = arith.constant 80 : i32
        %mul3A_81 = arith.muli %add3A_46, %mul3A_80 : i32
        "tpu.region"() ({
          %run_scoped3A_82 = tpu.sem_alloc : memref<!tpu.dma_semaphore, #tpu.memory_space<semaphore_mem>>
          %dma_start3A = arith.constant 0 : i32
          %dma_start3A_83 = tpu.memref_slice %arg7[%mul3A_81, %dma_start3A] : memref<320000x128xf32, #tpu.memory_space<hbm>> -> memref<80x128xf32, #tpu.memory_space<hbm>>
          %dma_start3A_84 = arith.constant 0 : i32
          %dma_start3A_85 = tpu.memref_slice %arg7[%mul3A_81, %dma_start3A_84] : memref<320000x128xf32, #tpu.memory_space<hbm>> -> memref<80x128xf32, #tpu.memory_space<hbm>>
          tpu.enqueue_dma source(%arg14 : memref<80x128xf32, #tpu.memory_space<vmem>>) target(%dma_start3A_85 : memref<80x128xf32, #tpu.memory_space<hbm>>) target_semaphore(%run_scoped3A_82 : memref<!tpu.dma_semaphore, #tpu.memory_space<semaphore_mem>>)
          %dma_wait3A_86 = arith.constant 0 : i32
          %dma_wait3A_87 = tpu.memref_slice %arg7[%mul3A_81, %dma_wait3A_86] : memref<320000x128xf32, #tpu.memory_space<hbm>> -> memref<80x128xf32, #tpu.memory_space<hbm>>
          %dma_wait3A_88 = arith.constant 0 : i32
          %dma_wait3A_89 = tpu.memref_slice %arg7[%mul3A_81, %dma_wait3A_88] : memref<320000x128xf32, #tpu.memory_space<hbm>> -> memref<80x128xf32, #tpu.memory_space<hbm>>
          tpu.wait_dma2 semaphore(%run_scoped3A_82 : memref<!tpu.dma_semaphore, #tpu.memory_space<semaphore_mem>>) src(%arg14 : memref<80x128xf32, #tpu.memory_space<vmem>>) dst(%dma_wait3A_89 : memref<80x128xf32, #tpu.memory_space<hbm>>)
          tpu.yield
        }) : () -> ()
        %run_scoped3A = arith.constant 1 : i32
        "tpu.region"() ({
          %run_scoped3A_82 = tpu.sem_alloc : memref<!tpu.dma_semaphore, #tpu.memory_space<semaphore_mem>>
          %dma_start3A = arith.constant 0 : i32
          %dma_start3A_83 = tpu.memref_slice %arg10[%run_scoped3A, %dma_start3A] : memref<2x80xi32, #tpu.memory_space<vmem>> -> memref<1x80xi32, #tpu.memory_space<vmem>>
          %dma_start3A_84 = tpu.memref_squeeze %dma_start3A_83 : memref<1x80xi32, #tpu.memory_space<vmem>> -> memref<80xi32, #tpu.memory_space<vmem>>
          %dma_start3A_85 = arith.constant 0 : i32
          %dma_start3A_86 = arith.constant 0 : i32
          %dma_start3A_87 = tpu.memref_slice %arg8[%dma_start3A_85, %dma_start3A_86] : memref<10240x128xf32, #tpu.memory_space<vmem_shared>> -> memref<10240x128xf32, #tpu.memory_space<vmem_shared>>
          tpu.enqueue_indirect_dma source(%arg14 : memref<80x128xf32, #tpu.memory_space<vmem>>) target(%dma_start3A_87 : memref<10240x128xf32, #tpu.memory_space<vmem_shared>>) offsets(%dma_start3A_84 : memref<80xi32, #tpu.memory_space<vmem>>) semaphore(%run_scoped3A_82 : memref<!tpu.dma_semaphore, #tpu.memory_space<semaphore_mem>>) {add = true}
          %dma_wait3A_88 = arith.constant 0 : i32
          %dma_wait3A_89 = tpu.memref_slice %arg10[%run_scoped3A, %dma_wait3A_88] : memref<2x80xi32, #tpu.memory_space<vmem>> -> memref<1x80xi32, #tpu.memory_space<vmem>>
          %dma_wait3A_90 = tpu.memref_squeeze %dma_wait3A_89 : memref<1x80xi32, #tpu.memory_space<vmem>> -> memref<80xi32, #tpu.memory_space<vmem>>
          %dma_wait3A_91 = arith.constant 0 : i32
          %dma_wait3A_92 = arith.constant 0 : i32
          %dma_wait3A_93 = tpu.memref_slice %arg8[%dma_wait3A_91, %dma_wait3A_92] : memref<10240x128xf32, #tpu.memory_space<vmem_shared>> -> memref<10240x128xf32, #tpu.memory_space<vmem_shared>>
          tpu.wait_indirect_dma semaphore(%run_scoped3A_82 : memref<!tpu.dma_semaphore, #tpu.memory_space<semaphore_mem>>) src(%arg14 : memref<80x128xf32, #tpu.memory_space<vmem>>) dst(%dma_wait3A_93 : memref<10240x128xf32, #tpu.memory_space<vmem_shared>>)
          tpu.yield
        }) : () -> ()
      } else {
      }
    }
    %scan3A_11 = arith.constant 63 : i32
    %barrier3A_12 = arith.constant 0 : index
    tpu.barrier barrier_id(%barrier3A_12)
    %mul3A_13 = arith.constant 640 : i32
    %mul3A_14 = arith.muli %arg1, %mul3A_13 : i32
    %mul3A_15 = arith.constant 640 : i32
    %mul3A_16 = arith.muli %arg1, %mul3A_15 : i32
    "tpu.region"() ({
      %run_scoped3A = tpu.sem_alloc : memref<!tpu.dma_semaphore, #tpu.memory_space<semaphore_mem>>
      %dma_start3A = arith.constant 0 : i32
      %dma_start3A_17 = tpu.memref_slice %arg6[%arg0, %mul3A_16, %dma_start3A] : memref<2x10240x128xf32, #tpu.memory_space<hbm>> -> memref<1x640x128xf32, #tpu.memory_space<hbm>>
      %dma_start3A_18 = tpu.memref_squeeze %dma_start3A_17 : memref<1x640x128xf32, #tpu.memory_space<hbm>> -> memref<640x128xf32, #tpu.memory_space<hbm>>
      %dma_start3A_19 = arith.constant 0 : i32
      %dma_start3A_20 = tpu.memref_slice %arg8[%mul3A_14, %dma_start3A_19] : memref<10240x128xf32, #tpu.memory_space<vmem_shared>> -> memref<640x128xf32, #tpu.memory_space<vmem_shared>>
      tpu.enqueue_dma source(%dma_start3A_20 : memref<640x128xf32, #tpu.memory_space<vmem_shared>>) target(%dma_start3A_18 : memref<640x128xf32, #tpu.memory_space<hbm>>) target_semaphore(%run_scoped3A : memref<!tpu.dma_semaphore, #tpu.memory_space<semaphore_mem>>)
      %dma_wait3A = arith.constant 0 : i32
      %dma_wait3A_21 = tpu.memref_slice %arg6[%arg0, %mul3A_16, %dma_wait3A] : memref<2x10240x128xf32, #tpu.memory_space<hbm>> -> memref<1x640x128xf32, #tpu.memory_space<hbm>>
      %dma_wait3A_22 = tpu.memref_squeeze %dma_wait3A_21 : memref<1x640x128xf32, #tpu.memory_space<hbm>> -> memref<640x128xf32, #tpu.memory_space<hbm>>
      %dma_wait3A_23 = arith.constant 0 : i32
      %dma_wait3A_24 = tpu.memref_slice %arg8[%mul3A_14, %dma_wait3A_23] : memref<10240x128xf32, #tpu.memory_space<vmem_shared>> -> memref<640x128xf32, #tpu.memory_space<vmem_shared>>
      tpu.wait_dma2 semaphore(%run_scoped3A : memref<!tpu.dma_semaphore, #tpu.memory_space<semaphore_mem>>) src(%dma_wait3A_24 : memref<640x128xf32, #tpu.memory_space<vmem_shared>>) dst(%dma_wait3A_22 : memref<640x128xf32, #tpu.memory_space<hbm>>)
      tpu.yield
    }) : () -> ()
    return
  }
}

#map = affine_map<(d0, d1) -> (0, 0)>
#map1 = affine_map<(d0, d1) -> (0, 0, 0)>
module attributes {stable_mosaic.version = 14 : i64} {
  func.func @_sweep_body(%arg0: i32, %arg1: i32, %arg2: memref<10240x128xf32, #tpu.memory_space<hbm>>, %arg3: memref<320000x128xf32, #tpu.memory_space<hbm>>, %arg4: memref<4000x2x80xi32, #tpu.memory_space<hbm>>, %arg5: memref<640x128xf32, #tpu.memory_space<hbm>>, %arg6: memref<2x10240x128xf32, #tpu.memory_space<hbm>>, %arg7: memref<10240x128xf32, #tpu.memory_space<vmem_shared>>, %arg8: memref<2x80xi32, #tpu.memory_space<vmem>>, %arg9: memref<2x80xi32, #tpu.memory_space<vmem>>, %arg10: memref<80x128xf32, #tpu.memory_space<vmem>>, %arg11: memref<80x128xf32, #tpu.memory_space<vmem>>, %arg12: memref<80x128xf32, #tpu.memory_space<vmem>>, %arg13: memref<80x128xf32, #tpu.memory_space<vmem>>, %arg14: memref<!tpu.dma_semaphore, #tpu.memory_space<semaphore_mem>>, %arg15: memref<!tpu.dma_semaphore, #tpu.memory_space<semaphore_mem>>, %arg16: memref<!tpu.dma_semaphore, #tpu.memory_space<semaphore_mem>>, %arg17: memref<!tpu.dma_semaphore, #tpu.memory_space<semaphore_mem>>) attributes {dimension_semantics = [#tpu.dimension_semantics<core_parallel>, #tpu.dimension_semantics<subcore_parallel>], iteration_bounds = array<i64: 2, 16>, scalar_prefetch = 0 : i64, scratch_operands = 11 : i64, tpu.core_type = #tpu.core_type<sc_vector_subcore>, window_params = [{transform_indices = #map}, {transform_indices = #map}, {transform_indices = #map1}, {transform_indices = #map}, {transform_indices = #map1}]} {
    %mul3A = arith.constant 2 : i32
    %mul3A_0 = arith.muli %arg1, %mul3A : i32
    %add3A = arith.addi %mul3A_0, %arg0 : i32
    %mul3A_1 = arith.constant 640 : i32
    %mul3A_2 = arith.muli %arg1, %mul3A_1 : i32
    "tpu.region"() ({
      %run_scoped3A = tpu.sem_alloc : memref<!tpu.dma_semaphore, #tpu.memory_space<semaphore_mem>>
      %dma_start3A = arith.constant 0 : i32
      %dma_start3A_17 = tpu.memref_slice %arg7[%mul3A_2, %dma_start3A] : memref<10240x128xf32, #tpu.memory_space<vmem_shared>> -> memref<640x128xf32, #tpu.memory_space<vmem_shared>>
      tpu.enqueue_dma source(%arg5 : memref<640x128xf32, #tpu.memory_space<hbm>>) target(%dma_start3A_17 : memref<640x128xf32, #tpu.memory_space<vmem_shared>>) target_semaphore(%run_scoped3A : memref<!tpu.dma_semaphore, #tpu.memory_space<semaphore_mem>>)
      %dma_wait3A = arith.constant 0 : i32
      %dma_wait3A_18 = tpu.memref_slice %arg7[%mul3A_2, %dma_wait3A] : memref<10240x128xf32, #tpu.memory_space<vmem_shared>> -> memref<640x128xf32, #tpu.memory_space<vmem_shared>>
      tpu.wait_dma2 semaphore(%run_scoped3A : memref<!tpu.dma_semaphore, #tpu.memory_space<semaphore_mem>>) src(%arg5 : memref<640x128xf32, #tpu.memory_space<hbm>>) dst(%dma_wait3A_18 : memref<640x128xf32, #tpu.memory_space<vmem_shared>>)
      tpu.yield
    }) : () -> ()
    %barrier3A = arith.constant 0 : index
    tpu.barrier barrier_id(%barrier3A)
    %add3A_3 = arith.constant 0 : i32
    %add3A_4 = arith.addi %add3A, %add3A_3 : i32
    %lt3A = arith.constant 4000 : i32
    %lt3A_5 = arith.cmpi slt, %add3A_4, %lt3A : i32
    %convert_element_type3A = arith.extui %lt3A_5 : i1 to i32
    %cond3A = arith.constant 0 : i32
    %cond3A_6 = arith.cmpi ne, %convert_element_type3A, %cond3A : i32
    scf.if %cond3A_6 {
      "tpu.region"() ({
        %run_scoped3A = tpu.sem_alloc : memref<!tpu.dma_semaphore, #tpu.memory_space<semaphore_mem>>
        %dma_start3A_29 = arith.constant 0 : i32
        %dma_start3A_30 = arith.constant 0 : i32
        %dma_start3A_31 = tpu.memref_slice %arg4[%add3A_4, %dma_start3A_29, %dma_start3A_30] : memref<4000x2x80xi32, #tpu.memory_space<hbm>> -> memref<1x2x80xi32, #tpu.memory_space<hbm>>
        %dma_start3A_32 = tpu.memref_squeeze %dma_start3A_31 : memref<1x2x80xi32, #tpu.memory_space<hbm>> -> memref<2x80xi32, #tpu.memory_space<hbm>>
        %dma_start3A_33 = arith.constant 0 : i32
        %dma_start3A_34 = arith.constant 0 : i32
        %dma_start3A_35 = tpu.memref_slice %arg4[%add3A_4, %dma_start3A_33, %dma_start3A_34] : memref<4000x2x80xi32, #tpu.memory_space<hbm>> -> memref<1x2x80xi32, #tpu.memory_space<hbm>>
        %dma_start3A_36 = tpu.memref_squeeze %dma_start3A_35 : memref<1x2x80xi32, #tpu.memory_space<hbm>> -> memref<2x80xi32, #tpu.memory_space<hbm>>
        tpu.enqueue_dma source(%dma_start3A_36 : memref<2x80xi32, #tpu.memory_space<hbm>>) target(%arg8 : memref<2x80xi32, #tpu.memory_space<vmem>>) target_semaphore(%run_scoped3A : memref<!tpu.dma_semaphore, #tpu.memory_space<semaphore_mem>>)
        %dma_wait3A = arith.constant 0 : i32
        %dma_wait3A_37 = arith.constant 0 : i32
        %dma_wait3A_38 = tpu.memref_slice %arg4[%add3A_4, %dma_wait3A, %dma_wait3A_37] : memref<4000x2x80xi32, #tpu.memory_space<hbm>> -> memref<1x2x80xi32, #tpu.memory_space<hbm>>
        %dma_wait3A_39 = tpu.memref_squeeze %dma_wait3A_38 : memref<1x2x80xi32, #tpu.memory_space<hbm>> -> memref<2x80xi32, #tpu.memory_space<hbm>>
        %dma_wait3A_40 = arith.constant 0 : i32
        %dma_wait3A_41 = arith.constant 0 : i32
        %dma_wait3A_42 = tpu.memref_slice %arg4[%add3A_4, %dma_wait3A_40, %dma_wait3A_41] : memref<4000x2x80xi32, #tpu.memory_space<hbm>> -> memref<1x2x80xi32, #tpu.memory_space<hbm>>
        %dma_wait3A_43 = tpu.memref_squeeze %dma_wait3A_42 : memref<1x2x80xi32, #tpu.memory_space<hbm>> -> memref<2x80xi32, #tpu.memory_space<hbm>>
        tpu.wait_dma2 semaphore(%run_scoped3A : memref<!tpu.dma_semaphore, #tpu.memory_space<semaphore_mem>>) src(%dma_wait3A_43 : memref<2x80xi32, #tpu.memory_space<hbm>>) dst(%arg8 : memref<2x80xi32, #tpu.memory_space<vmem>>)
        tpu.yield
      }) : () -> ()
      %mul3A_17 = arith.constant 80 : i32
      %mul3A_18 = arith.muli %add3A_4, %mul3A_17 : i32
      %dma_start3A = arith.constant 0 : i32
      %dma_start3A_19 = tpu.memref_slice %arg3[%mul3A_18, %dma_start3A] : memref<320000x128xf32, #tpu.memory_space<hbm>> -> memref<80x128xf32, #tpu.memory_space<hbm>>
      %dma_start3A_20 = arith.constant 0 : i32
      %dma_start3A_21 = tpu.memref_slice %arg3[%mul3A_18, %dma_start3A_20] : memref<320000x128xf32, #tpu.memory_space<hbm>> -> memref<80x128xf32, #tpu.memory_space<hbm>>
      tpu.enqueue_dma source(%dma_start3A_21 : memref<80x128xf32, #tpu.memory_space<hbm>>) target(%arg10 : memref<80x128xf32, #tpu.memory_space<vmem>>) target_semaphore(%arg14 : memref<!tpu.dma_semaphore, #tpu.memory_space<semaphore_mem>>)
      %dma_start3A_22 = arith.constant 0 : i32
      %dma_start3A_23 = arith.constant 0 : i32
      %dma_start3A_24 = tpu.memref_slice %arg8[%dma_start3A_22, %dma_start3A_23] : memref<2x80xi32, #tpu.memory_space<vmem>> -> memref<1x80xi32, #tpu.memory_space<vmem>>
      %dma_start3A_25 = tpu.memref_squeeze %dma_start3A_24 : memref<1x80xi32, #tpu.memory_space<vmem>> -> memref<80xi32, #tpu.memory_space<vmem>>
      %dma_start3A_26 = arith.constant 0 : i32
      %dma_start3A_27 = arith.constant 0 : i32
      %dma_start3A_28 = tpu.memref_slice %arg2[%dma_start3A_26, %dma_start3A_27] : memref<10240x128xf32, #tpu.memory_space<hbm>> -> memref<10240x128xf32, #tpu.memory_space<hbm>>
      tpu.enqueue_indirect_dma source(%dma_start3A_28 : memref<10240x128xf32, #tpu.memory_space<hbm>>) target(%arg12 : memref<80x128xf32, #tpu.memory_space<vmem>>) offsets(%dma_start3A_25 : memref<80xi32, #tpu.memory_space<vmem>>) semaphore(%arg16 : memref<!tpu.dma_semaphore, #tpu.memory_space<semaphore_mem>>)
    } else {
    }
    %scan3A = arith.constant 0 : i32
    %scan3A_7 = arith.constant 0 : i32
    %scan3A_8 = arith.constant 63 : i32
    %scan3A_9 = arith.addi %scan3A_7, %scan3A_8 : i32
    %scan3A_10 = arith.constant 1 : i32
    scf.for %scan3A_17 = %scan3A_7 to %scan3A_9 step %scan3A_10  : i32 {
      %mul3A_18 = arith.constant 2 : i32
      %mul3A_19 = arith.muli %scan3A_17, %mul3A_18 : i32
      %add3A_20 = arith.constant 0 : i32
      %add3A_21 = arith.addi %mul3A_19, %add3A_20 : i32
      %mul3A_22 = arith.constant 32 : i32
      %mul3A_23 = arith.muli %mul3A_22, %add3A_21 : i32
      %add3A_24 = arith.addi %add3A, %mul3A_23 : i32
      %add3A_25 = arith.constant 1 : i32
      %add3A_26 = arith.addi %add3A_21, %add3A_25 : i32
      %mul3A_27 = arith.constant 32 : i32
      %mul3A_28 = arith.muli %mul3A_27, %add3A_26 : i32
      %add3A_29 = arith.addi %add3A, %mul3A_28 : i32
      %lt3A_30 = arith.constant 4000 : i32
      %lt3A_31 = arith.cmpi slt, %add3A_29, %lt3A_30 : i32
      %convert_element_type3A_32 = arith.extui %lt3A_31 : i1 to i32
      %cond3A_33 = arith.constant 0 : i32
      %cond3A_34 = arith.cmpi ne, %convert_element_type3A_32, %cond3A_33 : i32
      scf.if %cond3A_34 {
        "tpu.region"() ({
          %run_scoped3A = tpu.sem_alloc : memref<!tpu.dma_semaphore, #tpu.memory_space<semaphore_mem>>
          %dma_start3A_74 = arith.constant 0 : i32
          %dma_start3A_75 = arith.constant 0 : i32
          %dma_start3A_76 = tpu.memref_slice %arg4[%add3A_29, %dma_start3A_74, %dma_start3A_75] : memref<4000x2x80xi32, #tpu.memory_space<hbm>> -> memref<1x2x80xi32, #tpu.memory_space<hbm>>
          %dma_start3A_77 = tpu.memref_squeeze %dma_start3A_76 : memref<1x2x80xi32, #tpu.memory_space<hbm>> -> memref<2x80xi32, #tpu.memory_space<hbm>>
          %dma_start3A_78 = arith.constant 0 : i32
          %dma_start3A_79 = arith.constant 0 : i32
          %dma_start3A_80 = tpu.memref_slice %arg4[%add3A_29, %dma_start3A_78, %dma_start3A_79] : memref<4000x2x80xi32, #tpu.memory_space<hbm>> -> memref<1x2x80xi32, #tpu.memory_space<hbm>>
          %dma_start3A_81 = tpu.memref_squeeze %dma_start3A_80 : memref<1x2x80xi32, #tpu.memory_space<hbm>> -> memref<2x80xi32, #tpu.memory_space<hbm>>
          tpu.enqueue_dma source(%dma_start3A_81 : memref<2x80xi32, #tpu.memory_space<hbm>>) target(%arg9 : memref<2x80xi32, #tpu.memory_space<vmem>>) target_semaphore(%run_scoped3A : memref<!tpu.dma_semaphore, #tpu.memory_space<semaphore_mem>>)
          %dma_wait3A = arith.constant 0 : i32
          %dma_wait3A_82 = arith.constant 0 : i32
          %dma_wait3A_83 = tpu.memref_slice %arg4[%add3A_29, %dma_wait3A, %dma_wait3A_82] : memref<4000x2x80xi32, #tpu.memory_space<hbm>> -> memref<1x2x80xi32, #tpu.memory_space<hbm>>
          %dma_wait3A_84 = tpu.memref_squeeze %dma_wait3A_83 : memref<1x2x80xi32, #tpu.memory_space<hbm>> -> memref<2x80xi32, #tpu.memory_space<hbm>>
          %dma_wait3A_85 = arith.constant 0 : i32
          %dma_wait3A_86 = arith.constant 0 : i32
          %dma_wait3A_87 = tpu.memref_slice %arg4[%add3A_29, %dma_wait3A_85, %dma_wait3A_86] : memref<4000x2x80xi32, #tpu.memory_space<hbm>> -> memref<1x2x80xi32, #tpu.memory_space<hbm>>
          %dma_wait3A_88 = tpu.memref_squeeze %dma_wait3A_87 : memref<1x2x80xi32, #tpu.memory_space<hbm>> -> memref<2x80xi32, #tpu.memory_space<hbm>>
          tpu.wait_dma2 semaphore(%run_scoped3A : memref<!tpu.dma_semaphore, #tpu.memory_space<semaphore_mem>>) src(%dma_wait3A_88 : memref<2x80xi32, #tpu.memory_space<hbm>>) dst(%arg9 : memref<2x80xi32, #tpu.memory_space<vmem>>)
          tpu.yield
        }) : () -> ()
        %mul3A_62 = arith.constant 80 : i32
        %mul3A_63 = arith.muli %add3A_29, %mul3A_62 : i32
        %dma_start3A = arith.constant 0 : i32
        %dma_start3A_64 = tpu.memref_slice %arg3[%mul3A_63, %dma_start3A] : memref<320000x128xf32, #tpu.memory_space<hbm>> -> memref<80x128xf32, #tpu.memory_space<hbm>>
        %dma_start3A_65 = arith.constant 0 : i32
        %dma_start3A_66 = tpu.memref_slice %arg3[%mul3A_63, %dma_start3A_65] : memref<320000x128xf32, #tpu.memory_space<hbm>> -> memref<80x128xf32, #tpu.memory_space<hbm>>
        tpu.enqueue_dma source(%dma_start3A_66 : memref<80x128xf32, #tpu.memory_space<hbm>>) target(%arg11 : memref<80x128xf32, #tpu.memory_space<vmem>>) target_semaphore(%arg15 : memref<!tpu.dma_semaphore, #tpu.memory_space<semaphore_mem>>)
        %dma_start3A_67 = arith.constant 0 : i32
        %dma_start3A_68 = arith.constant 0 : i32
        %dma_start3A_69 = tpu.memref_slice %arg9[%dma_start3A_67, %dma_start3A_68] : memref<2x80xi32, #tpu.memory_space<vmem>> -> memref<1x80xi32, #tpu.memory_space<vmem>>
        %dma_start3A_70 = tpu.memref_squeeze %dma_start3A_69 : memref<1x80xi32, #tpu.memory_space<vmem>> -> memref<80xi32, #tpu.memory_space<vmem>>
        %dma_start3A_71 = arith.constant 0 : i32
        %dma_start3A_72 = arith.constant 0 : i32
        %dma_start3A_73 = tpu.memref_slice %arg2[%dma_start3A_71, %dma_start3A_72] : memref<10240x128xf32, #tpu.memory_space<hbm>> -> memref<10240x128xf32, #tpu.memory_space<hbm>>
        tpu.enqueue_indirect_dma source(%dma_start3A_73 : memref<10240x128xf32, #tpu.memory_space<hbm>>) target(%arg13 : memref<80x128xf32, #tpu.memory_space<vmem>>) offsets(%dma_start3A_70 : memref<80xi32, #tpu.memory_space<vmem>>) semaphore(%arg17 : memref<!tpu.dma_semaphore, #tpu.memory_space<semaphore_mem>>)
      } else {
      }
      %lt3A_35 = arith.constant 4000 : i32
      %lt3A_36 = arith.cmpi slt, %add3A_24, %lt3A_35 : i32
      %convert_element_type3A_37 = arith.extui %lt3A_36 : i1 to i32
      %cond3A_38 = arith.constant 0 : i32
      %cond3A_39 = arith.cmpi ne, %convert_element_type3A_37, %cond3A_38 : i32
      scf.if %cond3A_39 {
        %mul3A_62 = arith.constant 80 : i32
        %mul3A_63 = arith.muli %add3A_24, %mul3A_62 : i32
        %dma_wait3A = arith.constant 0 : i32
        %dma_wait3A_64 = tpu.memref_slice %arg3[%mul3A_63, %dma_wait3A] : memref<320000x128xf32, #tpu.memory_space<hbm>> -> memref<80x128xf32, #tpu.memory_space<hbm>>
        %dma_wait3A_65 = arith.constant 0 : i32
        %dma_wait3A_66 = tpu.memref_slice %arg3[%mul3A_63, %dma_wait3A_65] : memref<320000x128xf32, #tpu.memory_space<hbm>> -> memref<80x128xf32, #tpu.memory_space<hbm>>
        tpu.wait_dma2 semaphore(%arg14 : memref<!tpu.dma_semaphore, #tpu.memory_space<semaphore_mem>>) src(%dma_wait3A_66 : memref<80x128xf32, #tpu.memory_space<hbm>>) dst(%arg10 : memref<80x128xf32, #tpu.memory_space<vmem>>)
        %dma_wait3A_67 = arith.constant 0 : i32
        %dma_wait3A_68 = arith.constant 0 : i32
        %dma_wait3A_69 = tpu.memref_slice %arg8[%dma_wait3A_67, %dma_wait3A_68] : memref<2x80xi32, #tpu.memory_space<vmem>> -> memref<1x80xi32, #tpu.memory_space<vmem>>
        %dma_wait3A_70 = tpu.memref_squeeze %dma_wait3A_69 : memref<1x80xi32, #tpu.memory_space<vmem>> -> memref<80xi32, #tpu.memory_space<vmem>>
        %dma_wait3A_71 = arith.constant 0 : i32
        %dma_wait3A_72 = arith.constant 0 : i32
        %dma_wait3A_73 = tpu.memref_slice %arg2[%dma_wait3A_71, %dma_wait3A_72] : memref<10240x128xf32, #tpu.memory_space<hbm>> -> memref<10240x128xf32, #tpu.memory_space<hbm>>
        tpu.wait_indirect_dma semaphore(%arg16 : memref<!tpu.dma_semaphore, #tpu.memory_space<semaphore_mem>>) src(%dma_wait3A_73 : memref<10240x128xf32, #tpu.memory_space<hbm>>) dst(%arg12 : memref<80x128xf32, #tpu.memory_space<vmem>>)
        %scan3A_74 = arith.constant 0 : i32
        %scan3A_75 = arith.constant 0 : i32
        %scan3A_76 = arith.constant 80 : i32
        %scan3A_77 = arith.addi %scan3A_75, %scan3A_76 : i32
        %scan3A_78 = arith.constant 1 : i32
        scf.for %scan3A_80 = %scan3A_75 to %scan3A_77 step %scan3A_78  : i32 {
          %get3A = arith.index_cast %scan3A_80 : i32 to index
          %get3A_81 = arith.constant 0 : index
          %get3A_82 = tpu.vector_load %arg12[%get3A, %get3A_81] {strides = array<i32>} : memref<80x128xf32, #tpu.memory_space<vmem>>, vector<1x16xf32>,
          %get3A_83 = vector.shape_cast %get3A_82 : vector<1x16xf32> to vector<16xf32>
          %get3A_84 = arith.index_cast %scan3A_80 : i32 to index
          %get3A_85 = arith.constant 0 : index
          %get3A_86 = tpu.vector_load %arg10[%get3A_84, %get3A_85] {strides = array<i32>} : memref<80x128xf32, #tpu.memory_space<vmem>>, vector<1x16xf32>,
          %get3A_87 = vector.shape_cast %get3A_86 : vector<1x16xf32> to vector<16xf32>
          %add3A_88 = arith.addf %get3A_83, %get3A_87 : vector<16xf32>
          %max3A = arith.constant 0.000000e+00 : f32
          %max3A_89 = vector.broadcast %max3A : f32 to vector<16xf32>
          %max3A_90 = arith.maximumf %add3A_88, %max3A_89 : vector<16xf32>
          %swap3A = arith.index_cast %scan3A_80 : i32 to index
          %swap3A_91 = arith.constant 0 : index
          %swap3A_92 = tpu.vector_load %arg12[%swap3A, %swap3A_91] {strides = array<i32>} : memref<80x128xf32, #tpu.memory_space<vmem>>, vector<1x16xf32>,
          %swap3A_93 = vector.shape_cast %swap3A_92 : vector<1x16xf32> to vector<16xf32>
          %swap3A_94 = vector.shape_cast %max3A_90 : vector<16xf32> to vector<1x16xf32>
          tpu.vector_store %arg12[%swap3A, %swap3A_91], %swap3A_94 {strides = array<i32>} : memref<80x128xf32, #tpu.memory_space<vmem>>, vector<1x16xf32>,
          %get3A_95 = arith.index_cast %scan3A_80 : i32 to index
          %get3A_96 = arith.constant 16 : index
          %get3A_97 = tpu.vector_load %arg12[%get3A_95, %get3A_96] {strides = array<i32>} : memref<80x128xf32, #tpu.memory_space<vmem>>, vector<1x16xf32>,
          %get3A_98 = vector.shape_cast %get3A_97 : vector<1x16xf32> to vector<16xf32>
          %get3A_99 = arith.index_cast %scan3A_80 : i32 to index
          %get3A_100 = arith.constant 16 : index
          %get3A_101 = tpu.vector_load %arg10[%get3A_99, %get3A_100] {strides = array<i32>} : memref<80x128xf32, #tpu.memory_space<vmem>>, vector<1x16xf32>,
          %get3A_102 = vector.shape_cast %get3A_101 : vector<1x16xf32> to vector<16xf32>
          %add3A_103 = arith.addf %get3A_98, %get3A_102 : vector<16xf32>
          %max3A_104 = arith.constant 0.000000e+00 : f32
          %max3A_105 = vector.broadcast %max3A_104 : f32 to vector<16xf32>
          %max3A_106 = arith.maximumf %add3A_103, %max3A_105 : vector<16xf32>
          %swap3A_107 = arith.index_cast %scan3A_80 : i32 to index
          %swap3A_108 = arith.constant 16 : index
          %swap3A_109 = tpu.vector_load %arg12[%swap3A_107, %swap3A_108] {strides = array<i32>} : memref<80x128xf32, #tpu.memory_space<vmem>>, vector<1x16xf32>,
          %swap3A_110 = vector.shape_cast %swap3A_109 : vector<1x16xf32> to vector<16xf32>
          %swap3A_111 = vector.shape_cast %max3A_106 : vector<16xf32> to vector<1x16xf32>
          tpu.vector_store %arg12[%swap3A_107, %swap3A_108], %swap3A_111 {strides = array<i32>} : memref<80x128xf32, #tpu.memory_space<vmem>>, vector<1x16xf32>,
          %get3A_112 = arith.index_cast %scan3A_80 : i32 to index
          %get3A_113 = arith.constant 32 : index
          %get3A_114 = tpu.vector_load %arg12[%get3A_112, %get3A_113] {strides = array<i32>} : memref<80x128xf32, #tpu.memory_space<vmem>>, vector<1x16xf32>,
          %get3A_115 = vector.shape_cast %get3A_114 : vector<1x16xf32> to vector<16xf32>
          %get3A_116 = arith.index_cast %scan3A_80 : i32 to index
          %get3A_117 = arith.constant 32 : index
          %get3A_118 = tpu.vector_load %arg10[%get3A_116, %get3A_117] {strides = array<i32>} : memref<80x128xf32, #tpu.memory_space<vmem>>, vector<1x16xf32>,
          %get3A_119 = vector.shape_cast %get3A_118 : vector<1x16xf32> to vector<16xf32>
          %add3A_120 = arith.addf %get3A_115, %get3A_119 : vector<16xf32>
          %max3A_121 = arith.constant 0.000000e+00 : f32
          %max3A_122 = vector.broadcast %max3A_121 : f32 to vector<16xf32>
          %max3A_123 = arith.maximumf %add3A_120, %max3A_122 : vector<16xf32>
          %swap3A_124 = arith.index_cast %scan3A_80 : i32 to index
          %swap3A_125 = arith.constant 32 : index
          %swap3A_126 = tpu.vector_load %arg12[%swap3A_124, %swap3A_125] {strides = array<i32>} : memref<80x128xf32, #tpu.memory_space<vmem>>, vector<1x16xf32>,
          %swap3A_127 = vector.shape_cast %swap3A_126 : vector<1x16xf32> to vector<16xf32>
          %swap3A_128 = vector.shape_cast %max3A_123 : vector<16xf32> to vector<1x16xf32>
          tpu.vector_store %arg12[%swap3A_124, %swap3A_125], %swap3A_128 {strides = array<i32>} : memref<80x128xf32, #tpu.memory_space<vmem>>, vector<1x16xf32>,
          %get3A_129 = arith.index_cast %scan3A_80 : i32 to index
          %get3A_130 = arith.constant 48 : index
          %get3A_131 = tpu.vector_load %arg12[%get3A_129, %get3A_130] {strides = array<i32>} : memref<80x128xf32, #tpu.memory_space<vmem>>, vector<1x16xf32>,
          %get3A_132 = vector.shape_cast %get3A_131 : vector<1x16xf32> to vector<16xf32>
          %get3A_133 = arith.index_cast %scan3A_80 : i32 to index
          %get3A_134 = arith.constant 48 : index
          %get3A_135 = tpu.vector_load %arg10[%get3A_133, %get3A_134] {strides = array<i32>} : memref<80x128xf32, #tpu.memory_space<vmem>>, vector<1x16xf32>,
          %get3A_136 = vector.shape_cast %get3A_135 : vector<1x16xf32> to vector<16xf32>
          %add3A_137 = arith.addf %get3A_132, %get3A_136 : vector<16xf32>
          %max3A_138 = arith.constant 0.000000e+00 : f32
          %max3A_139 = vector.broadcast %max3A_138 : f32 to vector<16xf32>
          %max3A_140 = arith.maximumf %add3A_137, %max3A_139 : vector<16xf32>
          %swap3A_141 = arith.index_cast %scan3A_80 : i32 to index
          %swap3A_142 = arith.constant 48 : index
          %swap3A_143 = tpu.vector_load %arg12[%swap3A_141, %swap3A_142] {strides = array<i32>} : memref<80x128xf32, #tpu.memory_space<vmem>>, vector<1x16xf32>,
          %swap3A_144 = vector.shape_cast %swap3A_143 : vector<1x16xf32> to vector<16xf32>
          %swap3A_145 = vector.shape_cast %max3A_140 : vector<16xf32> to vector<1x16xf32>
          tpu.vector_store %arg12[%swap3A_141, %swap3A_142], %swap3A_145 {strides = array<i32>} : memref<80x128xf32, #tpu.memory_space<vmem>>, vector<1x16xf32>,
          %get3A_146 = arith.index_cast %scan3A_80 : i32 to index
          %get3A_147 = arith.constant 64 : index
          %get3A_148 = tpu.vector_load %arg12[%get3A_146, %get3A_147] {strides = array<i32>} : memref<80x128xf32, #tpu.memory_space<vmem>>, vector<1x16xf32>,
          %get3A_149 = vector.shape_cast %get3A_148 : vector<1x16xf32> to vector<16xf32>
          %get3A_150 = arith.index_cast %scan3A_80 : i32 to index
          %get3A_151 = arith.constant 64 : index
          %get3A_152 = tpu.vector_load %arg10[%get3A_150, %get3A_151] {strides = array<i32>} : memref<80x128xf32, #tpu.memory_space<vmem>>, vector<1x16xf32>,
          %get3A_153 = vector.shape_cast %get3A_152 : vector<1x16xf32> to vector<16xf32>
          %add3A_154 = arith.addf %get3A_149, %get3A_153 : vector<16xf32>
          %max3A_155 = arith.constant 0.000000e+00 : f32
          %max3A_156 = vector.broadcast %max3A_155 : f32 to vector<16xf32>
          %max3A_157 = arith.maximumf %add3A_154, %max3A_156 : vector<16xf32>
          %swap3A_158 = arith.index_cast %scan3A_80 : i32 to index
          %swap3A_159 = arith.constant 64 : index
          %swap3A_160 = tpu.vector_load %arg12[%swap3A_158, %swap3A_159] {strides = array<i32>} : memref<80x128xf32, #tpu.memory_space<vmem>>, vector<1x16xf32>,
          %swap3A_161 = vector.shape_cast %swap3A_160 : vector<1x16xf32> to vector<16xf32>
          %swap3A_162 = vector.shape_cast %max3A_157 : vector<16xf32> to vector<1x16xf32>
          tpu.vector_store %arg12[%swap3A_158, %swap3A_159], %swap3A_162 {strides = array<i32>} : memref<80x128xf32, #tpu.memory_space<vmem>>, vector<1x16xf32>,
          %get3A_163 = arith.index_cast %scan3A_80 : i32 to index
          %get3A_164 = arith.constant 80 : index
          %get3A_165 = tpu.vector_load %arg12[%get3A_163, %get3A_164] {strides = array<i32>} : memref<80x128xf32, #tpu.memory_space<vmem>>, vector<1x16xf32>,
          %get3A_166 = vector.shape_cast %get3A_165 : vector<1x16xf32> to vector<16xf32>
          %get3A_167 = arith.index_cast %scan3A_80 : i32 to index
          %get3A_168 = arith.constant 80 : index
          %get3A_169 = tpu.vector_load %arg10[%get3A_167, %get3A_168] {strides = array<i32>} : memref<80x128xf32, #tpu.memory_space<vmem>>, vector<1x16xf32>,
          %get3A_170 = vector.shape_cast %get3A_169 : vector<1x16xf32> to vector<16xf32>
          %add3A_171 = arith.addf %get3A_166, %get3A_170 : vector<16xf32>
          %max3A_172 = arith.constant 0.000000e+00 : f32
          %max3A_173 = vector.broadcast %max3A_172 : f32 to vector<16xf32>
          %max3A_174 = arith.maximumf %add3A_171, %max3A_173 : vector<16xf32>
          %swap3A_175 = arith.index_cast %scan3A_80 : i32 to index
          %swap3A_176 = arith.constant 80 : index
          %swap3A_177 = tpu.vector_load %arg12[%swap3A_175, %swap3A_176] {strides = array<i32>} : memref<80x128xf32, #tpu.memory_space<vmem>>, vector<1x16xf32>,
          %swap3A_178 = vector.shape_cast %swap3A_177 : vector<1x16xf32> to vector<16xf32>
          %swap3A_179 = vector.shape_cast %max3A_174 : vector<16xf32> to vector<1x16xf32>
          tpu.vector_store %arg12[%swap3A_175, %swap3A_176], %swap3A_179 {strides = array<i32>} : memref<80x128xf32, #tpu.memory_space<vmem>>, vector<1x16xf32>,
          %get3A_180 = arith.index_cast %scan3A_80 : i32 to index
          %get3A_181 = arith.constant 96 : index
          %get3A_182 = tpu.vector_load %arg12[%get3A_180, %get3A_181] {strides = array<i32>} : memref<80x128xf32, #tpu.memory_space<vmem>>, vector<1x16xf32>,
          %get3A_183 = vector.shape_cast %get3A_182 : vector<1x16xf32> to vector<16xf32>
          %get3A_184 = arith.index_cast %scan3A_80 : i32 to index
          %get3A_185 = arith.constant 96 : index
          %get3A_186 = tpu.vector_load %arg10[%get3A_184, %get3A_185] {strides = array<i32>} : memref<80x128xf32, #tpu.memory_space<vmem>>, vector<1x16xf32>,
          %get3A_187 = vector.shape_cast %get3A_186 : vector<1x16xf32> to vector<16xf32>
          %add3A_188 = arith.addf %get3A_183, %get3A_187 : vector<16xf32>
          %max3A_189 = arith.constant 0.000000e+00 : f32
          %max3A_190 = vector.broadcast %max3A_189 : f32 to vector<16xf32>
          %max3A_191 = arith.maximumf %add3A_188, %max3A_190 : vector<16xf32>
          %swap3A_192 = arith.index_cast %scan3A_80 : i32 to index
          %swap3A_193 = arith.constant 96 : index
          %swap3A_194 = tpu.vector_load %arg12[%swap3A_192, %swap3A_193] {strides = array<i32>} : memref<80x128xf32, #tpu.memory_space<vmem>>, vector<1x16xf32>,
          %swap3A_195 = vector.shape_cast %swap3A_194 : vector<1x16xf32> to vector<16xf32>
          %swap3A_196 = vector.shape_cast %max3A_191 : vector<16xf32> to vector<1x16xf32>
          tpu.vector_store %arg12[%swap3A_192, %swap3A_193], %swap3A_196 {strides = array<i32>} : memref<80x128xf32, #tpu.memory_space<vmem>>, vector<1x16xf32>,
          %get3A_197 = arith.index_cast %scan3A_80 : i32 to index
          %get3A_198 = arith.constant 112 : index
          %get3A_199 = tpu.vector_load %arg12[%get3A_197, %get3A_198] {strides = array<i32>} : memref<80x128xf32, #tpu.memory_space<vmem>>, vector<1x16xf32>,
          %get3A_200 = vector.shape_cast %get3A_199 : vector<1x16xf32> to vector<16xf32>
          %get3A_201 = arith.index_cast %scan3A_80 : i32 to index
          %get3A_202 = arith.constant 112 : index
          %get3A_203 = tpu.vector_load %arg10[%get3A_201, %get3A_202] {strides = array<i32>} : memref<80x128xf32, #tpu.memory_space<vmem>>, vector<1x16xf32>,
          %get3A_204 = vector.shape_cast %get3A_203 : vector<1x16xf32> to vector<16xf32>
          %add3A_205 = arith.addf %get3A_200, %get3A_204 : vector<16xf32>
          %max3A_206 = arith.constant 0.000000e+00 : f32
          %max3A_207 = vector.broadcast %max3A_206 : f32 to vector<16xf32>
          %max3A_208 = arith.maximumf %add3A_205, %max3A_207 : vector<16xf32>
          %swap3A_209 = arith.index_cast %scan3A_80 : i32 to index
          %swap3A_210 = arith.constant 112 : index
          %swap3A_211 = tpu.vector_load %arg12[%swap3A_209, %swap3A_210] {strides = array<i32>} : memref<80x128xf32, #tpu.memory_space<vmem>>, vector<1x16xf32>,
          %swap3A_212 = vector.shape_cast %swap3A_211 : vector<1x16xf32> to vector<16xf32>
          %swap3A_213 = vector.shape_cast %max3A_208 : vector<16xf32> to vector<1x16xf32>
          tpu.vector_store %arg12[%swap3A_209, %swap3A_210], %swap3A_213 {strides = array<i32>} : memref<80x128xf32, #tpu.memory_space<vmem>>, vector<1x16xf32>,
        }
        %scan3A_79 = arith.constant 80 : i32
        %run_scoped3A = arith.constant 1 : i32
        "tpu.region"() ({
          %run_scoped3A_80 = tpu.sem_alloc : memref<!tpu.dma_semaphore, #tpu.memory_space<semaphore_mem>>
          %dma_start3A = arith.constant 0 : i32
          %dma_start3A_81 = tpu.memref_slice %arg8[%run_scoped3A, %dma_start3A] : memref<2x80xi32, #tpu.memory_space<vmem>> -> memref<1x80xi32, #tpu.memory_space<vmem>>
          %dma_start3A_82 = tpu.memref_squeeze %dma_start3A_81 : memref<1x80xi32, #tpu.memory_space<vmem>> -> memref<80xi32, #tpu.memory_space<vmem>>
          %dma_start3A_83 = arith.constant 0 : i32
          %dma_start3A_84 = arith.constant 0 : i32
          %dma_start3A_85 = tpu.memref_slice %arg7[%dma_start3A_83, %dma_start3A_84] : memref<10240x128xf32, #tpu.memory_space<vmem_shared>> -> memref<10240x128xf32, #tpu.memory_space<vmem_shared>>
          tpu.enqueue_indirect_dma source(%arg12 : memref<80x128xf32, #tpu.memory_space<vmem>>) target(%dma_start3A_85 : memref<10240x128xf32, #tpu.memory_space<vmem_shared>>) offsets(%dma_start3A_82 : memref<80xi32, #tpu.memory_space<vmem>>) semaphore(%run_scoped3A_80 : memref<!tpu.dma_semaphore, #tpu.memory_space<semaphore_mem>>) {add = true}
          %dma_wait3A_86 = arith.constant 0 : i32
          %dma_wait3A_87 = tpu.memref_slice %arg8[%run_scoped3A, %dma_wait3A_86] : memref<2x80xi32, #tpu.memory_space<vmem>> -> memref<1x80xi32, #tpu.memory_space<vmem>>
          %dma_wait3A_88 = tpu.memref_squeeze %dma_wait3A_87 : memref<1x80xi32, #tpu.memory_space<vmem>> -> memref<80xi32, #tpu.memory_space<vmem>>
          %dma_wait3A_89 = arith.constant 0 : i32
          %dma_wait3A_90 = arith.constant 0 : i32
          %dma_wait3A_91 = tpu.memref_slice %arg7[%dma_wait3A_89, %dma_wait3A_90] : memref<10240x128xf32, #tpu.memory_space<vmem_shared>> -> memref<10240x128xf32, #tpu.memory_space<vmem_shared>>
          tpu.wait_indirect_dma semaphore(%run_scoped3A_80 : memref<!tpu.dma_semaphore, #tpu.memory_space<semaphore_mem>>) src(%arg12 : memref<80x128xf32, #tpu.memory_space<vmem>>) dst(%dma_wait3A_91 : memref<10240x128xf32, #tpu.memory_space<vmem_shared>>)
          tpu.yield
        }) : () -> ()
      } else {
      }
      %mul3A_40 = arith.constant 2 : i32
      %mul3A_41 = arith.muli %scan3A_17, %mul3A_40 : i32
      %add3A_42 = arith.constant 1 : i32
      %add3A_43 = arith.addi %mul3A_41, %add3A_42 : i32
      %mul3A_44 = arith.constant 32 : i32
      %mul3A_45 = arith.muli %mul3A_44, %add3A_43 : i32
      %add3A_46 = arith.addi %add3A, %mul3A_45 : i32
      %add3A_47 = arith.constant 1 : i32
      %add3A_48 = arith.addi %add3A_43, %add3A_47 : i32
      %mul3A_49 = arith.constant 32 : i32
      %mul3A_50 = arith.muli %mul3A_49, %add3A_48 : i32
      %add3A_51 = arith.addi %add3A, %mul3A_50 : i32
      %lt3A_52 = arith.constant 4000 : i32
      %lt3A_53 = arith.cmpi slt, %add3A_51, %lt3A_52 : i32
      %convert_element_type3A_54 = arith.extui %lt3A_53 : i1 to i32
      %cond3A_55 = arith.constant 0 : i32
      %cond3A_56 = arith.cmpi ne, %convert_element_type3A_54, %cond3A_55 : i32
      scf.if %cond3A_56 {
        "tpu.region"() ({
          %run_scoped3A = tpu.sem_alloc : memref<!tpu.dma_semaphore, #tpu.memory_space<semaphore_mem>>
          %dma_start3A_74 = arith.constant 0 : i32
          %dma_start3A_75 = arith.constant 0 : i32
          %dma_start3A_76 = tpu.memref_slice %arg4[%add3A_51, %dma_start3A_74, %dma_start3A_75] : memref<4000x2x80xi32, #tpu.memory_space<hbm>> -> memref<1x2x80xi32, #tpu.memory_space<hbm>>
          %dma_start3A_77 = tpu.memref_squeeze %dma_start3A_76 : memref<1x2x80xi32, #tpu.memory_space<hbm>> -> memref<2x80xi32, #tpu.memory_space<hbm>>
          %dma_start3A_78 = arith.constant 0 : i32
          %dma_start3A_79 = arith.constant 0 : i32
          %dma_start3A_80 = tpu.memref_slice %arg4[%add3A_51, %dma_start3A_78, %dma_start3A_79] : memref<4000x2x80xi32, #tpu.memory_space<hbm>> -> memref<1x2x80xi32, #tpu.memory_space<hbm>>
          %dma_start3A_81 = tpu.memref_squeeze %dma_start3A_80 : memref<1x2x80xi32, #tpu.memory_space<hbm>> -> memref<2x80xi32, #tpu.memory_space<hbm>>
          tpu.enqueue_dma source(%dma_start3A_81 : memref<2x80xi32, #tpu.memory_space<hbm>>) target(%arg8 : memref<2x80xi32, #tpu.memory_space<vmem>>) target_semaphore(%run_scoped3A : memref<!tpu.dma_semaphore, #tpu.memory_space<semaphore_mem>>)
          %dma_wait3A = arith.constant 0 : i32
          %dma_wait3A_82 = arith.constant 0 : i32
          %dma_wait3A_83 = tpu.memref_slice %arg4[%add3A_51, %dma_wait3A, %dma_wait3A_82] : memref<4000x2x80xi32, #tpu.memory_space<hbm>> -> memref<1x2x80xi32, #tpu.memory_space<hbm>>
          %dma_wait3A_84 = tpu.memref_squeeze %dma_wait3A_83 : memref<1x2x80xi32, #tpu.memory_space<hbm>> -> memref<2x80xi32, #tpu.memory_space<hbm>>
          %dma_wait3A_85 = arith.constant 0 : i32
          %dma_wait3A_86 = arith.constant 0 : i32
          %dma_wait3A_87 = tpu.memref_slice %arg4[%add3A_51, %dma_wait3A_85, %dma_wait3A_86] : memref<4000x2x80xi32, #tpu.memory_space<hbm>> -> memref<1x2x80xi32, #tpu.memory_space<hbm>>
          %dma_wait3A_88 = tpu.memref_squeeze %dma_wait3A_87 : memref<1x2x80xi32, #tpu.memory_space<hbm>> -> memref<2x80xi32, #tpu.memory_space<hbm>>
          tpu.wait_dma2 semaphore(%run_scoped3A : memref<!tpu.dma_semaphore, #tpu.memory_space<semaphore_mem>>) src(%dma_wait3A_88 : memref<2x80xi32, #tpu.memory_space<hbm>>) dst(%arg8 : memref<2x80xi32, #tpu.memory_space<vmem>>)
          tpu.yield
        }) : () -> ()
        %mul3A_62 = arith.constant 80 : i32
        %mul3A_63 = arith.muli %add3A_51, %mul3A_62 : i32
        %dma_start3A = arith.constant 0 : i32
        %dma_start3A_64 = tpu.memref_slice %arg3[%mul3A_63, %dma_start3A] : memref<320000x128xf32, #tpu.memory_space<hbm>> -> memref<80x128xf32, #tpu.memory_space<hbm>>
        %dma_start3A_65 = arith.constant 0 : i32
        %dma_start3A_66 = tpu.memref_slice %arg3[%mul3A_63, %dma_start3A_65] : memref<320000x128xf32, #tpu.memory_space<hbm>> -> memref<80x128xf32, #tpu.memory_space<hbm>>
        tpu.enqueue_dma source(%dma_start3A_66 : memref<80x128xf32, #tpu.memory_space<hbm>>) target(%arg10 : memref<80x128xf32, #tpu.memory_space<vmem>>) target_semaphore(%arg14 : memref<!tpu.dma_semaphore, #tpu.memory_space<semaphore_mem>>)
        %dma_start3A_67 = arith.constant 0 : i32
        %dma_start3A_68 = arith.constant 0 : i32
        %dma_start3A_69 = tpu.memref_slice %arg8[%dma_start3A_67, %dma_start3A_68] : memref<2x80xi32, #tpu.memory_space<vmem>> -> memref<1x80xi32, #tpu.memory_space<vmem>>
        %dma_start3A_70 = tpu.memref_squeeze %dma_start3A_69 : memref<1x80xi32, #tpu.memory_space<vmem>> -> memref<80xi32, #tpu.memory_space<vmem>>
        %dma_start3A_71 = arith.constant 0 : i32
        %dma_start3A_72 = arith.constant 0 : i32
        %dma_start3A_73 = tpu.memref_slice %arg2[%dma_start3A_71, %dma_start3A_72] : memref<10240x128xf32, #tpu.memory_space<hbm>> -> memref<10240x128xf32, #tpu.memory_space<hbm>>
        tpu.enqueue_indirect_dma source(%dma_start3A_73 : memref<10240x128xf32, #tpu.memory_space<hbm>>) target(%arg12 : memref<80x128xf32, #tpu.memory_space<vmem>>) offsets(%dma_start3A_70 : memref<80xi32, #tpu.memory_space<vmem>>) semaphore(%arg16 : memref<!tpu.dma_semaphore, #tpu.memory_space<semaphore_mem>>)
      } else {
      }
      %lt3A_57 = arith.constant 4000 : i32
      %lt3A_58 = arith.cmpi slt, %add3A_46, %lt3A_57 : i32
      %convert_element_type3A_59 = arith.extui %lt3A_58 : i1 to i32
      %cond3A_60 = arith.constant 0 : i32
      %cond3A_61 = arith.cmpi ne, %convert_element_type3A_59, %cond3A_60 : i32
      scf.if %cond3A_61 {
        %mul3A_62 = arith.constant 80 : i32
        %mul3A_63 = arith.muli %add3A_46, %mul3A_62 : i32
        %dma_wait3A = arith.constant 0 : i32
        %dma_wait3A_64 = tpu.memref_slice %arg3[%mul3A_63, %dma_wait3A] : memref<320000x128xf32, #tpu.memory_space<hbm>> -> memref<80x128xf32, #tpu.memory_space<hbm>>
        %dma_wait3A_65 = arith.constant 0 : i32
        %dma_wait3A_66 = tpu.memref_slice %arg3[%mul3A_63, %dma_wait3A_65] : memref<320000x128xf32, #tpu.memory_space<hbm>> -> memref<80x128xf32, #tpu.memory_space<hbm>>
        tpu.wait_dma2 semaphore(%arg15 : memref<!tpu.dma_semaphore, #tpu.memory_space<semaphore_mem>>) src(%dma_wait3A_66 : memref<80x128xf32, #tpu.memory_space<hbm>>) dst(%arg11 : memref<80x128xf32, #tpu.memory_space<vmem>>)
        %dma_wait3A_67 = arith.constant 0 : i32
        %dma_wait3A_68 = arith.constant 0 : i32
        %dma_wait3A_69 = tpu.memref_slice %arg9[%dma_wait3A_67, %dma_wait3A_68] : memref<2x80xi32, #tpu.memory_space<vmem>> -> memref<1x80xi32, #tpu.memory_space<vmem>>
        %dma_wait3A_70 = tpu.memref_squeeze %dma_wait3A_69 : memref<1x80xi32, #tpu.memory_space<vmem>> -> memref<80xi32, #tpu.memory_space<vmem>>
        %dma_wait3A_71 = arith.constant 0 : i32
        %dma_wait3A_72 = arith.constant 0 : i32
        %dma_wait3A_73 = tpu.memref_slice %arg2[%dma_wait3A_71, %dma_wait3A_72] : memref<10240x128xf32, #tpu.memory_space<hbm>> -> memref<10240x128xf32, #tpu.memory_space<hbm>>
        tpu.wait_indirect_dma semaphore(%arg17 : memref<!tpu.dma_semaphore, #tpu.memory_space<semaphore_mem>>) src(%dma_wait3A_73 : memref<10240x128xf32, #tpu.memory_space<hbm>>) dst(%arg13 : memref<80x128xf32, #tpu.memory_space<vmem>>)
        %scan3A_74 = arith.constant 0 : i32
        %scan3A_75 = arith.constant 0 : i32
        %scan3A_76 = arith.constant 80 : i32
        %scan3A_77 = arith.addi %scan3A_75, %scan3A_76 : i32
        %scan3A_78 = arith.constant 1 : i32
        scf.for %scan3A_80 = %scan3A_75 to %scan3A_77 step %scan3A_78  : i32 {
          %get3A = arith.index_cast %scan3A_80 : i32 to index
          %get3A_81 = arith.constant 0 : index
          %get3A_82 = tpu.vector_load %arg13[%get3A, %get3A_81] {strides = array<i32>} : memref<80x128xf32, #tpu.memory_space<vmem>>, vector<1x16xf32>,
          %get3A_83 = vector.shape_cast %get3A_82 : vector<1x16xf32> to vector<16xf32>
          %get3A_84 = arith.index_cast %scan3A_80 : i32 to index
          %get3A_85 = arith.constant 0 : index
          %get3A_86 = tpu.vector_load %arg11[%get3A_84, %get3A_85] {strides = array<i32>} : memref<80x128xf32, #tpu.memory_space<vmem>>, vector<1x16xf32>,
          %get3A_87 = vector.shape_cast %get3A_86 : vector<1x16xf32> to vector<16xf32>
          %add3A_88 = arith.addf %get3A_83, %get3A_87 : vector<16xf32>
          %max3A = arith.constant 0.000000e+00 : f32
          %max3A_89 = vector.broadcast %max3A : f32 to vector<16xf32>
          %max3A_90 = arith.maximumf %add3A_88, %max3A_89 : vector<16xf32>
          %swap3A = arith.index_cast %scan3A_80 : i32 to index
          %swap3A_91 = arith.constant 0 : index
          %swap3A_92 = tpu.vector_load %arg13[%swap3A, %swap3A_91] {strides = array<i32>} : memref<80x128xf32, #tpu.memory_space<vmem>>, vector<1x16xf32>,
          %swap3A_93 = vector.shape_cast %swap3A_92 : vector<1x16xf32> to vector<16xf32>
          %swap3A_94 = vector.shape_cast %max3A_90 : vector<16xf32> to vector<1x16xf32>
          tpu.vector_store %arg13[%swap3A, %swap3A_91], %swap3A_94 {strides = array<i32>} : memref<80x128xf32, #tpu.memory_space<vmem>>, vector<1x16xf32>,
          %get3A_95 = arith.index_cast %scan3A_80 : i32 to index
          %get3A_96 = arith.constant 16 : index
          %get3A_97 = tpu.vector_load %arg13[%get3A_95, %get3A_96] {strides = array<i32>} : memref<80x128xf32, #tpu.memory_space<vmem>>, vector<1x16xf32>,
          %get3A_98 = vector.shape_cast %get3A_97 : vector<1x16xf32> to vector<16xf32>
          %get3A_99 = arith.index_cast %scan3A_80 : i32 to index
          %get3A_100 = arith.constant 16 : index
          %get3A_101 = tpu.vector_load %arg11[%get3A_99, %get3A_100] {strides = array<i32>} : memref<80x128xf32, #tpu.memory_space<vmem>>, vector<1x16xf32>,
          %get3A_102 = vector.shape_cast %get3A_101 : vector<1x16xf32> to vector<16xf32>
          %add3A_103 = arith.addf %get3A_98, %get3A_102 : vector<16xf32>
          %max3A_104 = arith.constant 0.000000e+00 : f32
          %max3A_105 = vector.broadcast %max3A_104 : f32 to vector<16xf32>
          %max3A_106 = arith.maximumf %add3A_103, %max3A_105 : vector<16xf32>
          %swap3A_107 = arith.index_cast %scan3A_80 : i32 to index
          %swap3A_108 = arith.constant 16 : index
          %swap3A_109 = tpu.vector_load %arg13[%swap3A_107, %swap3A_108] {strides = array<i32>} : memref<80x128xf32, #tpu.memory_space<vmem>>, vector<1x16xf32>,
          %swap3A_110 = vector.shape_cast %swap3A_109 : vector<1x16xf32> to vector<16xf32>
          %swap3A_111 = vector.shape_cast %max3A_106 : vector<16xf32> to vector<1x16xf32>
          tpu.vector_store %arg13[%swap3A_107, %swap3A_108], %swap3A_111 {strides = array<i32>} : memref<80x128xf32, #tpu.memory_space<vmem>>, vector<1x16xf32>,
          %get3A_112 = arith.index_cast %scan3A_80 : i32 to index
          %get3A_113 = arith.constant 32 : index
          %get3A_114 = tpu.vector_load %arg13[%get3A_112, %get3A_113] {strides = array<i32>} : memref<80x128xf32, #tpu.memory_space<vmem>>, vector<1x16xf32>,
          %get3A_115 = vector.shape_cast %get3A_114 : vector<1x16xf32> to vector<16xf32>
          %get3A_116 = arith.index_cast %scan3A_80 : i32 to index
          %get3A_117 = arith.constant 32 : index
          %get3A_118 = tpu.vector_load %arg11[%get3A_116, %get3A_117] {strides = array<i32>} : memref<80x128xf32, #tpu.memory_space<vmem>>, vector<1x16xf32>,
          %get3A_119 = vector.shape_cast %get3A_118 : vector<1x16xf32> to vector<16xf32>
          %add3A_120 = arith.addf %get3A_115, %get3A_119 : vector<16xf32>
          %max3A_121 = arith.constant 0.000000e+00 : f32
          %max3A_122 = vector.broadcast %max3A_121 : f32 to vector<16xf32>
          %max3A_123 = arith.maximumf %add3A_120, %max3A_122 : vector<16xf32>
          %swap3A_124 = arith.index_cast %scan3A_80 : i32 to index
          %swap3A_125 = arith.constant 32 : index
          %swap3A_126 = tpu.vector_load %arg13[%swap3A_124, %swap3A_125] {strides = array<i32>} : memref<80x128xf32, #tpu.memory_space<vmem>>, vector<1x16xf32>,
          %swap3A_127 = vector.shape_cast %swap3A_126 : vector<1x16xf32> to vector<16xf32>
          %swap3A_128 = vector.shape_cast %max3A_123 : vector<16xf32> to vector<1x16xf32>
          tpu.vector_store %arg13[%swap3A_124, %swap3A_125], %swap3A_128 {strides = array<i32>} : memref<80x128xf32, #tpu.memory_space<vmem>>, vector<1x16xf32>,
          %get3A_129 = arith.index_cast %scan3A_80 : i32 to index
          %get3A_130 = arith.constant 48 : index
          %get3A_131 = tpu.vector_load %arg13[%get3A_129, %get3A_130] {strides = array<i32>} : memref<80x128xf32, #tpu.memory_space<vmem>>, vector<1x16xf32>,
          %get3A_132 = vector.shape_cast %get3A_131 : vector<1x16xf32> to vector<16xf32>
          %get3A_133 = arith.index_cast %scan3A_80 : i32 to index
          %get3A_134 = arith.constant 48 : index
          %get3A_135 = tpu.vector_load %arg11[%get3A_133, %get3A_134] {strides = array<i32>} : memref<80x128xf32, #tpu.memory_space<vmem>>, vector<1x16xf32>,
          %get3A_136 = vector.shape_cast %get3A_135 : vector<1x16xf32> to vector<16xf32>
          %add3A_137 = arith.addf %get3A_132, %get3A_136 : vector<16xf32>
          %max3A_138 = arith.constant 0.000000e+00 : f32
          %max3A_139 = vector.broadcast %max3A_138 : f32 to vector<16xf32>
          %max3A_140 = arith.maximumf %add3A_137, %max3A_139 : vector<16xf32>
          %swap3A_141 = arith.index_cast %scan3A_80 : i32 to index
          %swap3A_142 = arith.constant 48 : index
          %swap3A_143 = tpu.vector_load %arg13[%swap3A_141, %swap3A_142] {strides = array<i32>} : memref<80x128xf32, #tpu.memory_space<vmem>>, vector<1x16xf32>,
          %swap3A_144 = vector.shape_cast %swap3A_143 : vector<1x16xf32> to vector<16xf32>
          %swap3A_145 = vector.shape_cast %max3A_140 : vector<16xf32> to vector<1x16xf32>
          tpu.vector_store %arg13[%swap3A_141, %swap3A_142], %swap3A_145 {strides = array<i32>} : memref<80x128xf32, #tpu.memory_space<vmem>>, vector<1x16xf32>,
          %get3A_146 = arith.index_cast %scan3A_80 : i32 to index
          %get3A_147 = arith.constant 64 : index
          %get3A_148 = tpu.vector_load %arg13[%get3A_146, %get3A_147] {strides = array<i32>} : memref<80x128xf32, #tpu.memory_space<vmem>>, vector<1x16xf32>,
          %get3A_149 = vector.shape_cast %get3A_148 : vector<1x16xf32> to vector<16xf32>
          %get3A_150 = arith.index_cast %scan3A_80 : i32 to index
          %get3A_151 = arith.constant 64 : index
          %get3A_152 = tpu.vector_load %arg11[%get3A_150, %get3A_151] {strides = array<i32>} : memref<80x128xf32, #tpu.memory_space<vmem>>, vector<1x16xf32>,
          %get3A_153 = vector.shape_cast %get3A_152 : vector<1x16xf32> to vector<16xf32>
          %add3A_154 = arith.addf %get3A_149, %get3A_153 : vector<16xf32>
          %max3A_155 = arith.constant 0.000000e+00 : f32
          %max3A_156 = vector.broadcast %max3A_155 : f32 to vector<16xf32>
          %max3A_157 = arith.maximumf %add3A_154, %max3A_156 : vector<16xf32>
          %swap3A_158 = arith.index_cast %scan3A_80 : i32 to index
          %swap3A_159 = arith.constant 64 : index
          %swap3A_160 = tpu.vector_load %arg13[%swap3A_158, %swap3A_159] {strides = array<i32>} : memref<80x128xf32, #tpu.memory_space<vmem>>, vector<1x16xf32>,
          %swap3A_161 = vector.shape_cast %swap3A_160 : vector<1x16xf32> to vector<16xf32>
          %swap3A_162 = vector.shape_cast %max3A_157 : vector<16xf32> to vector<1x16xf32>
          tpu.vector_store %arg13[%swap3A_158, %swap3A_159], %swap3A_162 {strides = array<i32>} : memref<80x128xf32, #tpu.memory_space<vmem>>, vector<1x16xf32>,
          %get3A_163 = arith.index_cast %scan3A_80 : i32 to index
          %get3A_164 = arith.constant 80 : index
          %get3A_165 = tpu.vector_load %arg13[%get3A_163, %get3A_164] {strides = array<i32>} : memref<80x128xf32, #tpu.memory_space<vmem>>, vector<1x16xf32>,
          %get3A_166 = vector.shape_cast %get3A_165 : vector<1x16xf32> to vector<16xf32>
          %get3A_167 = arith.index_cast %scan3A_80 : i32 to index
          %get3A_168 = arith.constant 80 : index
          %get3A_169 = tpu.vector_load %arg11[%get3A_167, %get3A_168] {strides = array<i32>} : memref<80x128xf32, #tpu.memory_space<vmem>>, vector<1x16xf32>,
          %get3A_170 = vector.shape_cast %get3A_169 : vector<1x16xf32> to vector<16xf32>
          %add3A_171 = arith.addf %get3A_166, %get3A_170 : vector<16xf32>
          %max3A_172 = arith.constant 0.000000e+00 : f32
          %max3A_173 = vector.broadcast %max3A_172 : f32 to vector<16xf32>
          %max3A_174 = arith.maximumf %add3A_171, %max3A_173 : vector<16xf32>
          %swap3A_175 = arith.index_cast %scan3A_80 : i32 to index
          %swap3A_176 = arith.constant 80 : index
          %swap3A_177 = tpu.vector_load %arg13[%swap3A_175, %swap3A_176] {strides = array<i32>} : memref<80x128xf32, #tpu.memory_space<vmem>>, vector<1x16xf32>,
          %swap3A_178 = vector.shape_cast %swap3A_177 : vector<1x16xf32> to vector<16xf32>
          %swap3A_179 = vector.shape_cast %max3A_174 : vector<16xf32> to vector<1x16xf32>
          tpu.vector_store %arg13[%swap3A_175, %swap3A_176], %swap3A_179 {strides = array<i32>} : memref<80x128xf32, #tpu.memory_space<vmem>>, vector<1x16xf32>,
          %get3A_180 = arith.index_cast %scan3A_80 : i32 to index
          %get3A_181 = arith.constant 96 : index
          %get3A_182 = tpu.vector_load %arg13[%get3A_180, %get3A_181] {strides = array<i32>} : memref<80x128xf32, #tpu.memory_space<vmem>>, vector<1x16xf32>,
          %get3A_183 = vector.shape_cast %get3A_182 : vector<1x16xf32> to vector<16xf32>
          %get3A_184 = arith.index_cast %scan3A_80 : i32 to index
          %get3A_185 = arith.constant 96 : index
          %get3A_186 = tpu.vector_load %arg11[%get3A_184, %get3A_185] {strides = array<i32>} : memref<80x128xf32, #tpu.memory_space<vmem>>, vector<1x16xf32>,
          %get3A_187 = vector.shape_cast %get3A_186 : vector<1x16xf32> to vector<16xf32>
          %add3A_188 = arith.addf %get3A_183, %get3A_187 : vector<16xf32>
          %max3A_189 = arith.constant 0.000000e+00 : f32
          %max3A_190 = vector.broadcast %max3A_189 : f32 to vector<16xf32>
          %max3A_191 = arith.maximumf %add3A_188, %max3A_190 : vector<16xf32>
          %swap3A_192 = arith.index_cast %scan3A_80 : i32 to index
          %swap3A_193 = arith.constant 96 : index
          %swap3A_194 = tpu.vector_load %arg13[%swap3A_192, %swap3A_193] {strides = array<i32>} : memref<80x128xf32, #tpu.memory_space<vmem>>, vector<1x16xf32>,
          %swap3A_195 = vector.shape_cast %swap3A_194 : vector<1x16xf32> to vector<16xf32>
          %swap3A_196 = vector.shape_cast %max3A_191 : vector<16xf32> to vector<1x16xf32>
          tpu.vector_store %arg13[%swap3A_192, %swap3A_193], %swap3A_196 {strides = array<i32>} : memref<80x128xf32, #tpu.memory_space<vmem>>, vector<1x16xf32>,
          %get3A_197 = arith.index_cast %scan3A_80 : i32 to index
          %get3A_198 = arith.constant 112 : index
          %get3A_199 = tpu.vector_load %arg13[%get3A_197, %get3A_198] {strides = array<i32>} : memref<80x128xf32, #tpu.memory_space<vmem>>, vector<1x16xf32>,
          %get3A_200 = vector.shape_cast %get3A_199 : vector<1x16xf32> to vector<16xf32>
          %get3A_201 = arith.index_cast %scan3A_80 : i32 to index
          %get3A_202 = arith.constant 112 : index
          %get3A_203 = tpu.vector_load %arg11[%get3A_201, %get3A_202] {strides = array<i32>} : memref<80x128xf32, #tpu.memory_space<vmem>>, vector<1x16xf32>,
          %get3A_204 = vector.shape_cast %get3A_203 : vector<1x16xf32> to vector<16xf32>
          %add3A_205 = arith.addf %get3A_200, %get3A_204 : vector<16xf32>
          %max3A_206 = arith.constant 0.000000e+00 : f32
          %max3A_207 = vector.broadcast %max3A_206 : f32 to vector<16xf32>
          %max3A_208 = arith.maximumf %add3A_205, %max3A_207 : vector<16xf32>
          %swap3A_209 = arith.index_cast %scan3A_80 : i32 to index
          %swap3A_210 = arith.constant 112 : index
          %swap3A_211 = tpu.vector_load %arg13[%swap3A_209, %swap3A_210] {strides = array<i32>} : memref<80x128xf32, #tpu.memory_space<vmem>>, vector<1x16xf32>,
          %swap3A_212 = vector.shape_cast %swap3A_211 : vector<1x16xf32> to vector<16xf32>
          %swap3A_213 = vector.shape_cast %max3A_208 : vector<16xf32> to vector<1x16xf32>
          tpu.vector_store %arg13[%swap3A_209, %swap3A_210], %swap3A_213 {strides = array<i32>} : memref<80x128xf32, #tpu.memory_space<vmem>>, vector<1x16xf32>,
        }
        %scan3A_79 = arith.constant 80 : i32
        %run_scoped3A = arith.constant 1 : i32
        "tpu.region"() ({
          %run_scoped3A_80 = tpu.sem_alloc : memref<!tpu.dma_semaphore, #tpu.memory_space<semaphore_mem>>
          %dma_start3A = arith.constant 0 : i32
          %dma_start3A_81 = tpu.memref_slice %arg9[%run_scoped3A, %dma_start3A] : memref<2x80xi32, #tpu.memory_space<vmem>> -> memref<1x80xi32, #tpu.memory_space<vmem>>
          %dma_start3A_82 = tpu.memref_squeeze %dma_start3A_81 : memref<1x80xi32, #tpu.memory_space<vmem>> -> memref<80xi32, #tpu.memory_space<vmem>>
          %dma_start3A_83 = arith.constant 0 : i32
          %dma_start3A_84 = arith.constant 0 : i32
          %dma_start3A_85 = tpu.memref_slice %arg7[%dma_start3A_83, %dma_start3A_84] : memref<10240x128xf32, #tpu.memory_space<vmem_shared>> -> memref<10240x128xf32, #tpu.memory_space<vmem_shared>>
          tpu.enqueue_indirect_dma source(%arg13 : memref<80x128xf32, #tpu.memory_space<vmem>>) target(%dma_start3A_85 : memref<10240x128xf32, #tpu.memory_space<vmem_shared>>) offsets(%dma_start3A_82 : memref<80xi32, #tpu.memory_space<vmem>>) semaphore(%run_scoped3A_80 : memref<!tpu.dma_semaphore, #tpu.memory_space<semaphore_mem>>) {add = true}
          %dma_wait3A_86 = arith.constant 0 : i32
          %dma_wait3A_87 = tpu.memref_slice %arg9[%run_scoped3A, %dma_wait3A_86] : memref<2x80xi32, #tpu.memory_space<vmem>> -> memref<1x80xi32, #tpu.memory_space<vmem>>
          %dma_wait3A_88 = tpu.memref_squeeze %dma_wait3A_87 : memref<1x80xi32, #tpu.memory_space<vmem>> -> memref<80xi32, #tpu.memory_space<vmem>>
          %dma_wait3A_89 = arith.constant 0 : i32
          %dma_wait3A_90 = arith.constant 0 : i32
          %dma_wait3A_91 = tpu.memref_slice %arg7[%dma_wait3A_89, %dma_wait3A_90] : memref<10240x128xf32, #tpu.memory_space<vmem_shared>> -> memref<10240x128xf32, #tpu.memory_space<vmem_shared>>
          tpu.wait_indirect_dma semaphore(%run_scoped3A_80 : memref<!tpu.dma_semaphore, #tpu.memory_space<semaphore_mem>>) src(%arg13 : memref<80x128xf32, #tpu.memory_space<vmem>>) dst(%dma_wait3A_91 : memref<10240x128xf32, #tpu.memory_space<vmem_shared>>)
          tpu.yield
        }) : () -> ()
      } else {
      }
    }
    %scan3A_11 = arith.constant 63 : i32
    %barrier3A_12 = arith.constant 0 : index
    tpu.barrier barrier_id(%barrier3A_12)
    %mul3A_13 = arith.constant 640 : i32
    %mul3A_14 = arith.muli %arg1, %mul3A_13 : i32
    %mul3A_15 = arith.constant 640 : i32
    %mul3A_16 = arith.muli %arg1, %mul3A_15 : i32
    "tpu.region"() ({
      %run_scoped3A = tpu.sem_alloc : memref<!tpu.dma_semaphore, #tpu.memory_space<semaphore_mem>>
      %dma_start3A = arith.constant 0 : i32
      %dma_start3A_17 = tpu.memref_slice %arg6[%arg0, %mul3A_16, %dma_start3A] : memref<2x10240x128xf32, #tpu.memory_space<hbm>> -> memref<1x640x128xf32, #tpu.memory_space<hbm>>
      %dma_start3A_18 = tpu.memref_squeeze %dma_start3A_17 : memref<1x640x128xf32, #tpu.memory_space<hbm>> -> memref<640x128xf32, #tpu.memory_space<hbm>>
      %dma_start3A_19 = arith.constant 0 : i32
      %dma_start3A_20 = tpu.memref_slice %arg7[%mul3A_14, %dma_start3A_19] : memref<10240x128xf32, #tpu.memory_space<vmem_shared>> -> memref<640x128xf32, #tpu.memory_space<vmem_shared>>
      tpu.enqueue_dma source(%dma_start3A_20 : memref<640x128xf32, #tpu.memory_space<vmem_shared>>) target(%dma_start3A_18 : memref<640x128xf32, #tpu.memory_space<hbm>>) target_semaphore(%run_scoped3A : memref<!tpu.dma_semaphore, #tpu.memory_space<semaphore_mem>>)
      %dma_wait3A = arith.constant 0 : i32
      %dma_wait3A_21 = tpu.memref_slice %arg6[%arg0, %mul3A_16, %dma_wait3A] : memref<2x10240x128xf32, #tpu.memory_space<hbm>> -> memref<1x640x128xf32, #tpu.memory_space<hbm>>
      %dma_wait3A_22 = tpu.memref_squeeze %dma_wait3A_21 : memref<1x640x128xf32, #tpu.memory_space<hbm>> -> memref<640x128xf32, #tpu.memory_space<hbm>>
      %dma_wait3A_23 = arith.constant 0 : i32
      %dma_wait3A_24 = tpu.memref_slice %arg7[%mul3A_14, %dma_wait3A_23] : memref<10240x128xf32, #tpu.memory_space<vmem_shared>> -> memref<640x128xf32, #tpu.memory_space<vmem_shared>>
      tpu.wait_dma2 semaphore(%run_scoped3A : memref<!tpu.dma_semaphore, #tpu.memory_space<semaphore_mem>>) src(%dma_wait3A_24 : memref<640x128xf32, #tpu.memory_space<vmem_shared>>) dst(%dma_wait3A_22 : memref<640x128xf32, #tpu.memory_space<hbm>>)
      tpu.yield
    }) : () -> ()
    return
  }
}

module attributes {stable_mosaic.version = 14 : i64} {
  func.func @_mm_body(%arg0: i32, %arg1: memref<2000x16xf32, #tpu.memory_space<vmem>>, %arg2: memref<16x128xf32, #tpu.memory_space<vmem>>, %arg3: memref<1x128xf32, #tpu.memory_space<vmem>>, %arg4: memref<2000x128xf32, #tpu.memory_space<vmem>>) attributes {dimension_semantics = [#tpu.dimension_semantics<arbitrary>], iteration_bounds = array<i64: 160>, scalar_prefetch = 0 : i64, scratch_operands = 0 : i64, tpu.core_type = #tpu.core_type<tc>, window_params = [{transform_indices = @transform_0, window_bounds = array<i64: 2000, 16>}, {pipeline_mode = #tpu.pipeline_mode<synchronous>, transform_indices = @transform_1, window_bounds = array<i64: 16, 128>}, {pipeline_mode = #tpu.pipeline_mode<synchronous>, transform_indices = @transform_2, window_bounds = array<i64: 1, 128>}, {transform_indices = @transform_3, window_bounds = array<i64: 2000, 128>}]} {
    %get3A = arith.constant 0 : index
    %get3A_0 = arith.constant 0 : index
    %get3A_1 = vector.load %arg1[%get3A, %get3A_0] : memref<2000x16xf32, #tpu.memory_space<vmem>>, vector<2000x16xf32>
    %get3A_2 = arith.constant 0 : index
    %get3A_3 = arith.constant 0 : index
    %get3A_4 = vector.load %arg2[%get3A_2, %get3A_3] : memref<16x128xf32, #tpu.memory_space<vmem>>, vector<16x128xf32>
    %dot_general3A = arith.constant dense<0.000000e+00> : vector<2000x128xf32>
    %dot_general3A_5 = tpu.matmul %get3A_1, %get3A_4, %dot_general3A {dimension_numbers = #tpu.dot_dimension_numbers<[1], [0], [0], [1], [0, 0, 1, 1], [], []>, transpose_lhs_hint = false} : vector<2000x16xf32>, vector<16x128xf32>, vector<2000x128xf32> -> vector<2000x128xf32>
    %get3A_6 = arith.constant 0 : index
    %get3A_7 = arith.constant 0 : index
    %get3A_8 = vector.load %arg3[%get3A_6, %get3A_7] : memref<1x128xf32, #tpu.memory_space<vmem>>, vector<1x128xf32>
    %add3A = vector.broadcast %get3A_8 : vector<1x128xf32> to vector<2000x128xf32>
    %add3A_9 = arith.addf %dot_general3A_5, %add3A : vector<2000x128xf32>
    %swap3A = arith.constant 0 : index
    %swap3A_10 = arith.constant 0 : index
    %swap3A_11 = vector.load %arg4[%swap3A, %swap3A_10] : memref<2000x128xf32, #tpu.memory_space<vmem>>, vector<2000x128xf32>
    tpu.vector_store %arg4[%swap3A, %swap3A_10], %add3A_9 {strides = array<i32>} : memref<2000x128xf32, #tpu.memory_space<vmem>>, vector<2000x128xf32>,
    return
  }
  func.func @transform_0(%arg0: i32) -> (i32, i32) {
    %c0_i32 = arith.constant 0 : i32
    %c0_i32_0 = arith.constant 0 : i32
    return %arg0, %c0_i32 : i32, i32
  }
  func.func @transform_1(%arg0: i32) -> (i32, i32) {
    %c0_i32 = arith.constant 0 : i32
    %c0_i32_0 = arith.constant 0 : i32
    %c0_i32_1 = arith.constant 0 : i32
    return %c0_i32, %c0_i32_0 : i32, i32
  }
  func.func @transform_2(%arg0: i32) -> (i32, i32) {
    %c0_i32 = arith.constant 0 : i32
    %c0_i32_0 = arith.constant 0 : i32
    %c0_i32_1 = arith.constant 0 : i32
    return %c0_i32, %c0_i32_0 : i32, i32
  }
  func.func @transform_3(%arg0: i32) -> (i32, i32) {
    %c0_i32 = arith.constant 0 : i32
    %c0_i32_0 = arith.constant 0 : i32
    return %arg0, %c0_i32 : i32, i32
  }
}

module attributes {stable_mosaic.version = 14 : i64} {
  func.func @_mm_body(%arg0: i32, %arg1: memref<2000x128xf32, #tpu.memory_space<vmem>>, %arg2: memref<128x128xf32, #tpu.memory_space<vmem>>, %arg3: memref<1x128xf32, #tpu.memory_space<vmem>>, %arg4: memref<2000x128xf32, #tpu.memory_space<vmem>>) attributes {dimension_semantics = [#tpu.dimension_semantics<arbitrary>], iteration_bounds = array<i64: 5>, scalar_prefetch = 0 : i64, scratch_operands = 0 : i64, tpu.core_type = #tpu.core_type<tc>, window_params = [{transform_indices = @transform_0, window_bounds = array<i64: 2000, 128>}, {pipeline_mode = #tpu.pipeline_mode<synchronous>, transform_indices = @transform_1, window_bounds = array<i64: 128, 128>}, {pipeline_mode = #tpu.pipeline_mode<synchronous>, transform_indices = @transform_2, window_bounds = array<i64: 1, 128>}, {transform_indices = @transform_3, window_bounds = array<i64: 2000, 128>}]} {
    %get3A = arith.constant 0 : index
    %get3A_0 = arith.constant 0 : index
    %get3A_1 = vector.load %arg1[%get3A, %get3A_0] : memref<2000x128xf32, #tpu.memory_space<vmem>>, vector<2000x128xf32>
    %get3A_2 = arith.constant 0 : index
    %get3A_3 = arith.constant 0 : index
    %get3A_4 = vector.load %arg2[%get3A_2, %get3A_3] : memref<128x128xf32, #tpu.memory_space<vmem>>, vector<128x128xf32>
    %dot_general3A = arith.constant dense<0.000000e+00> : vector<2000x128xf32>
    %dot_general3A_5 = tpu.matmul %get3A_1, %get3A_4, %dot_general3A {dimension_numbers = #tpu.dot_dimension_numbers<[1], [0], [0], [1], [0, 0, 1, 1], [], []>, transpose_lhs_hint = false} : vector<2000x128xf32>, vector<128x128xf32>, vector<2000x128xf32> -> vector<2000x128xf32>
    %get3A_6 = arith.constant 0 : index
    %get3A_7 = arith.constant 0 : index
    %get3A_8 = vector.load %arg3[%get3A_6, %get3A_7] : memref<1x128xf32, #tpu.memory_space<vmem>>, vector<1x128xf32>
    %add3A = vector.broadcast %get3A_8 : vector<1x128xf32> to vector<2000x128xf32>
    %add3A_9 = arith.addf %dot_general3A_5, %add3A : vector<2000x128xf32>
    %swap3A = arith.constant 0 : index
    %swap3A_10 = arith.constant 0 : index
    %swap3A_11 = vector.load %arg4[%swap3A, %swap3A_10] : memref<2000x128xf32, #tpu.memory_space<vmem>>, vector<2000x128xf32>
    tpu.vector_store %arg4[%swap3A, %swap3A_10], %add3A_9 {strides = array<i32>} : memref<2000x128xf32, #tpu.memory_space<vmem>>, vector<2000x128xf32>,
    return
  }
  func.func @transform_0(%arg0: i32) -> (i32, i32) {
    %c0_i32 = arith.constant 0 : i32
    %c0_i32_0 = arith.constant 0 : i32
    return %arg0, %c0_i32 : i32, i32
  }
  func.func @transform_1(%arg0: i32) -> (i32, i32) {
    %c0_i32 = arith.constant 0 : i32
    %c0_i32_0 = arith.constant 0 : i32
    %c0_i32_1 = arith.constant 0 : i32
    return %c0_i32, %c0_i32_0 : i32, i32
  }
  func.func @transform_2(%arg0: i32) -> (i32, i32) {
    %c0_i32 = arith.constant 0 : i32
    %c0_i32_0 = arith.constant 0 : i32
    %c0_i32_1 = arith.constant 0 : i32
    return %c0_i32, %c0_i32_0 : i32, i32
  }
  func.func @transform_3(%arg0: i32) -> (i32, i32) {
    %c0_i32 = arith.constant 0 : i32
    %c0_i32_0 = arith.constant 0 : i32
    return %arg0, %c0_i32 : i32, i32
  }
}

module attributes {stable_mosaic.version = 14 : i64} {
  func.func @_mm2_body(%arg0: i32, %arg1: memref<2x2000x128xf32, #tpu.memory_space<vmem>>, %arg2: memref<128x128xf32, #tpu.memory_space<vmem>>, %arg3: memref<1x128xf32, #tpu.memory_space<vmem>>, %arg4: memref<2000x128xf32, #tpu.memory_space<vmem>>) attributes {dimension_semantics = [#tpu.dimension_semantics<arbitrary>], iteration_bounds = array<i64: 5>, scalar_prefetch = 0 : i64, scratch_operands = 0 : i64, tpu.core_type = #tpu.core_type<tc>, window_params = [{transform_indices = @transform_0, window_bounds = array<i64: 2, 2000, 128>}, {pipeline_mode = #tpu.pipeline_mode<synchronous>, transform_indices = @transform_1, window_bounds = array<i64: 128, 128>}, {pipeline_mode = #tpu.pipeline_mode<synchronous>, transform_indices = @transform_2, window_bounds = array<i64: 1, 128>}, {transform_indices = @transform_3, window_bounds = array<i64: 2000, 128>}]} {
    %get3A = arith.constant 0 : index
    %get3A_0 = arith.constant 0 : index
    %get3A_1 = arith.constant 0 : index
    %get3A_2 = vector.load %arg1[%get3A, %get3A_0, %get3A_1] : memref<2x2000x128xf32, #tpu.memory_space<vmem>>, vector<1x2000x128xf32>
    %get3A_3 = vector.shape_cast %get3A_2 : vector<1x2000x128xf32> to vector<2000x128xf32>
    %get3A_4 = arith.constant 1 : index
    %get3A_5 = arith.constant 0 : index
    %get3A_6 = arith.constant 0 : index
    %get3A_7 = vector.load %arg1[%get3A_4, %get3A_5, %get3A_6] : memref<2x2000x128xf32, #tpu.memory_space<vmem>>, vector<1x2000x128xf32>
    %get3A_8 = vector.shape_cast %get3A_7 : vector<1x2000x128xf32> to vector<2000x128xf32>
    %add3A = arith.addf %get3A_3, %get3A_8 : vector<2000x128xf32>
    %get3A_9 = arith.constant 0 : index
    %get3A_10 = arith.constant 0 : index
    %get3A_11 = vector.load %arg2[%get3A_9, %get3A_10] : memref<128x128xf32, #tpu.memory_space<vmem>>, vector<128x128xf32>
    %dot_general3A = arith.constant dense<0.000000e+00> : vector<2000x128xf32>
    %dot_general3A_12 = tpu.matmul %add3A, %get3A_11, %dot_general3A {dimension_numbers = #tpu.dot_dimension_numbers<[1], [0], [0], [1], [0, 0, 1, 1], [], []>, transpose_lhs_hint = false} : vector<2000x128xf32>, vector<128x128xf32>, vector<2000x128xf32> -> vector<2000x128xf32>
    %get3A_13 = arith.constant 0 : index
    %get3A_14 = arith.constant 0 : index
    %get3A_15 = vector.load %arg3[%get3A_13, %get3A_14] : memref<1x128xf32, #tpu.memory_space<vmem>>, vector<1x128xf32>
    %add3A_16 = vector.broadcast %get3A_15 : vector<1x128xf32> to vector<2000x128xf32>
    %add3A_17 = arith.addf %dot_general3A_12, %add3A_16 : vector<2000x128xf32>
    %swap3A = arith.constant 0 : index
    %swap3A_18 = arith.constant 0 : index
    %swap3A_19 = vector.load %arg4[%swap3A, %swap3A_18] : memref<2000x128xf32, #tpu.memory_space<vmem>>, vector<2000x128xf32>
    tpu.vector_store %arg4[%swap3A, %swap3A_18], %add3A_17 {strides = array<i32>} : memref<2000x128xf32, #tpu.memory_space<vmem>>, vector<2000x128xf32>,
    return
  }
  func.func @transform_0(%arg0: i32) -> (i32, i32, i32) {
    %c0_i32 = arith.constant 0 : i32
    %c0_i32_0 = arith.constant 0 : i32
    %c0_i32_1 = arith.constant 0 : i32
    return %c0_i32, %arg0, %c0_i32_0 : i32, i32, i32
  }
  func.func @transform_1(%arg0: i32) -> (i32, i32) {
    %c0_i32 = arith.constant 0 : i32
    %c0_i32_0 = arith.constant 0 : i32
    %c0_i32_1 = arith.constant 0 : i32
    return %c0_i32, %c0_i32_0 : i32, i32
  }
  func.func @transform_2(%arg0: i32) -> (i32, i32) {
    %c0_i32 = arith.constant 0 : i32
    %c0_i32_0 = arith.constant 0 : i32
    %c0_i32_1 = arith.constant 0 : i32
    return %c0_i32, %c0_i32_0 : i32, i32
  }
  func.func @transform_3(%arg0: i32) -> (i32, i32) {
    %c0_i32 = arith.constant 0 : i32
    %c0_i32_0 = arith.constant 0 : i32
    return %arg0, %c0_i32 : i32, i32
  }
}

module attributes {stable_mosaic.version = 14 : i64} {
  func.func @_final_body(%arg0: i32, %arg1: memref<2000x128xf32, #tpu.memory_space<vmem>>, %arg2: memref<2x2000x128xf32, #tpu.memory_space<vmem>>, %arg3: memref<1x1x2000xi32, #tpu.memory_space<vmem>>, %arg4: memref<128x128xf32, #tpu.memory_space<vmem>>, %arg5: memref<128x128xf32, #tpu.memory_space<vmem>>, %arg6: memref<1x128xf32, #tpu.memory_space<vmem>>, %arg7: memref<128x128xf32, #tpu.memory_space<vmem>>, %arg8: memref<1x128xf32, #tpu.memory_space<vmem>>, %arg9: memref<128x1xf32, #tpu.memory_space<vmem>>, %arg10: memref<1x1xf32, #tpu.memory_space<vmem>>, %arg11: memref<64x1xf32, #tpu.memory_space<vmem>>, %arg12: memref<64x128xf32, #tpu.memory_space<vmem>>, %arg13: memref<64x1xf32, #tpu.memory_space<vmem>>) attributes {dimension_semantics = [#tpu.dimension_semantics<arbitrary>], iteration_bounds = array<i64: 5>, scalar_prefetch = 0 : i64, scratch_operands = 2 : i64, tpu.core_type = #tpu.core_type<tc>, window_params = [{transform_indices = @transform_0, window_bounds = array<i64: 2000, 128>}, {transform_indices = @transform_1, window_bounds = array<i64: 2, 2000, 128>}, {transform_indices = @transform_2, window_bounds = array<i64: 1, 1, 2000>}, {pipeline_mode = #tpu.pipeline_mode<synchronous>, transform_indices = @transform_3, window_bounds = array<i64: 128, 128>}, {pipeline_mode = #tpu.pipeline_mode<synchronous>, transform_indices = @transform_4, window_bounds = array<i64: 128, 128>}, {pipeline_mode = #tpu.pipeline_mode<synchronous>, transform_indices = @transform_5, window_bounds = array<i64: 1, 128>}, {pipeline_mode = #tpu.pipeline_mode<synchronous>, transform_indices = @transform_6, window_bounds = array<i64: 128, 128>}, {pipeline_mode = #tpu.pipeline_mode<synchronous>, transform_indices = @transform_7, window_bounds = array<i64: 1, 128>}, {pipeline_mode = #tpu.pipeline_mode<synchronous>, transform_indices = @transform_8, window_bounds = array<i64: 128, 1>}, {pipeline_mode = #tpu.pipeline_mode<synchronous>, transform_indices = @transform_9, window_bounds = array<i64: 1, 1>}, {pipeline_mode = #tpu.pipeline_mode<synchronous>, transform_indices = @transform_10, window_bounds = array<i64: 64, 1>}]} {
    %eq3A = arith.constant 0 : i32
    %eq3A_0 = arith.cmpi eq, %arg0, %eq3A : i32
    %convert_element_type3A = arith.extui %eq3A_0 : i1 to i32
    %cond3A = arith.constant 0 : i32
    %cond3A_1 = arith.cmpi ne, %convert_element_type3A, %cond3A : i32
    scf.if %cond3A_1 {
      %broadcast_in_dim3A_62 = arith.constant 0.000000e+00 : f32
      %broadcast_in_dim3A_63 = vector.broadcast %broadcast_in_dim3A_62 : f32 to vector<64x128xf32>
      %swap3A_64 = arith.constant 0 : index
      %swap3A_65 = arith.constant 0 : index
      %swap3A_66 = vector.load %arg12[%swap3A_64, %swap3A_65] : memref<64x128xf32, #tpu.memory_space<vmem>>, vector<64x128xf32>
      tpu.vector_store %arg12[%swap3A_64, %swap3A_65], %broadcast_in_dim3A_63 {strides = array<i32>} : memref<64x128xf32, #tpu.memory_space<vmem>>, vector<64x128xf32>,
      %broadcast_in_dim3A_67 = arith.constant 0.000000e+00 : f32
      %broadcast_in_dim3A_68 = vector.broadcast %broadcast_in_dim3A_67 : f32 to vector<64x1xf32>
      %swap3A_69 = arith.constant 0 : index
      %swap3A_70 = arith.constant 0 : index
      %swap3A_71 = vector.load %arg13[%swap3A_69, %swap3A_70] : memref<64x1xf32, #tpu.memory_space<vmem>>, vector<64x1xf32>
      tpu.vector_store %arg13[%swap3A_69, %swap3A_70], %broadcast_in_dim3A_68 {strides = array<i32>} : memref<64x1xf32, #tpu.memory_space<vmem>>, vector<64x1xf32>,
    } else {
    }
    %get3A = arith.constant 0 : index
    %get3A_2 = arith.constant 0 : index
    %get3A_3 = arith.constant 0 : index
    %get3A_4 = vector.load %arg2[%get3A, %get3A_2, %get3A_3] : memref<2x2000x128xf32, #tpu.memory_space<vmem>>, vector<1x2000x128xf32>
    %get3A_5 = vector.shape_cast %get3A_4 : vector<1x2000x128xf32> to vector<2000x128xf32>
    %get3A_6 = arith.constant 1 : index
    %get3A_7 = arith.constant 0 : index
    %get3A_8 = arith.constant 0 : index
    %get3A_9 = vector.load %arg2[%get3A_6, %get3A_7, %get3A_8] : memref<2x2000x128xf32, #tpu.memory_space<vmem>>, vector<1x2000x128xf32>
    %get3A_10 = vector.shape_cast %get3A_9 : vector<1x2000x128xf32> to vector<2000x128xf32>
    %add3A = arith.addf %get3A_5, %get3A_10 : vector<2000x128xf32>
    %get3A_11 = arith.constant 0 : index
    %get3A_12 = arith.constant 0 : index
    %get3A_13 = vector.load %arg1[%get3A_11, %get3A_12] : memref<2000x128xf32, #tpu.memory_space<vmem>>, vector<2000x128xf32>
    %get3A_14 = arith.constant 0 : index
    %get3A_15 = arith.constant 0 : index
    %get3A_16 = vector.load %arg4[%get3A_14, %get3A_15] : memref<128x128xf32, #tpu.memory_space<vmem>>, vector<128x128xf32>
    %dot_general3A = arith.constant dense<0.000000e+00> : vector<2000x128xf32>
    %dot_general3A_17 = tpu.matmul %get3A_13, %get3A_16, %dot_general3A {dimension_numbers = #tpu.dot_dimension_numbers<[1], [0], [0], [1], [0, 0, 1, 1], [], []>, transpose_lhs_hint = false} : vector<2000x128xf32>, vector<128x128xf32>, vector<2000x128xf32> -> vector<2000x128xf32>
    %get3A_18 = arith.constant 0 : index
    %get3A_19 = arith.constant 0 : index
    %get3A_20 = vector.load %arg5[%get3A_18, %get3A_19] : memref<128x128xf32, #tpu.memory_space<vmem>>, vector<128x128xf32>
    %dot_general3A_21 = arith.constant dense<0.000000e+00> : vector<2000x128xf32>
    %dot_general3A_22 = tpu.matmul %add3A, %get3A_20, %dot_general3A_21 {dimension_numbers = #tpu.dot_dimension_numbers<[1], [0], [0], [1], [0, 0, 1, 1], [], []>, transpose_lhs_hint = false} : vector<2000x128xf32>, vector<128x128xf32>, vector<2000x128xf32> -> vector<2000x128xf32>
    %add3A_23 = arith.addf %dot_general3A_17, %dot_general3A_22 : vector<2000x128xf32>
    %get3A_24 = arith.constant 0 : index
    %get3A_25 = arith.constant 0 : index
    %get3A_26 = vector.load %arg6[%get3A_24, %get3A_25] : memref<1x128xf32, #tpu.memory_space<vmem>>, vector<1x128xf32>
    %add3A_27 = vector.broadcast %get3A_26 : vector<1x128xf32> to vector<2000x128xf32>
    %add3A_28 = arith.addf %add3A_23, %add3A_27 : vector<2000x128xf32>
    %max3A = arith.constant 0.000000e+00 : f32
    %max3A_29 = vector.broadcast %max3A : f32 to vector<2000x128xf32>
    %max3A_30 = arith.maximumf %add3A_28, %max3A_29 : vector<2000x128xf32>
    %get3A_31 = arith.constant 0 : index
    %get3A_32 = arith.constant 0 : index
    %get3A_33 = arith.constant 0 : index
    %get3A_34 = vector.load %arg3[%get3A_31, %get3A_32, %get3A_33] : memref<1x1x2000xi32, #tpu.memory_space<vmem>>, vector<1x1x2000xi32>
    %get3A_35 = vector.shape_cast %get3A_34 : vector<1x1x2000xi32> to vector<2000xi32>
    %iota3A = tpu.iota {dimensions = array<i32: 0>} : vector<64x2000xi32>
    %broadcast_in_dim3A = vector.shape_cast %get3A_35 : vector<2000xi32> to vector<1x2000xi32>
    %eq3A_36 = vector.broadcast %broadcast_in_dim3A : vector<1x2000xi32> to vector<64x2000xi32>
    %eq3A_37 = arith.cmpi eq, %iota3A, %eq3A_36 : vector<64x2000xi32>
    %convert_element_type3A_38 = arith.extui %eq3A_37 : vector<64x2000xi1> to vector<64x2000xi32>
    %convert_element_type3A_39 = arith.sitofp %convert_element_type3A_38 : vector<64x2000xi32> to vector<64x2000xf32>
    %get3A_40 = arith.constant 0 : index
    %get3A_41 = arith.constant 0 : index
    %get3A_42 = vector.load %arg12[%get3A_40, %get3A_41] : memref<64x128xf32, #tpu.memory_space<vmem>>, vector<64x128xf32>
    %dot_general3A_43 = arith.constant dense<0.000000e+00> : vector<64x128xf32>
    %dot_general3A_44 = tpu.matmul %convert_element_type3A_39, %max3A_30, %dot_general3A_43 {dimension_numbers = #tpu.dot_dimension_numbers<[1], [0], [0], [1], [0, 0, 1, 1], [], []>, transpose_lhs_hint = false} : vector<64x2000xf32>, vector<2000x128xf32>, vector<64x128xf32> -> vector<64x128xf32>
    %add3A_45 = arith.addf %get3A_42, %dot_general3A_44 : vector<64x128xf32>
    %swap3A = arith.constant 0 : index
    %swap3A_46 = arith.constant 0 : index
    %swap3A_47 = vector.load %arg12[%swap3A, %swap3A_46] : memref<64x128xf32, #tpu.memory_space<vmem>>, vector<64x128xf32>
    tpu.vector_store %arg12[%swap3A, %swap3A_46], %add3A_45 {strides = array<i32>} : memref<64x128xf32, #tpu.memory_space<vmem>>, vector<64x128xf32>,
    %get3A_48 = arith.constant 0 : index
    %get3A_49 = arith.constant 0 : index
    %get3A_50 = vector.load %arg13[%get3A_48, %get3A_49] : memref<64x1xf32, #tpu.memory_space<vmem>>, vector<64x1xf32>
    %reduce_sum3A = arith.constant dense<0.000000e+00> : vector<64xf32>
    %reduce_sum3A_51 = vector.multi_reduction <add>, %convert_element_type3A_39, %reduce_sum3A [1] : vector<64x2000xf32> to vector<64xf32>
    %broadcast_in_dim3A_52 = vector.shape_cast %reduce_sum3A_51 : vector<64xf32> to vector<64x1xf32>
    %add3A_53 = arith.addf %get3A_50, %broadcast_in_dim3A_52 : vector<64x1xf32>
    %swap3A_54 = arith.constant 0 : index
    %swap3A_55 = arith.constant 0 : index
    %swap3A_56 = vector.load %arg13[%swap3A_54, %swap3A_55] : memref<64x1xf32, #tpu.memory_space<vmem>>, vector<64x1xf32>
    tpu.vector_store %arg13[%swap3A_54, %swap3A_55], %add3A_53 {strides = array<i32>} : memref<64x1xf32, #tpu.memory_space<vmem>>, vector<64x1xf32>,
    %eq3A_57 = arith.constant 4 : i32
    %eq3A_58 = arith.cmpi eq, %arg0, %eq3A_57 : i32
    %convert_element_type3A_59 = arith.extui %eq3A_58 : i1 to i32
    %cond3A_60 = arith.constant 0 : i32
    %cond3A_61 = arith.cmpi ne, %convert_element_type3A_59, %cond3A_60 : i32
    scf.if %cond3A_61 {
      %get3A_62 = arith.constant 0 : index
      %get3A_63 = arith.constant 0 : index
      %get3A_64 = vector.load %arg12[%get3A_62, %get3A_63] : memref<64x128xf32, #tpu.memory_space<vmem>>, vector<64x128xf32>
      %get3A_65 = arith.constant 0 : index
      %get3A_66 = arith.constant 0 : index
      %get3A_67 = vector.load %arg13[%get3A_65, %get3A_66] : memref<64x1xf32, #tpu.memory_space<vmem>>, vector<64x1xf32>
      %max3A_68 = arith.constant 1.000000e+00 : f32
      %max3A_69 = vector.broadcast %max3A_68 : f32 to vector<64x1xf32>
      %max3A_70 = arith.maximumf %get3A_67, %max3A_69 : vector<64x1xf32>
      %div3A = vector.broadcast %max3A_70 : vector<64x1xf32> to vector<64x128xf32>
      %div3A_71 = arith.divf %get3A_64, %div3A : vector<64x128xf32>
      %get3A_72 = arith.constant 0 : index
      %get3A_73 = arith.constant 0 : index
      %get3A_74 = vector.load %arg7[%get3A_72, %get3A_73] : memref<128x128xf32, #tpu.memory_space<vmem>>, vector<128x128xf32>
      %dot_general3A_75 = arith.constant dense<0.000000e+00> : vector<64x128xf32>
      %dot_general3A_76 = tpu.matmul %div3A_71, %get3A_74, %dot_general3A_75 {dimension_numbers = #tpu.dot_dimension_numbers<[1], [0], [0], [1], [0, 0, 1, 1], [], []>, transpose_lhs_hint = false} : vector<64x128xf32>, vector<128x128xf32>, vector<64x128xf32> -> vector<64x128xf32>
      %get3A_77 = arith.constant 0 : index
      %get3A_78 = arith.constant 0 : index
      %get3A_79 = vector.load %arg8[%get3A_77, %get3A_78] : memref<1x128xf32, #tpu.memory_space<vmem>>, vector<1x128xf32>
      %add3A_80 = vector.broadcast %get3A_79 : vector<1x128xf32> to vector<64x128xf32>
      %add3A_81 = arith.addf %dot_general3A_76, %add3A_80 : vector<64x128xf32>
      %max3A_82 = arith.constant 0.000000e+00 : f32
      %max3A_83 = vector.broadcast %max3A_82 : f32 to vector<64x128xf32>
      %max3A_84 = arith.maximumf %add3A_81, %max3A_83 : vector<64x128xf32>
      %get3A_85 = arith.constant 0 : index
      %get3A_86 = arith.constant 0 : index
      %get3A_87 = vector.load %arg9[%get3A_85, %get3A_86] : memref<128x1xf32, #tpu.memory_space<vmem>>, vector<128x1xf32>
      %dot_general3A_88 = arith.constant dense<0.000000e+00> : vector<64x1xf32>
      %dot_general3A_89 = tpu.matmul %max3A_84, %get3A_87, %dot_general3A_88 {dimension_numbers = #tpu.dot_dimension_numbers<[1], [0], [0], [1], [0, 0, 1, 1], [], []>, transpose_lhs_hint = false} : vector<64x128xf32>, vector<128x1xf32>, vector<64x1xf32> -> vector<64x1xf32>
      %get3A_90 = arith.constant 0 : index
      %get3A_91 = arith.constant 0 : index
      %get3A_92 = vector.load %arg10[%get3A_90, %get3A_91] : memref<1x1xf32, #tpu.memory_space<vmem>>, vector<1x1xf32>
      %add3A_93 = vector.broadcast %get3A_92 : vector<1x1xf32> to vector<64x1xf32>
      %add3A_94 = arith.addf %dot_general3A_89, %add3A_93 : vector<64x1xf32>
      %swap3A_95 = arith.constant 0 : index
      %swap3A_96 = arith.constant 0 : index
      %swap3A_97 = vector.load %arg11[%swap3A_95, %swap3A_96] : memref<64x1xf32, #tpu.memory_space<vmem>>, vector<64x1xf32>
      tpu.vector_store %arg11[%swap3A_95, %swap3A_96], %add3A_94 {strides = array<i32>} : memref<64x1xf32, #tpu.memory_space<vmem>>, vector<64x1xf32>,
    } else {
    }
    return
  }
  func.func @transform_0(%arg0: i32) -> (i32, i32) {
    %c0_i32 = arith.constant 0 : i32
    %c0_i32_0 = arith.constant 0 : i32
    return %arg0, %c0_i32 : i32, i32
  }
  func.func @transform_1(%arg0: i32) -> (i32, i32, i32) {
    %c0_i32 = arith.constant 0 : i32
    %c0_i32_0 = arith.constant 0 : i32
    %c0_i32_1 = arith.constant 0 : i32
    return %c0_i32, %arg0, %c0_i32_0 : i32, i32, i32
  }
  func.func @transform_2(%arg0: i32) -> (i32, i32, i32) {
    %c0_i32 = arith.constant 0 : i32
    %c0_i32_0 = arith.constant 0 : i32
    %c0_i32_1 = arith.constant 0 : i32
    return %arg0, %c0_i32, %c0_i32_0 : i32, i32, i32
  }
  func.func @transform_3(%arg0: i32) -> (i32, i32) {
    %c0_i32 = arith.constant 0 : i32
    %c0_i32_0 = arith.constant 0 : i32
    %c0_i32_1 = arith.constant 0 : i32
    return %c0_i32, %c0_i32_0 : i32, i32
  }
  func.func @transform_4(%arg0: i32) -> (i32, i32) {
    %c0_i32 = arith.constant 0 : i32
    %c0_i32_0 = arith.constant 0 : i32
    %c0_i32_1 = arith.constant 0 : i32
    return %c0_i32, %c0_i32_0 : i32, i32
  }
  func.func @transform_5(%arg0: i32) -> (i32, i32) {
    %c0_i32 = arith.constant 0 : i32
    %c0_i32_0 = arith.constant 0 : i32
    %c0_i32_1 = arith.constant 0 : i32
    return %c0_i32, %c0_i32_0 : i32, i32
  }
  func.func @transform_6(%arg0: i32) -> (i32, i32) {
    %c0_i32 = arith.constant 0 : i32
    %c0_i32_0 = arith.constant 0 : i32
    %c0_i32_1 = arith.constant 0 : i32
    return %c0_i32, %c0_i32_0 : i32, i32
  }
  func.func @transform_7(%arg0: i32) -> (i32, i32) {
    %c0_i32 = arith.constant 0 : i32
    %c0_i32_0 = arith.constant 0 : i32
    %c0_i32_1 = arith.constant 0 : i32
    return %c0_i32, %c0_i32_0 : i32, i32
  }
  func.func @transform_8(%arg0: i32) -> (i32, i32) {
    %c0_i32 = arith.constant 0 : i32
    %c0_i32_0 = arith.constant 0 : i32
    %c0_i32_1 = arith.constant 0 : i32
    return %c0_i32, %c0_i32_0 : i32, i32
  }
  func.func @transform_9(%arg0: i32) -> (i32, i32) {
    %c0_i32 = arith.constant 0 : i32
    %c0_i32_0 = arith.constant 0 : i32
    %c0_i32_1 = arith.constant 0 : i32
    return %c0_i32, %c0_i32_0 : i32, i32
  }
  func.func @transform_10(%arg0: i32) -> (i32, i32) {
    %c0_i32 = arith.constant 0 : i32
    %c0_i32_0 = arith.constant 0 : i32
    %c0_i32_1 = arith.constant 0 : i32
    return %c0_i32, %c0_i32_0 : i32, i32
  }
}

</mosaic_0001>

<sc_bundles>
// kernel: kernel.10.cloned.1.call-start
scs
__scs_entry_jumppad:
0x0: {  	(pc) =	sbr.rel $0x88, $3  }
0x1: {  	(tag) =	ssettag $0x0;
	lr =	simm.s32 $0x1  }
0x2: {  	[smem:$0x3F93] =	sst lr;
	_ =	strace $0xD0000000  }
0x3: {  	_ = 	snop  }
0x4: {  	_ = 	snop  }
0x5: {  	_ = 	snop  }
0x6: {  	_ = 	snop  }
0x7: {  	_ = 	snop  }
__scs_overlays_trampoline_lowered:
0x8: {  	[smem:$0x3FA2] =	sst s0  }
0x9: {  	[smem:$0x3FA3] =	sst s1  }
0xa: {  	[smem:$0x3FA4] =	sst s2  }
0xb: {  	[smem:$0x3FA5] =	sst s3  }
0xc: {  	[smem:$0x3FA6] =	sst s4  }
0xd: {  	[smem:$0x3FA7] =	sst s5  }
0xe: {  	[smem:$0x3FA8] =	sst s6  }
0xf: {  	[smem:$0x3FA9] =	sst s7  }
0x10: {  	[smem:$0x3FAA] =	sst s8  }
0x11: {  	[smem:$0x3FAB] =	sst s9;
	s0 =	simm.s32 @!p0 $0x0  }
0x12: {  	s1 =	sld [smem:$0x3F91];
	s0 =	simm.s32 @p0 $0x1  }
0x13: {  	[smem:$0x3FAC] =	sst s0;
	s0 =	simm.s32 @!p1 $0x0  }
0x14: {  	s2 =	sld [smem:$0x3F90];
	s0 =	simm.s32 @p1 $0x1  }
0x15: {  	[smem:$0x3FAD] =	sst s0;
	s0 =	simm.s32 @!p2 $0x0  }
0x16: {  	s3 =	sld [smem:$0x3FDB];
	s0 =	simm.s32 @p2 $0x1  }
0x17: {  	s4 =	simm.s32 $0x1BF5;
	[smem:$0x3FAF] =	sst s0  }
0x18: {  	s0 =	sld [smem:$0x3F92];
	_ =	swait.ge [sflag:s4], $0x0  }
0x19: {  	s7 =	sld [smem:$0x3F93]  }
0x1a: {  	s8 =	sadd.s32 $0xFFFFE003, lr  }
0x1b: {  	s9 =	sadd.s32 $0xFFFFFEF7, lr;
	s5 =	simm.s32 $0xFFFFFFFF;
	p2 =	slt.u32 s8, $0xFFFFF086  }
0x1c: {  	p1 =	slt.u32 s9, $0xF7A;
	s5 =	simm.s32 @!p2 $0x0  }
0x1d: {  	s5 =	simm.s32 @p1 $0x1;
	p0 =	seq.s32 s7, s2  }
0x1e: {  	s7 =	smul.u32 @!p0 $0xF7A, s2;
	p2 =	seq.s32 @!p0 s5, $0x0  }
0x1f: {  	s9 =	smul.u32 $0xF7A, s1;
	s8 =	simm.s32 @!p0 $0x1BF5;
	p2 =	por !p2, p0  }
0x20: {  	[sflag:s8] =	ssyncset.s32 @!p0 $0xFFFFF086;
	s6 =	sadd.s32 @!p0 s3, s7;
	s7 =	simm.s32 @!p0 $0x108  }
0x21: {  	s3 =	sadd.s32 s3, s9;
	s6 =	sadd.s32 @!p0 $0x88, s6;
	s7 =	simm.s32 @p2 $0x1082  }
0x22: {  	[simem:s7], [sflag:s8] =	dma.local @!p0 [hbm:s6], $0xF7A  }
0x23: {  	s9 =	sor.u32 $0xD0000000, s2;
	s6 =	simm.s32 $0x108;
	_ =	swait.ge @!p0 [sflag:s8], $0x0  }
0x24: {  	s3 =	sadd.s32 $0x88, s3;
	s6 =	simm.s32 @!p1 $0x1082;
	[sflag:s4] =	ssyncset.s32 $0xFFFFF086  }
0x25: {  	[simem:s6], [sflag:s4] =	dma.local [hbm:s3], $0xF7A  }
0x26: {  	[smem:$0x3F93] =	sst s1;
	(tag) =	ssettag s2;
	_ =	strace s9  }
0x27: {  	s1 =	sld [smem:$0x3FA3]  }
0x28: {  	s2 =	sld [smem:$0x3FA4]  }
0x29: {  	s4 =	sld [smem:$0x3FA6]  }
0x2a: {  	p0 =	seq.s32 s5, $0x0;
	s5 =	sld [smem:$0x3FA7]  }
0x2b: {  	s6 =	sld [smem:$0x3FA8]  }
0x2c: {  	s7 =	sld [smem:$0x3FA9]  }
0x2d: {  	s3 =	simm.s32 $0x108;
	s8 =	sld [smem:$0x3FAA]  }
0x2e: {  	s3 =	simm.s32 @!p0 $0x1082;
	s9 =	sld [smem:$0x3FAB]  }
0x2f: {  	lr =	sadd.s32 s0, s3;
	s0 =	sld [smem:$0x3FA2]  }
0x30: {  	s3 =	sld [smem:$0x3FA5]  }
0x31: {  	[smem:$0x3FAE] =	sst s10  }
0x32: {  	s10 =	sld [smem:$0x3FAC];
	_ =	sdelay $0x3  }
0x33: {  	p0 =	seq.s32 s10, $0x1;
	s10 =	sld [smem:$0x3FAE];
	_ =	sdelay $0x3  }
0x34: {  	[smem:$0x3FAE] =	sst s10  }
0x35: {  	s10 =	sld [smem:$0x3FAD];
	_ =	sdelay $0x3  }
0x36: {  	p1 =	seq.s32 s10, $0x1;
	s10 =	sld [smem:$0x3FAE];
	_ =	sdelay $0x3  }
0x37: {  	[smem:$0x3FAE] =	sst s10  }
0x38: {  	s10 =	sld [smem:$0x3FAF]  }
0x39: {  	_ = 	snop;
	(pc) =	sbr.ind lr, $3  }
0x3a: {  	_ = 	snop  }
0x3b: {  	_ = 	snop  }
0x3c: {  	p2 =	seq.s32 s10, $0x1;
	s10 =	sld [smem:$0x3FAE]  }
0x3d: {  	_ =	shalt  }
0x3e: {  	_ =	shalt  }
0x3f: {  	_ =	shalt  }
0x40: {  	_ =	shalt  }
0x41: {  	_ =	shalt  }
0x42: {  	_ =	shalt  }
0x43: {  	_ =	shalt  }
0x44: {  	_ =	shalt  }
0x45: {  	_ =	shalt  }
0x46: {  	_ =	shalt  }
0x47: {  	_ =	shalt  }
0x48: {  	_ =	shalt  }
0x49: {  	_ =	shalt  }
0x4a: {  	_ =	shalt  }
0x4b: {  	_ =	shalt  }
0x4c: {  	_ =	shalt  }
0x4d: {  	_ =	shalt  }
0x4e: {  	_ =	shalt  }
0x4f: {  	_ =	shalt  }
0x50: {  	_ =	shalt  }
0x51: {  	_ =	shalt  }
0x52: {  	_ =	shalt  }
0x53: {  	_ =	shalt  }
0x54: {  	_ =	shalt  }
0x55: {  	_ =	shalt  }
0x56: {  	_ =	shalt  }
0x57: {  	_ =	shalt  }
0x58: {  	_ =	shalt  }
0x59: {  	_ =	shalt  }
0x5a: {  	_ =	shalt  }
0x5b: {  	_ =	shalt  }
0x5c: {  	_ =	shalt  }
0x5d: {  	_ =	shalt  }
0x5e: {  	_ =	shalt  }
0x5f: {  	_ =	shalt  }
0x60: {  	_ =	shalt  }
0x61: {  	_ =	shalt  }
0x62: {  	_ =	shalt  }
0x63: {  	_ =	shalt  }
0x64: {  	_ =	shalt  }
0x65: {  	_ =	shalt  }
0x66: {  	_ =	shalt  }
0x67: {  	_ =	shalt  }
0x68: {  	_ =	shalt  }
0x69: {  	_ =	shalt  }
0x6a: {  	_ =	shalt  }
0x6b: {  	_ =	shalt  }
0x6c: {  	_ =	shalt  }
0x6d: {  	_ =	shalt  }
0x6e: {  	_ =	shalt  }
0x6f: {  	_ =	shalt  }
0x70: {  	_ =	shalt  }
0x71: {  	_ =	shalt  }
0x72: {  	_ =	shalt  }
0x73: {  	_ =	shalt  }
0x74: {  	_ =	shalt  }
0x75: {  	_ =	shalt  }
0x76: {  	_ =	shalt  }
0x77: {  	_ =	shalt  }
0x78: {  	_ =	shalt  }
0x79: {  	_ =	shalt  }
0x7a: {  	_ =	shalt  }
0x7b: {  	_ =	shalt  }
0x7c: {  	_ =	shalt  }
0x7d: {  	_ =	shalt  }
0x7e: {  	_ =	shalt  }
0x7f: {  	_ =	shalt  }
0x80: {  	_ =	shalt  }
0x81: {  	_ =	shalt  }
0x82: {  	_ =	shalt  }
0x83: {  	_ =	shalt  }
0x84: {  	_ =	shalt  }
0x85: {  	_ =	shalt  }
0x86: {  	_ =	shalt  }
0x87: {  	_ =	shalt  }
.Lfunc_end0:
.L_simem_size_0:
called_computation_lowered:
.L_overlay_start_0:
0x88: {  	s2 =	sld [smem:$0x3FD9]  }
0x89: {  	s3 =	sld [smem:$0x3FFE];
	_ =	sdelay $0x1  }
0x8a: {  	s1 =	srdreg.scid  }
0x8b: {  	s0 =	sand.u32 $0x1, s1  }
0x8c: {  	s16 =	sshll.u32 s0, $0xA;
	s2 =	sadd.s32 s3, s2  }
0x8d: {  	s2 =	sadd.s32 s2, s16  }
0x8e: {  	[smem:$0x3FBA] =	sst s2  }
0x8f: {  	_ = 	snop  }
0x90: {  	(tm) =	ssettm $0x1  }
0x91: {  	s17 =	sld [smem:$0x3FFB];
	_ =	sdelay $0x3  }
0x92: {  	_ =	strace s17  }
0x93: {  	s2 =	sld [smem:$0x3FFC];
	_ =	sdelay $0x3  }
0x94: {  	_ =	strace s2  }
0x95: {  	s2 =	sld [smem:$0x3FFD];
	_ =	sdelay $0x3  }
0x96: {  	_ =	strace s2  }
0x97: {  	_ =	strace $0x8FFFFFFF  }
0x98: {  	s18 =	sld [smem:$0x3FDB];
	_ =	sdelay $0x1  }
0x99: {  	s19 =	simm.s32 $_scs_section_size  }
0x9a: {  	s4 =	simm.s32 $_size__tile_overlayer_lowered;
	s5 =	simm.s32 $_tile_overlayer_lowered  }
0x9b: {  	s22 =	simm.s32 $0x1BFF;
	s21 =	sshll.u32 s5, $0x1;
	s2 =	sadd.s32 s19, s18  }
0x9c: {  	s6 =	simm.s32 $0x0;
	s20 =	sshll.u32 s4, $0x1;
	s4 =	sadd.s32 s21, s2  }
0x9d: {  	[timem:s6], [sflag:s22] =	dma.local [hbm:s4], s20  }
0x9e: {  	_ =	swait.ge [sflag:s22], s20  }
0x9f: {  	s3 =	ssub.s32 $0x0, s20;
	[sflag:s22] =	ssyncset.done $0x0  }
0xa0: {  	[sflag:s22] =	ssyncadd.s32 s3;
	_ =	sdelay $0x1  }
0xa1: {  	s23 =	simm.s32 $0x1B8B  }
0xa2: {  	_ =	swait.ge [sflag:s23], $0x1  }
0xa3: {  	[sflag:s23] =	ssyncset.done $0x0  }
0xa4: {  	s25 =	simm.s32 $0x1B8E;
	s24 =	sld [smem:$0x3FFE];
	[sflag:s23] =	ssyncadd.s32 $0xFFFFFFFF  }
0xa5: {  	s26 =	simm.s32 $execute0_lowered;
	[smem:$0x3FD2] =	sst s25  }
0xa6: {  	s4 =	sshll.u32 s26, $0x1;
	_ =	strace $0x80000046;
	[dreg:$0x1] =	wrdreg $0xFFFFFFFF  }
0xa7: {  	s28 =	simm.s32 $_size_execute0_lowered;
	s2 =	sadd.s32 s2, s4;
	[dreg:$0x0] =	wrdreg $0x0  }
0xa8: {  	s4 =	sshll.u32 s28, $0x1;
	[dreg:$0x2] =	wrdreg s2  }
0xa9: {  	[dreg:$0x3] =	wrdreg s4  }
0xaa: {  	[dreg:$0x4] =	wrdreg $0xC0  }
0xab: {  	_ =	task [dreg:s6], $0x5FFFF  }
0xac: {  	[dreg:$0x1] =	wrdreg $0xFFFFFFFF  }
0xad: {  	[dreg:$0x0] =	wrdreg $0x60  }
0xae: {  	[dreg:$0x2] =	wrdreg s24  }
0xaf: {  	[dreg:$0x3] =	wrdreg $0x0  }
0xb0: {  	[dreg:$0x4] =	wrdreg $0x9  }
0xb1: {  	_ =	task.clear_ibuf [dreg:s6], $0x5FFFF;
	_ =	strace $0x90000046  }
0xb2: {  	s29 =	simm.s32 $0x9;
	_ =	strace $0x80000048  }
0xb3: {  	_ =	swait.ge [sflag:s29], $0x1  }
0xb4: {  	[sflag:s29] =	ssyncadd.s32 $0xFFFFFFFF  }
0xb5: {  	_ =	strace $0x90000048  }
0xb6: {  	_ =	sfence  }
0xb7: {  	s30 =	sld [smem:$0x0];
	_ =	sdelay $0x2  }
0xb8: {  	s31 =	sshll.u32 s1, $0xD;
	s1 =	sshrl.u32 s1, $0x2  }
0xb9: {  	s3 =	sand.u32 $0x4000, s31;
	s1 =	sadd.s32 s1, s30  }
0xba: {  	s0 =	sor.u32 s3, s0;
	s1 =	sshll.u32 s1, $0x11  }
0xbb: {  	s0 =	sor.u32 s1, s0  }
0xbc: {  	s0 =	sadd.s32 $0x8F2B, s0  }
0xbd: {  	[sflag:s0] =	ssyncadd.remote.s32 $0x1  }
0xbe: {  	_ =	sfence.sel $0xFFFF  }
0xbf: {  	[dreg:$0x0] =	wrdreg $0xFFFFFFFF;
	(pc) =	sbr.abs _section_cstart, $3  }
0xc0: {  	[dreg:$0x1] =	wrdreg $0xFFFFFFFF  }
0xc1: {  	_ =	task.clear_ibuf [dreg:s6], $0x2FFFF;
	_ =	strace $0x9FFFFFFF  }
0xc2: {  	(tm) =	ssettm $0x7FFFFFFF  }
0xc3: {  	_ =	shalt  }
tec
execute0_lowered:
.L_overlay_start_1:
0x0: {  	(tag) =	ssettag $0x1  }
0x1: {  	s0 =	rddreg [dreg:$0x0];
	s1 =	srdreg.scid  }
0x2: {  	s2 =	rddreg [dreg:$0x1];
	s12 =	stileid.u32  }
0x3: {  	s3 =	simm.s32 $0x0;
	s17 =	simm.s32 $0x5;
	s20 =	simm.s32 $0x50  }
0x4: {  	s21 =	simm.s32 $0x19200;
	s28 =	simm.s32 $0x4;
	s29 =	simm.s32 $0x1BA00  }
0x5: {  	s30 =	simm.s32 $0x14180;
	s31 =	simm.s32 $0x0;
	s1 =	sand.u32 $0x1, s1  }
0x6: {  	s5 =	smul.u32 $0x14000, s12;
	[smem:$0x7FF] =	sst s3;
	s8 =	sadd.s32 $0x4A400, s0  }
0x7: {  	s9 =	sshll.u32 s12, $0x1;
	s11 =	smul.u32 $0x50000, s12;
	s25 =	sshll.u32 s12, $0x6  }
0x8: {  	s4 =	smul.u32 $0x140000, s1;
	_ =	strace $0x80000047;
	[dreg:$0x3] =	wrdreg s8  }
0x9: {  	s10 =	ssub.s32 $0x2, s1;
	s8 =	sadd.s32 $0x9E7200, s0;
	s9 =	sor.u32 s1, s9  }
0xa: {  	s22 =	sshrl.u32 s10, $0x1;
	s23 =	sshrl.u32 s11, $0x2;
	s24 =	smul.u32 $0x500, s9  }
0xb: {  	s26 =	sshll.u32 s9, $0x5;
	s13 =	sor.u32 $0x40, s9;
	s6 =	sadd.s32 s5, s4  }
0xc: {  	s4 =	sadd.s32 $0x23200, s0;
	s5 =	sadd.s32 $0x505200, s0;
	s1 =	sadd.s32 s23, s2  }
0xd: {  	s23 =	simm.s32 $0x3;
	s7 =	sshrl.u32 s6, $0x3;
	s6 =	sadd.s32 $0x3E00, s0  }
.Ltmp0:
0xe: {  	s11 =	sadd.s32 s5, s24;
	s16 =	sshrl.u32 s1, $0x3;
	(pc) =	sbr.rel .LBB2_1-.Ltmp0, $4  }
0xf: {  	s24 =	simm.s32 $0x6;
	s7 =	sadd.s32 s7, s0;
	s0 =	ssub.s32 s10, s22  }
0x10: {  	s10 =	sor.u32 $0x1C05, s25;
	s12 =	sadd.s32 s6, s26;
	[dreg:$0x5] =	wrdreg s11  }
0x11: {  	s22 =	simm.s32 $0x1;
	s25 =	simm.s32 $0x14080;
	s26 =	simm.s32 $0x2  }
0x12: {  	[dreg:$0x4] =	wrdreg s12;
	s14 =	sadd.s32 $0x4CC00, s7;
	s15 =	smax.u32 s0, $0x1  }
.LBB2_9:
0x13: {  	s31 =	sadd.s32 $0x1, s31  }
0x14: {  	p0 =	sne.s32 s31, s15  }
.Ltmp1:
0x15: {  	[bflag:$0x0] =	sbarrier.arrive $0xFFFF;
	(pc) =	sbr.rel @!p0 .LBB2_10-.Ltmp1, $4  }
0x16: {  	[hbm:s14], [sflag:s10] =	dma.local [spmem:s16], $0x2800  }
0x17: {  	_ =	swait.ge [sflag:s17], $0x2800  }
0x18: {  	[sflag:s17] =	ssyncset.done $0x0  }
0x19: {  	[sflag:s17] =	ssyncadd.s32 $0xFFFFD800  }
.LBB2_1:
0x1a: {  	s0 =	rddreg [dreg:$0x3]  }
0x1b: {  	[spmem:s16], [sflag:s10] =	dma.local [hbm:s0], $0x2800  }
0x1c: {  	_ =	swait.ge [sflag:s17], $0x2800  }
0x1d: {  	[sflag:s17] =	ssyncset.done $0x0  }
0x1e: {  	[sflag:s17] =	ssyncadd.s32 $0xFFFFD800  }
0x1f: {  	[bflag:$0x0] =	sbarrier.arrive $0xFFFF  }
0x20: {  	s1 =	simm.s32 $0x14000;
	s18 =	rddreg [dreg:$0x4]  }
0x21: {  	[tilespmem:s1], [sflag:$0x5] =	stream.linear.gather [hbm4b:s18+s3], $0x100, $0x38;
	[tilespmem:$0x1E200] =	vst v63  }
0x22: {  	_ =	swait.ge [sflag:s17], $0x100  }
.Ltmp2:
0x23: {  	[sflag:s17] =	ssyncset.done $0x0;
	(pc) =	sbr.rel .LBB2_2-.Ltmp2, $4  }
0x24: {  	s7 =	simm.s32 $0x14200;
	s19 =	rddreg [dreg:$0x5];
	[sflag:s17] =	ssyncadd.s32 $0xFFFFFF00  }
0x25: {  	[tilespmem:s7], [sflag:$0x1] =	stream.linear.gather [hbm4b:s19+s3], $0x2800, $0x38;
	[tilespmem:$0x1E200] =	vst v63  }
0x26: {  	s0 =	simm.s32 $0x0  }
0x27: {  	[tilespmem:s21], [sflag:$0x3] =	stream.indirect.gather [hbm4b:s4+s20], $0x80, s1, s20, $0xb8;
	[tilespmem:$0x1E200] =	vst v63  }
.LBB2_8:
0x28: {  	s0 =	sadd.s32 $0x1, s0  }
0x29: {  	p0 =	sne.s32 s0, $0x3F  }
.Ltmp3:
0x2a: {  	_ = 	snop;
	(pc) =	sbr.rel @!p0 .LBB2_9-.Ltmp3, $1  }
0x2b: {  	_ =	sdelay $0x3  }
.LBB2_2:
0x2c: {  	s19 =	sshll.u32 s0, $0x6  }
0x2d: {  	s7 =	sor.u32 $0x20, s19  }
0x2e: {  	s1 =	sor.u32 s9, s7;
	p0 =	sgt.u32 s7, $0xF9F  }
0x2f: {  	s7 =	sshll.u32 @!p0 s1, $0x5  }
0x30: {  	s11 =	simm.s32 @!p0 $0x0;
	s12 =	simm.s32 @!p0 $0x14100;
	s7 =	sadd.s32 @!p0 s6, s7  }
0x31: {  	[tilespmem:s12], [sflag:$0x6] =	stream.linear.gather @!p0 [hbm4b:s7+s11], $0x100, $0x38;
	[tilespmem:$0x1E200] =	vst v63  }
0x32: {  	s7 =	simm.s32 @!p0 $0x6  }
0x33: {  	s18 =	smul.u32 @!p0 $0x500, s1;
	_ =	swait.ge @!p0 [sflag:s7], $0x100  }
0x34: {  	[sflag:s7] =	ssyncset.done @!p0 $0x0  }
0x35: {  	[sflag:s7] =	ssyncadd.s32 @!p0 $0xFFFFFF00;
	s7 =	sadd.s32 @!p0 s5, s18;
	s18 =	simm.s32 @!p0 $0x16A00  }
0x36: {  	[tilespmem:s18], [sflag:$0x2] =	stream.linear.gather @!p0 [hbm4b:s7+s11], $0x2800, $0x38;
	[tilespmem:$0x1E200] =	vst v63  }
0x37: {  	s7 =	simm.s32 @!p0 $0x50;
	s11 =	simm.s32 @!p0 $0x1BA00  }
0x38: {  	[tilespmem:s11], [sflag:$0x4] =	stream.indirect.gather @!p0 [hbm4b:s4+s7], $0x80, s12, s7, $0xb8;
	[tilespmem:$0x1E200] =	vst v63  }
0x39: {  	_ =	swait.ge [sflag:s22], $0x2800  }
0x3a: {  	[sflag:s22] =	ssyncset.done $0x0  }
0x3b: {  	[sflag:s22] =	ssyncadd.s32 $0xFFFFD800  }
0x3c: {  	_ =	swait.ge [sflag:s23], $0x2800  }
0x3d: {  	[sflag:s23] =	ssyncset.done $0x0  }
0x3e: {  	s7 =	simm.s32 $0x0;
	[sflag:s23] =	ssyncadd.s32 $0xFFFFD800  }
0x3f: {  	v6 =	vld [tilespmem:s7+$0x14200]  }
0x40: {  	v11 =	vld [tilespmem:s7+$0x14210]  }
0x41: {  	v5 =	vld [tilespmem:s7+$0x14220]  }
0x42: {  	v4 =	vld [tilespmem:s7+$0x14230]  }
0x43: {  	v3 =	vld [tilespmem:s7+$0x14240]  }
0x44: {  	v2 =	vld [tilespmem:s7+$0x14250]  }
0x45: {  	v1 =	vld [tilespmem:s7+$0x14260]  }
0x46: {  	v0 =	vld [tilespmem:s7+$0x14270]  }
0x47: {  	v12 =	vld [tilespmem:s7+$0x19200]  }
0x48: {  	v13 =	vld [tilespmem:s7+$0x19210]  }
0x49: {  	v10 =	vld [tilespmem:s7+$0x19220]  }
0x4a: {  	v9 =	vld [tilespmem:s7+$0x19230]  }
0x4b: {  	v8 =	vld [tilespmem:s7+$0x19240]  }
0x4c: {  	v7 =	vld [tilespmem:s7+$0x19250];
	v12 =	vadd.f32 v6, v12  }
0x4d: {  	s11 =	sor.u32 s9, s19;
	s12 =	simm.s32 $0x200;
	v11 =	vadd.f32 v11, v13;
	v6 =	vld [tilespmem:s7+$0x19260]  }
.LBB2_3:
0x4e: {  	s18 =	sshra.s32 s12, $0x2;
	p1 =	sne.s32 s12, $0x9E00;
	v12 =	vmax.f32 v12, $0.0e+00;
	v5 =	vadd.f32 v5, v10;
	v10 =	vld [tilespmem:s7+$0x19270]  }
0x4f: {  	v13 =	vld [tilespmem:s18+$0x14200];
	[tilespmem:s7+$0x19200] =	vst v12;
	v11 =	vmax.f32 v11, $0.0e+00;
	v4 =	vadd.f32 v4, v9  }
0x50: {  	v14 =	vld [tilespmem:s18+$0x14210];
	[tilespmem:s7+$0x19210] =	vst v11;
	v9 =	vmax.f32 v5, $0.0e+00;
	v3 =	vadd.f32 v3, v8  }
0x51: {  	v5 =	vld [tilespmem:s18+$0x14220];
	[tilespmem:s7+$0x19220] =	vst v9;
	v8 =	vmax.f32 v4, $0.0e+00;
	v2 =	vadd.f32 v2, v7  }
0x52: {  	v4 =	vld [tilespmem:s18+$0x14230];
	[tilespmem:s7+$0x19230] =	vst v8;
	v7 =	vmax.f32 v3, $0.0e+00;
	v1 =	vadd.f32 v1, v6  }
0x53: {  	v3 =	vld [tilespmem:s18+$0x14240];
	[tilespmem:s7+$0x19240] =	vst v7;
	v6 =	vmax.f32 v2, $0.0e+00;
	v0 =	vadd.f32 v0, v10  }
0x54: {  	v2 =	vld [tilespmem:s18+$0x14250];
	[tilespmem:s7+$0x19250] =	vst v6;
	v6 =	vmax.f32 v1, $0.0e+00  }
0x55: {  	v1 =	vld [tilespmem:s18+$0x14260];
	[tilespmem:s7+$0x19260] =	vst v6;
	v6 =	vmax.f32 v0, $0.0e+00  }
0x56: {  	v0 =	vld [tilespmem:s18+$0x14270];
	[tilespmem:s7+$0x19270] =	vst v6;
	s7 =	smov.u32 s18  }
0x57: {  	v6 =	vld [tilespmem:s7+$0x19200]  }
0x58: {  	v11 =	vld [tilespmem:s7+$0x19210]  }
.Ltmp4:
0x59: {  	v10 =	vld [tilespmem:s7+$0x19220];
	(pc) =	sbr.rel @p1 .LBB2_3-.Ltmp4, $4  }
0x5a: {  	v9 =	vld [tilespmem:s7+$0x19230]  }
0x5b: {  	v8 =	vld [tilespmem:s7+$0x19240]  }
0x5c: {  	v12 =	vadd.f32 v13, v6;
	v7 =	vld [tilespmem:s7+$0x19250]  }
0x5d: {  	s12 =	sadd.s32 $0x200, s12;
	v11 =	vadd.f32 v14, v11;
	v6 =	vld [tilespmem:s7+$0x19260]  }
0x5e: {  	v12 =	vmax.f32 v12, $0.0e+00;
	v5 =	vadd.f32 v5, v10;
	v63 =	vld [tilespmem:s7+$0x19270]  }
0x5f: {  	[tilespmem:s7+$0x19200] =	vst v12;
	v11 =	vmax.f32 v11, $0.0e+00;
	v4 =	vadd.f32 v4, v9  }
0x60: {  	[tilespmem:s7+$0x19210] =	vst v11;
	v5 =	vmax.f32 v5, $0.0e+00;
	v3 =	vadd.f32 v3, v8  }
0x61: {  	[tilespmem:s7+$0x19220] =	vst v5;
	v4 =	vmax.f32 v4, $0.0e+00;
	v2 =	vadd.f32 v2, v7  }
0x62: {  	[tilespmem:s7+$0x19230] =	vst v4;
	v3 =	vmax.f32 v3, $0.0e+00;
	v1 =	vadd.f32 v1, v6  }
0x63: {  	[tilespmem:s7+$0x19240] =	vst v3;
	v2 =	vmax.f32 v2, $0.0e+00;
	v0 =	vadd.f32 v0, v63  }
0x64: {  	s11 =	smul.u32 $0x500, s11;
	[tilespmem:s7+$0x19250] =	vst v2;
	v1 =	vmax.f32 v1, $0.0e+00  }
0x65: {  	[tilespmem:s7+$0x19260] =	vst v1;
	v0 =	vmax.f32 v0, $0.0e+00  }
0x66: {  	s18 =	sadd.s32 s8, s11;
	[tilespmem:s7+$0x19270] =	vst v0  }
0x67: {  	[hbm4b:s18+s3] =	stream.linear.scatter [tilespmem:s21], [sflag:$0x6], $0x2800, $0x38;
	[tilespmem:$0x1E200] =	vst v63  }
0x68: {  	_ =	swait.ge [sflag:s24], $0x2800  }
0x69: {  	[sflag:s24] =	ssyncset.done $0x0  }
0x6a: {  	p1 =	seq.s32 s0, $0x3E;
	[sflag:s24] =	ssyncadd.s32 $0xFFFFD800  }
0x6b: {  	[spmem:s2] =	stream.indirect.scatter.add.f32 [tilespmem:s21], [sflag:$0x6], $0x80, s25, s20, $0xb8;
	[tilespmem:$0x1E200] =	vst v63  }
0x6c: {  	s7 =	sadd.s32 @!p1 s13, s19;
	_ =	swait.ge [sflag:s24], $0x2800  }
0x6d: {  	s12 =	simm.s32 @!p1 $0x0;
	s11 =	sshll.u32 @!p1 s7, $0x5;
	[sflag:s24] =	ssyncset.done $0x0  }
0x6e: {  	s18 =	simm.s32 @!p1 $0x14000;
	s11 =	sadd.s32 @!p1 s6, s11;
	[sflag:s24] =	ssyncadd.s32 $0xFFFFD800  }
0x6f: {  	[tilespmem:s18], [sflag:$0x6] =	stream.linear.gather @!p1 [hbm4b:s11+s12], $0x100, $0x38;
	[tilespmem:$0x1E200] =	vst v63  }
0x70: {  	s11 =	simm.s32 @!p1 $0x6  }
0x71: {  	s7 =	smul.u32 @!p1 $0x500, s7;
	_ =	swait.ge @!p1 [sflag:s11], $0x100  }
.Ltmp5:
0x72: {  	[sflag:s11] =	ssyncset.done @!p1 $0x0;
	(pc) =	sbr.rel @p0 .LBB2_8-.Ltmp5, $4  }
0x73: {  	s7 =	sadd.s32 @!p1 s5, s7;
	[sflag:s11] =	ssyncadd.s32 @!p1 $0xFFFFFF00;
	s11 =	simm.s32 @!p1 $0x14200  }
0x74: {  	[tilespmem:s11], [sflag:$0x1] =	stream.linear.gather @!p1 [hbm4b:s7+s12], $0x2800, $0x38;
	[tilespmem:$0x1E200] =	vst v63  }
0x75: {  	s7 =	simm.s32 @!p1 $0x50;
	s11 =	simm.s32 @!p1 $0x19200  }
0x76: {  	[tilespmem:s11], [sflag:$0x3] =	stream.indirect.gather @!p1 [hbm4b:s4+s7], $0x80, s18, s7, $0xb8;
	[tilespmem:$0x1E200] =	vst v63  }
0x77: {  	_ =	swait.ge [sflag:s26], $0x2800  }
0x78: {  	[sflag:s26] =	ssyncset.done $0x0  }
0x79: {  	[sflag:s26] =	ssyncadd.s32 $0xFFFFD800  }
0x7a: {  	_ =	swait.ge [sflag:s28], $0x2800  }
0x7b: {  	[sflag:s28] =	ssyncset.done $0x0  }
0x7c: {  	s7 =	simm.s32 $0x0;
	[sflag:s28] =	ssyncadd.s32 $0xFFFFD800  }
0x7d: {  	v6 =	vld [tilespmem:s7+$0x16A00]  }
0x7e: {  	v11 =	vld [tilespmem:s7+$0x16A10]  }
0x7f: {  	v5 =	vld [tilespmem:s7+$0x16A20]  }
0x80: {  	v4 =	vld [tilespmem:s7+$0x16A30]  }
0x81: {  	v3 =	vld [tilespmem:s7+$0x16A40]  }
0x82: {  	v2 =	vld [tilespmem:s7+$0x16A50]  }
0x83: {  	v1 =	vld [tilespmem:s7+$0x16A60]  }
0x84: {  	v0 =	vld [tilespmem:s7+$0x16A70]  }
0x85: {  	v12 =	vld [tilespmem:s7+$0x1BA00]  }
0x86: {  	v13 =	vld [tilespmem:s7+$0x1BA10]  }
0x87: {  	v10 =	vld [tilespmem:s7+$0x1BA20]  }
0x88: {  	v9 =	vld [tilespmem:s7+$0x1BA30]  }
0x89: {  	v8 =	vld [tilespmem:s7+$0x1BA40]  }
0x8a: {  	v7 =	vld [tilespmem:s7+$0x1BA50];
	v12 =	vadd.f32 v6, v12  }
0x8b: {  	s11 =	simm.s32 $0x200;
	v11 =	vadd.f32 v11, v13;
	v6 =	vld [tilespmem:s7+$0x1BA60]  }
.LBB2_6:
0x8c: {  	s12 =	sshra.s32 s11, $0x2;
	p0 =	sne.s32 s11, $0x9E00;
	v12 =	vmax.f32 v12, $0.0e+00;
	v5 =	vadd.f32 v5, v10;
	v10 =	vld [tilespmem:s7+$0x1BA70]  }
0x8d: {  	v13 =	vld [tilespmem:s12+$0x16A00];
	[tilespmem:s7+$0x1BA00] =	vst v12;
	v11 =	vmax.f32 v11, $0.0e+00;
	v4 =	vadd.f32 v4, v9  }
0x8e: {  	v14 =	vld [tilespmem:s12+$0x16A10];
	[tilespmem:s7+$0x1BA10] =	vst v11;
	v9 =	vmax.f32 v5, $0.0e+00;
	v3 =	vadd.f32 v3, v8  }
0x8f: {  	v5 =	vld [tilespmem:s12+$0x16A20];
	[tilespmem:s7+$0x1BA20] =	vst v9;
	v8 =	vmax.f32 v4, $0.0e+00;
	v2 =	vadd.f32 v2, v7  }
0x90: {  	v4 =	vld [tilespmem:s12+$0x16A30];
	[tilespmem:s7+$0x1BA30] =	vst v8;
	v7 =	vmax.f32 v3, $0.0e+00;
	v1 =	vadd.f32 v1, v6  }
0x91: {  	v3 =	vld [tilespmem:s12+$0x16A40];
	[tilespmem:s7+$0x1BA40] =	vst v7;
	v6 =	vmax.f32 v2, $0.0e+00;
	v0 =	vadd.f32 v0, v10  }
0x92: {  	v2 =	vld [tilespmem:s12+$0x16A50];
	[tilespmem:s7+$0x1BA50] =	vst v6;
	v6 =	vmax.f32 v1, $0.0e+00  }
0x93: {  	v1 =	vld [tilespmem:s12+$0x16A60];
	[tilespmem:s7+$0x1BA60] =	vst v6;
	v6 =	vmax.f32 v0, $0.0e+00  }
0x94: {  	v0 =	vld [tilespmem:s12+$0x16A70];
	[tilespmem:s7+$0x1BA70] =	vst v6;
	s7 =	smov.u32 s12  }
0x95: {  	v6 =	vld [tilespmem:s7+$0x1BA00]  }
0x96: {  	v11 =	vld [tilespmem:s7+$0x1BA10]  }
.Ltmp6:
0x97: {  	v10 =	vld [tilespmem:s7+$0x1BA20];
	(pc) =	sbr.rel @p0 .LBB2_6-.Ltmp6, $4  }
0x98: {  	v9 =	vld [tilespmem:s7+$0x1BA30]  }
0x99: {  	v8 =	vld [tilespmem:s7+$0x1BA40]  }
0x9a: {  	v12 =	vadd.f32 v13, v6;
	v7 =	vld [tilespmem:s7+$0x1BA50]  }
0x9b: {  	s11 =	sadd.s32 $0x200, s11;
	v11 =	vadd.f32 v14, v11;
	v6 =	vld [tilespmem:s7+$0x1BA60]  }
0x9c: {  	v12 =	vmax.f32 v12, $0.0e+00;
	v5 =	vadd.f32 v5, v10;
	v63 =	vld [tilespmem:s7+$0x1BA70]  }
0x9d: {  	[tilespmem:s7+$0x1BA00] =	vst v12;
	v11 =	vmax.f32 v11, $0.0e+00;
	v4 =	vadd.f32 v4, v9  }
0x9e: {  	[tilespmem:s7+$0x1BA10] =	vst v11;
	v5 =	vmax.f32 v5, $0.0e+00;
	v3 =	vadd.f32 v3, v8  }
0x9f: {  	[tilespmem:s7+$0x1BA20] =	vst v5;
	v4 =	vmax.f32 v4, $0.0e+00;
	v2 =	vadd.f32 v2, v7  }
0xa0: {  	[tilespmem:s7+$0x1BA30] =	vst v4;
	v3 =	vmax.f32 v3, $0.0e+00;
	v1 =	vadd.f32 v1, v6  }
0xa1: {  	[tilespmem:s7+$0x1BA40] =	vst v3;
	v2 =	vmax.f32 v2, $0.0e+00;
	v0 =	vadd.f32 v0, v63  }
0xa2: {  	s1 =	smul.u32 $0x500, s1;
	[tilespmem:s7+$0x1BA50] =	vst v2;
	v1 =	vmax.f32 v1, $0.0e+00  }
0xa3: {  	[tilespmem:s7+$0x1BA60] =	vst v1;
	v0 =	vmax.f32 v0, $0.0e+00  }
0xa4: {  	s1 =	sadd.s32 s8, s1;
	[tilespmem:s7+$0x1BA70] =	vst v0  }
0xa5: {  	[hbm4b:s1+s3] =	stream.linear.scatter [tilespmem:s29], [sflag:$0x6], $0x2800, $0x38;
	[tilespmem:$0x1E200] =	vst v63  }
0xa6: {  	_ =	swait.ge [sflag:s24], $0x2800  }
0xa7: {  	[sflag:s24] =	ssyncset.done $0x0  }
.Ltmp7:
0xa8: {  	[sflag:s24] =	ssyncadd.s32 $0xFFFFD800;
	(pc) =	sbr.rel .LBB2_8-.Ltmp7, $4  }
0xa9: {  	[spmem:s2] =	stream.indirect.scatter.add.f32 [tilespmem:s29], [sflag:$0x5], $0x80, s30, s20, $0xb8;
	[tilespmem:$0x1E200] =	vst v63  }
0xaa: {  	_ =	swait.ge [sflag:s17], $0x2800  }
0xab: {  	[sflag:s17] =	ssyncset.done $0x0  }
0xac: {  	[sflag:s17] =	ssyncadd.s32 $0xFFFFD800  }
.LBB2_10:
0xad: {  	_ =	sfence.sel $0x180000  }
0xae: {  	[bflag:$0x0] =	sbarrier.arrive $0xFFFF  }
0xaf: {  	_ =	strace $0x90000047  }
0xb0: {  	s0 =	stileid.u32;
	[bflag:$0x2] =	sbarrier.arrive $0xFFFF  }
0xb1: {  	p0 =	sne.s32 s0, $0x0;
	s0 =	rddreg [dreg:$0x2]  }
0xb2: {  	s0 =	sadd.s32 @!p0 $0x100000, s0  }
0xb3: {  	[sflag:s0] =	ssyncadd.tile.s32 @!p0 $0x1;
	_ =	shalt  }
.Lfunc_end2:
_tile_overlayer_lowered:
.L_overlay_start_2:
0xb4: {  	(tag) =	ssettag $0x2  }
0xb5: {  	s0 =	rddreg [dreg:$0x0];
	s2 =	stileid.u32  }
0xb6: {  	s1 =	rddreg [dreg:$0x1];
	p0 =	sne.s32 s2, $0x0  }
0xb7: {  	s3 =	rddreg [dreg:$0x2];
	[bflag:$0x3] =	sbarrier.arrive $0xFFFF;
	s2 =	simm.s32 @!p0 $0x1C05  }
0xb8: {  	[timem:s3], [sflag:s2] =	dma.local @!p0 [hbm:s0], s1  }
0xb9: {  	s0 =	simm.s32 @!p0 $0x5  }
0xba: {  	_ =	swait.ge @!p0 [sflag:s0], s1  }
0xbb: {  	s1 =	ssub.s32 @!p0 $0x0, s1;
	[sflag:s0] =	ssyncset.done @!p0 $0x0  }
0xbc: {  	[sflag:s0] =	ssyncadd.s32 @!p0 s1  }
0xbd: {  	[bflag:$0x3] =	sbarrier.arrive $0xFFFF  }
0xbe: {  	_ =	shalt  }

// kernel: kernel.13.cloned.1.call-start
scs
__scs_entry_jumppad:
0x0: {  	(pc) =	sbr.rel $0x88, $3  }
0x1: {  	(tag) =	ssettag $0x0;
	lr =	simm.s32 $0x1  }
0x2: {  	[smem:$0x3F93] =	sst lr;
	_ =	strace $0xD0000000  }
0x3: {  	_ = 	snop  }
0x4: {  	_ = 	snop  }
0x5: {  	_ = 	snop  }
0x6: {  	_ = 	snop  }
0x7: {  	_ = 	snop  }
__scs_overlays_trampoline_lowered:
0x8: {  	[smem:$0x3FA2] =	sst s0  }
0x9: {  	[smem:$0x3FA3] =	sst s1  }
0xa: {  	[smem:$0x3FA4] =	sst s2  }
0xb: {  	[smem:$0x3FA5] =	sst s3  }
0xc: {  	[smem:$0x3FA6] =	sst s4  }
0xd: {  	[smem:$0x3FA7] =	sst s5  }
0xe: {  	[smem:$0x3FA8] =	sst s6  }
0xf: {  	[smem:$0x3FA9] =	sst s7  }
0x10: {  	[smem:$0x3FAA] =	sst s8  }
0x11: {  	[smem:$0x3FAB] =	sst s9;
	s0 =	simm.s32 @!p0 $0x0  }
0x12: {  	s1 =	sld [smem:$0x3F91];
	s0 =	simm.s32 @p0 $0x1  }
0x13: {  	[smem:$0x3FAC] =	sst s0;
	s0 =	simm.s32 @!p1 $0x0  }
0x14: {  	s2 =	sld [smem:$0x3F90];
	s0 =	simm.s32 @p1 $0x1  }
0x15: {  	[smem:$0x3FAD] =	sst s0;
	s0 =	simm.s32 @!p2 $0x0  }
0x16: {  	s3 =	sld [smem:$0x3FDB];
	s0 =	simm.s32 @p2 $0x1  }
0x17: {  	s4 =	simm.s32 $0x1BF5;
	[smem:$0x3FAF] =	sst s0  }
0x18: {  	s0 =	sld [smem:$0x3F92];
	_ =	swait.ge [sflag:s4], $0x0  }
0x19: {  	s7 =	sld [smem:$0x3F93]  }
0x1a: {  	s8 =	sadd.s32 $0xFFFFE003, lr  }
0x1b: {  	s9 =	sadd.s32 $0xFFFFFEF7, lr;
	s5 =	simm.s32 $0xFFFFFFFF;
	p2 =	slt.u32 s8, $0xFFFFF086  }
0x1c: {  	p1 =	slt.u32 s9, $0xF7A;
	s5 =	simm.s32 @!p2 $0x0  }
0x1d: {  	s5 =	simm.s32 @p1 $0x1;
	p0 =	seq.s32 s7, s2  }
0x1e: {  	s7 =	smul.u32 @!p0 $0xF7A, s2;
	p2 =	seq.s32 @!p0 s5, $0x0  }
0x1f: {  	s9 =	smul.u32 $0xF7A, s1;
	s8 =	simm.s32 @!p0 $0x1BF5;
	p2 =	por !p2, p0  }
0x20: {  	[sflag:s8] =	ssyncset.s32 @!p0 $0xFFFFF086;
	s6 =	sadd.s32 @!p0 s3, s7;
	s7 =	simm.s32 @!p0 $0x108  }
0x21: {  	s3 =	sadd.s32 s3, s9;
	s6 =	sadd.s32 @!p0 $0x88, s6;
	s7 =	simm.s32 @p2 $0x1082  }
0x22: {  	[simem:s7], [sflag:s8] =	dma.local @!p0 [hbm:s6], $0xF7A  }
0x23: {  	s9 =	sor.u32 $0xD0000000, s2;
	s6 =	simm.s32 $0x108;
	_ =	swait.ge @!p0 [sflag:s8], $0x0  }
0x24: {  	s3 =	sadd.s32 $0x88, s3;
	s6 =	simm.s32 @!p1 $0x1082;
	[sflag:s4] =	ssyncset.s32 $0xFFFFF086  }
0x25: {  	[simem:s6], [sflag:s4] =	dma.local [hbm:s3], $0xF7A  }
0x26: {  	[smem:$0x3F93] =	sst s1;
	(tag) =	ssettag s2;
	_ =	strace s9  }
0x27: {  	s1 =	sld [smem:$0x3FA3]  }
0x28: {  	s2 =	sld [smem:$0x3FA4]  }
0x29: {  	s4 =	sld [smem:$0x3FA6]  }
0x2a: {  	p0 =	seq.s32 s5, $0x0;
	s5 =	sld [smem:$0x3FA7]  }
0x2b: {  	s6 =	sld [smem:$0x3FA8]  }
0x2c: {  	s7 =	sld [smem:$0x3FA9]  }
0x2d: {  	s3 =	simm.s32 $0x108;
	s8 =	sld [smem:$0x3FAA]  }
0x2e: {  	s3 =	simm.s32 @!p0 $0x1082;
	s9 =	sld [smem:$0x3FAB]  }
0x2f: {  	lr =	sadd.s32 s0, s3;
	s0 =	sld [smem:$0x3FA2]  }
0x30: {  	s3 =	sld [smem:$0x3FA5]  }
0x31: {  	[smem:$0x3FAE] =	sst s10  }
0x32: {  	s10 =	sld [smem:$0x3FAC];
	_ =	sdelay $0x3  }
0x33: {  	p0 =	seq.s32 s10, $0x1;
	s10 =	sld [smem:$0x3FAE];
	_ =	sdelay $0x3  }
0x34: {  	[smem:$0x3FAE] =	sst s10  }
0x35: {  	s10 =	sld [smem:$0x3FAD];
	_ =	sdelay $0x3  }
0x36: {  	p1 =	seq.s32 s10, $0x1;
	s10 =	sld [smem:$0x3FAE];
	_ =	sdelay $0x3  }
0x37: {  	[smem:$0x3FAE] =	sst s10  }
0x38: {  	s10 =	sld [smem:$0x3FAF]  }
0x39: {  	_ = 	snop;
	(pc) =	sbr.ind lr, $3  }
0x3a: {  	_ = 	snop  }
0x3b: {  	_ = 	snop  }
0x3c: {  	p2 =	seq.s32 s10, $0x1;
	s10 =	sld [smem:$0x3FAE]  }
0x3d: {  	_ =	shalt  }
0x3e: {  	_ =	shalt  }
0x3f: {  	_ =	shalt  }
0x40: {  	_ =	shalt  }
0x41: {  	_ =	shalt  }
0x42: {  	_ =	shalt  }
0x43: {  	_ =	shalt  }
0x44: {  	_ =	shalt  }
0x45: {  	_ =	shalt  }
0x46: {  	_ =	shalt  }
0x47: {  	_ =	shalt  }
0x48: {  	_ =	shalt  }
0x49: {  	_ =	shalt  }
0x4a: {  	_ =	shalt  }
0x4b: {  	_ =	shalt  }
0x4c: {  	_ =	shalt  }
0x4d: {  	_ =	shalt  }
0x4e: {  	_ =	shalt  }
0x4f: {  	_ =	shalt  }
0x50: {  	_ =	shalt  }
0x51: {  	_ =	shalt  }
0x52: {  	_ =	shalt  }
0x53: {  	_ =	shalt  }
0x54: {  	_ =	shalt  }
0x55: {  	_ =	shalt  }
0x56: {  	_ =	shalt  }
0x57: {  	_ =	shalt  }
0x58: {  	_ =	shalt  }
0x59: {  	_ =	shalt  }
0x5a: {  	_ =	shalt  }
0x5b: {  	_ =	shalt  }
0x5c: {  	_ =	shalt  }
0x5d: {  	_ =	shalt  }
0x5e: {  	_ =	shalt  }
0x5f: {  	_ =	shalt  }
0x60: {  	_ =	shalt  }
0x61: {  	_ =	shalt  }
0x62: {  	_ =	shalt  }
0x63: {  	_ =	shalt  }
0x64: {  	_ =	shalt  }
0x65: {  	_ =	shalt  }
0x66: {  	_ =	shalt  }
0x67: {  	_ =	shalt  }
0x68: {  	_ =	shalt  }
0x69: {  	_ =	shalt  }
0x6a: {  	_ =	shalt  }
0x6b: {  	_ =	shalt  }
0x6c: {  	_ =	shalt  }
0x6d: {  	_ =	shalt  }
0x6e: {  	_ =	shalt  }
0x6f: {  	_ =	shalt  }
0x70: {  	_ =	shalt  }
0x71: {  	_ =	shalt  }
0x72: {  	_ =	shalt  }
0x73: {  	_ =	shalt  }
0x74: {  	_ =	shalt  }
0x75: {  	_ =	shalt  }
0x76: {  	_ =	shalt  }
0x77: {  	_ =	shalt  }
0x78: {  	_ =	shalt  }
0x79: {  	_ =	shalt  }
0x7a: {  	_ =	shalt  }
0x7b: {  	_ =	shalt  }
0x7c: {  	_ =	shalt  }
0x7d: {  	_ =	shalt  }
0x7e: {  	_ =	shalt  }
0x7f: {  	_ =	shalt  }
0x80: {  	_ =	shalt  }
0x81: {  	_ =	shalt  }
0x82: {  	_ =	shalt  }
0x83: {  	_ =	shalt  }
0x84: {  	_ =	shalt  }
0x85: {  	_ =	shalt  }
0x86: {  	_ =	shalt  }
0x87: {  	_ =	shalt  }
.Lfunc_end0:
.L_simem_size_0:
called_computation.1_lowered:
.L_overlay_start_0:
0x88: {  	s2 =	sld [smem:$0x3FD9]  }
0x89: {  	s3 =	sld [smem:$0x3FFE];
	_ =	sdelay $0x1  }
0x8a: {  	s1 =	srdreg.scid  }
0x8b: {  	s0 =	sand.u32 $0x1, s1  }
0x8c: {  	s16 =	sshll.u32 s0, $0xA;
	s2 =	sadd.s32 s3, s2  }
0x8d: {  	s2 =	sadd.s32 s2, s16  }
0x8e: {  	[smem:$0x3FBA] =	sst s2  }
0x8f: {  	_ = 	snop  }
0x90: {  	(tm) =	ssettm $0x1  }
0x91: {  	s17 =	sld [smem:$0x3FFB];
	_ =	sdelay $0x3  }
0x92: {  	_ =	strace s17  }
0x93: {  	s2 =	sld [smem:$0x3FFC];
	_ =	sdelay $0x3  }
0x94: {  	_ =	strace s2  }
0x95: {  	s2 =	sld [smem:$0x3FFD];
	_ =	sdelay $0x3  }
0x96: {  	_ =	strace s2  }
0x97: {  	_ =	strace $0x8FFFFFFF  }
0x98: {  	s18 =	sld [smem:$0x3FDB];
	_ =	sdelay $0x1  }
0x99: {  	s19 =	simm.s32 $_scs_section_size  }
0x9a: {  	s4 =	simm.s32 $_size__tile_overlayer_lowered;
	s5 =	simm.s32 $_tile_overlayer_lowered  }
0x9b: {  	s22 =	simm.s32 $0x1BFF;
	s21 =	sshll.u32 s5, $0x1;
	s2 =	sadd.s32 s19, s18  }
0x9c: {  	s6 =	simm.s32 $0x0;
	s20 =	sshll.u32 s4, $0x1;
	s4 =	sadd.s32 s21, s2  }
0x9d: {  	[timem:s6], [sflag:s22] =	dma.local [hbm:s4], s20  }
0x9e: {  	_ =	swait.ge [sflag:s22], s20  }
0x9f: {  	s3 =	ssub.s32 $0x0, s20;
	[sflag:s22] =	ssyncset.done $0x0  }
0xa0: {  	[sflag:s22] =	ssyncadd.s32 s3;
	_ =	sdelay $0x1  }
0xa1: {  	s23 =	simm.s32 $0x1B8B  }
0xa2: {  	_ =	swait.ge [sflag:s23], $0x1  }
0xa3: {  	[sflag:s23] =	ssyncset.done $0x0  }
0xa4: {  	s25 =	simm.s32 $0x1B8E;
	s24 =	sld [smem:$0x3FFE];
	[sflag:s23] =	ssyncadd.s32 $0xFFFFFFFF  }
0xa5: {  	s26 =	simm.s32 $execute0_lowered;
	[smem:$0x3FD2] =	sst s25  }
0xa6: {  	s4 =	sshll.u32 s26, $0x1;
	_ =	strace $0x80000049;
	[dreg:$0x1] =	wrdreg $0xFFFFFFFF  }
0xa7: {  	s28 =	simm.s32 $_size_execute0_lowered;
	s2 =	sadd.s32 s2, s4;
	[dreg:$0x0] =	wrdreg $0x0  }
0xa8: {  	s4 =	sshll.u32 s28, $0x1;
	[dreg:$0x2] =	wrdreg s2  }
0xa9: {  	[dreg:$0x3] =	wrdreg s4  }
0xaa: {  	[dreg:$0x4] =	wrdreg $0xC0  }
0xab: {  	_ =	task [dreg:s6], $0x5FFFF  }
0xac: {  	[dreg:$0x1] =	wrdreg $0xFFFFFFFF  }
0xad: {  	[dreg:$0x0] =	wrdreg $0x60  }
0xae: {  	[dreg:$0x2] =	wrdreg s24  }
0xaf: {  	[dreg:$0x3] =	wrdreg $0x0  }
0xb0: {  	[dreg:$0x4] =	wrdreg $0x9  }
0xb1: {  	_ =	task.clear_ibuf [dreg:s6], $0x5FFFF;
	_ =	strace $0x90000049  }
0xb2: {  	s29 =	simm.s32 $0x9;
	_ =	strace $0x8000004B  }
0xb3: {  	_ =	swait.ge [sflag:s29], $0x1  }
0xb4: {  	[sflag:s29] =	ssyncadd.s32 $0xFFFFFFFF  }
0xb5: {  	_ =	strace $0x9000004B  }
0xb6: {  	_ =	sfence  }
0xb7: {  	s30 =	sld [smem:$0x0];
	_ =	sdelay $0x2  }
0xb8: {  	s31 =	sshll.u32 s1, $0xD;
	s1 =	sshrl.u32 s1, $0x2  }
0xb9: {  	s3 =	sand.u32 $0x4000, s31;
	s1 =	sadd.s32 s1, s30  }
0xba: {  	s0 =	sor.u32 s3, s0;
	s1 =	sshll.u32 s1, $0x11  }
0xbb: {  	s0 =	sor.u32 s1, s0  }
0xbc: {  	s0 =	sadd.s32 $0x8F2B, s0  }
0xbd: {  	[sflag:s0] =	ssyncadd.remote.s32 $0x1  }
0xbe: {  	_ =	sfence.sel $0xFFFF  }
0xbf: {  	[dreg:$0x0] =	wrdreg $0xFFFFFFFF;
	(pc) =	sbr.abs _section_cstart, $3  }
0xc0: {  	[dreg:$0x1] =	wrdreg $0xFFFFFFFF  }
0xc1: {  	_ =	task.clear_ibuf [dreg:s6], $0x2FFFF;
	_ =	strace $0x9FFFFFFF  }
0xc2: {  	(tm) =	ssettm $0x7FFFFFFF  }
0xc3: {  	_ =	shalt  }
tec
execute0_lowered:
.L_overlay_start_1:
0x0: {  	(tag) =	ssettag $0x1  }
0x1: {  	s0 =	rddreg [dreg:$0x0]  }
0x2: {  	s1 =	rddreg [dreg:$0x1]  }
0x3: {  	s2 =	srdreg.scid;
	s4 =	simm.s32 $0x0;
	s3 =	stileid.u32  }
0x4: {  	s16 =	simm.s32 $0x5;
	s17 =	simm.s32 $0x14000;
	s19 =	simm.s32 $0x50  }
0x5: {  	s20 =	simm.s32 $0x19200;
	s21 =	simm.s32 $0x1;
	s22 =	simm.s32 $0x3  }
0x6: {  	s28 =	simm.s32 $0x14180;
	s29 =	simm.s32 $0x1BA00;
	s30 =	simm.s32 $0x0  }
0x7: {  	s2 =	sand.u32 $0x1, s2;
	[smem:$0x7FF] =	sst s4;
	s7 =	smul.u32 $0x14000, s3  }
0x8: {  	s4 =	sadd.s32 $0x4CC00, s0;
	s5 =	sadd.s32 $0x9E7200, s0;
	s23 =	sadd.s32 $0x4A400, s0  }
0x9: {  	s10 =	sshll.u32 s3, $0x1;
	s11 =	smul.u32 $0x50000, s3;
	s31 =	sshll.u32 s3, $0x6  }
0xa: {  	s6 =	smul.u32 $0x140000, s2;
	_ =	strace $0x8000004A;
	s9 =	ssub.s32 $0x2, s2  }
0xb: {  	[dreg:$0x3] =	wrdreg s23;
	s23 =	simm.s32 $0x14080;
	s12 =	sshrl.u32 s9, $0x1  }
0xc: {  	s25 =	sshrl.u32 s11, $0x2;
	s8 =	sadd.s32 s7, s6;
	s6 =	sadd.s32 $0x3E00, s0  }
0xd: {  	s24 =	ssub.s32 s9, s12;
	s15 =	sadd.s32 s25, s1;
	s9 =	sor.u32 $0x1C05, s31  }
.Ltmp0:
0xe: {  	s25 =	simm.s32 $0x2;
	s8 =	sshrl.u32 s8, $0x3;
	(pc) =	sbr.rel .LBB2_1-.Ltmp0, $4  }
0xf: {  	s14 =	smax.u32 s24, $0x1;
	s0 =	sadd.s32 s8, s0;
	s8 =	sor.u32 s2, s10  }
0x10: {  	s15 =	sshrl.u32 s15, $0x3;
	s24 =	simm.s32 $0x6;
	s26 =	smul.u32 $0x500, s8  }
0x11: {  	s10 =	sshll.u32 s8, $0x5;
	s12 =	sor.u32 $0x40, s8;
	s13 =	sadd.s32 $0x74C00, s0  }
0x12: {  	s10 =	sadd.s32 s6, s10;
	s11 =	sadd.s32 s5, s26;
	s26 =	simm.s32 $0x4  }
.LBB2_9:
0x13: {  	s30 =	sadd.s32 $0x1, s30  }
0x14: {  	p0 =	sne.s32 s30, s14  }
.Ltmp1:
0x15: {  	[bflag:$0x0] =	sbarrier.arrive $0xFFFF;
	(pc) =	sbr.rel @!p0 .LBB2_10-.Ltmp1, $4  }
0x16: {  	[hbm:s13], [sflag:s9] =	dma.local [spmem:s15], $0x2800  }
0x17: {  	_ =	swait.ge [sflag:s16], $0x2800  }
0x18: {  	[sflag:s16] =	ssyncset.done $0x0  }
0x19: {  	[sflag:s16] =	ssyncadd.s32 $0xFFFFD800  }
.LBB2_1:
0x1a: {  	s0 =	rddreg [dreg:$0x3]  }
0x1b: {  	[spmem:s15], [sflag:s9] =	dma.local [hbm:s0], $0x2800  }
0x1c: {  	_ =	swait.ge [sflag:s16], $0x2800  }
0x1d: {  	[sflag:s16] =	ssyncset.done $0x0  }
0x1e: {  	[sflag:s16] =	ssyncadd.s32 $0xFFFFD800  }
0x1f: {  	s18 =	simm.s32 $0x0;
	[bflag:$0x0] =	sbarrier.arrive $0xFFFF  }
0x20: {  	[tilespmem:s17], [sflag:$0x5] =	stream.linear.gather [hbm4b:s10+s18], $0x100, $0x38;
	[tilespmem:$0x1E200] =	vst v63  }
0x21: {  	_ =	swait.ge [sflag:s16], $0x100  }
.Ltmp2:
0x22: {  	[sflag:s16] =	ssyncset.done $0x0;
	(pc) =	sbr.rel .LBB2_2-.Ltmp2, $4  }
0x23: {  	s2 =	simm.s32 $0x14200;
	[sflag:s16] =	ssyncadd.s32 $0xFFFFFF00  }
0x24: {  	[tilespmem:s2], [sflag:$0x1] =	stream.linear.gather [hbm4b:s11+s18], $0x2800, $0x38;
	[tilespmem:$0x1E200] =	vst v63  }
0x25: {  	s31 =	simm.s32 $0x0  }
0x26: {  	[tilespmem:s20], [sflag:$0x3] =	stream.indirect.gather [hbm4b:s4+s19], $0x80, s17, s19, $0xb8;
	[tilespmem:$0x1E200] =	vst v63  }
.LBB2_8:
0x27: {  	s31 =	sadd.s32 $0x1, s31  }
0x28: {  	p0 =	sne.s32 s31, $0x3F  }
.Ltmp3:
0x29: {  	_ = 	snop;
	(pc) =	sbr.rel @!p0 .LBB2_9-.Ltmp3, $1  }
0x2a: {  	_ =	sdelay $0x3  }
.LBB2_2:
0x2b: {  	s0 =	sshll.u32 s31, $0x6  }
0x2c: {  	s2 =	sor.u32 $0x20, s0  }
0x2d: {  	p0 =	sgt.u32 s2, $0xF9F  }
0x2e: {  	s2 =	sor.u32 @!p0 s8, s2  }
0x2f: {  	s18 =	sshll.u32 @!p0 s2, $0x5  }
0x30: {  	s3 =	simm.s32 @!p0 $0x0;
	s7 =	simm.s32 @!p0 $0x14100;
	s18 =	sadd.s32 @!p0 s6, s18  }
0x31: {  	[tilespmem:s7], [sflag:$0x6] =	stream.linear.gather @!p0 [hbm4b:s18+s3], $0x100, $0x38;
	[tilespmem:$0x1E200] =	vst v63  }
0x32: {  	s18 =	simm.s32 @!p0 $0x6  }
0x33: {  	s2 =	smul.u32 @!p0 $0x500, s2;
	_ =	swait.ge @!p0 [sflag:s18], $0x100  }
0x34: {  	[sflag:s18] =	ssyncset.done @!p0 $0x0  }
0x35: {  	s2 =	sadd.s32 @!p0 s5, s2;
	[sflag:s18] =	ssyncadd.s32 @!p0 $0xFFFFFF00;
	s18 =	simm.s32 @!p0 $0x16A00  }
0x36: {  	[tilespmem:s18], [sflag:$0x2] =	stream.linear.gather @!p0 [hbm4b:s2+s3], $0x2800, $0x38;
	[tilespmem:$0x1E200] =	vst v63  }
0x37: {  	s2 =	simm.s32 @!p0 $0x50;
	s3 =	simm.s32 @!p0 $0x1BA00  }
0x38: {  	[tilespmem:s3], [sflag:$0x4] =	stream.indirect.gather @!p0 [hbm4b:s4+s2], $0x80, s7, s2, $0xb8;
	[tilespmem:$0x1E200] =	vst v63  }
0x39: {  	_ =	swait.ge [sflag:s21], $0x2800  }
0x3a: {  	[sflag:s21] =	ssyncset.done $0x0  }
0x3b: {  	[sflag:s21] =	ssyncadd.s32 $0xFFFFD800  }
0x3c: {  	_ =	swait.ge [sflag:s22], $0x2800  }
0x3d: {  	[sflag:s22] =	ssyncset.done $0x0  }
0x3e: {  	s2 =	simm.s32 $0x0;
	[sflag:s22] =	ssyncadd.s32 $0xFFFFD800  }
0x3f: {  	v6 =	vld [tilespmem:s2+$0x14200]  }
0x40: {  	v11 =	vld [tilespmem:s2+$0x14210]  }
0x41: {  	v5 =	vld [tilespmem:s2+$0x14220]  }
0x42: {  	v4 =	vld [tilespmem:s2+$0x14230]  }
0x43: {  	v3 =	vld [tilespmem:s2+$0x14240]  }
0x44: {  	v2 =	vld [tilespmem:s2+$0x14250]  }
0x45: {  	v1 =	vld [tilespmem:s2+$0x14260]  }
0x46: {  	v0 =	vld [tilespmem:s2+$0x14270]  }
0x47: {  	v12 =	vld [tilespmem:s2+$0x19200]  }
0x48: {  	v13 =	vld [tilespmem:s2+$0x19210]  }
0x49: {  	v10 =	vld [tilespmem:s2+$0x19220]  }
0x4a: {  	v9 =	vld [tilespmem:s2+$0x19230]  }
0x4b: {  	v8 =	vld [tilespmem:s2+$0x19240]  }
0x4c: {  	v7 =	vld [tilespmem:s2+$0x19250];
	v12 =	vadd.f32 v6, v12  }
0x4d: {  	s18 =	simm.s32 $0x200;
	v11 =	vadd.f32 v11, v13;
	v6 =	vld [tilespmem:s2+$0x19260]  }
.LBB2_3:
0x4e: {  	s3 =	sshra.s32 s18, $0x2;
	p1 =	sne.s32 s18, $0x9E00;
	v12 =	vmax.f32 v12, $0.0e+00;
	v5 =	vadd.f32 v5, v10;
	v10 =	vld [tilespmem:s2+$0x19270]  }
0x4f: {  	v13 =	vld [tilespmem:s3+$0x14200];
	[tilespmem:s2+$0x19200] =	vst v12;
	v11 =	vmax.f32 v11, $0.0e+00;
	v4 =	vadd.f32 v4, v9  }
0x50: {  	v14 =	vld [tilespmem:s3+$0x14210];
	[tilespmem:s2+$0x19210] =	vst v11;
	v9 =	vmax.f32 v5, $0.0e+00;
	v3 =	vadd.f32 v3, v8  }
0x51: {  	v5 =	vld [tilespmem:s3+$0x14220];
	[tilespmem:s2+$0x19220] =	vst v9;
	v8 =	vmax.f32 v4, $0.0e+00;
	v2 =	vadd.f32 v2, v7  }
0x52: {  	v4 =	vld [tilespmem:s3+$0x14230];
	[tilespmem:s2+$0x19230] =	vst v8;
	v7 =	vmax.f32 v3, $0.0e+00;
	v1 =	vadd.f32 v1, v6  }
0x53: {  	v3 =	vld [tilespmem:s3+$0x14240];
	[tilespmem:s2+$0x19240] =	vst v7;
	v6 =	vmax.f32 v2, $0.0e+00;
	v0 =	vadd.f32 v0, v10  }
0x54: {  	v2 =	vld [tilespmem:s3+$0x14250];
	[tilespmem:s2+$0x19250] =	vst v6;
	v6 =	vmax.f32 v1, $0.0e+00  }
0x55: {  	v1 =	vld [tilespmem:s3+$0x14260];
	[tilespmem:s2+$0x19260] =	vst v6;
	v6 =	vmax.f32 v0, $0.0e+00  }
0x56: {  	v0 =	vld [tilespmem:s3+$0x14270];
	[tilespmem:s2+$0x19270] =	vst v6;
	s2 =	smov.u32 s3  }
0x57: {  	v6 =	vld [tilespmem:s2+$0x19200]  }
0x58: {  	v11 =	vld [tilespmem:s2+$0x19210]  }
.Ltmp4:
0x59: {  	v10 =	vld [tilespmem:s2+$0x19220];
	(pc) =	sbr.rel @p1 .LBB2_3-.Ltmp4, $4  }
0x5a: {  	v9 =	vld [tilespmem:s2+$0x19230]  }
0x5b: {  	v8 =	vld [tilespmem:s2+$0x19240]  }
0x5c: {  	v12 =	vadd.f32 v13, v6;
	v7 =	vld [tilespmem:s2+$0x19250]  }
0x5d: {  	s18 =	sadd.s32 $0x200, s18;
	v11 =	vadd.f32 v14, v11;
	v6 =	vld [tilespmem:s2+$0x19260]  }
0x5e: {  	v12 =	vmax.f32 v12, $0.0e+00;
	v5 =	vadd.f32 v5, v10;
	v63 =	vld [tilespmem:s2+$0x19270]  }
0x5f: {  	[tilespmem:s2+$0x19200] =	vst v12;
	v11 =	vmax.f32 v11, $0.0e+00;
	v4 =	vadd.f32 v4, v9  }
0x60: {  	[tilespmem:s2+$0x19210] =	vst v11;
	v5 =	vmax.f32 v5, $0.0e+00;
	v3 =	vadd.f32 v3, v8  }
0x61: {  	[tilespmem:s2+$0x19220] =	vst v5;
	v4 =	vmax.f32 v4, $0.0e+00;
	v2 =	vadd.f32 v2, v7  }
0x62: {  	[tilespmem:s2+$0x19230] =	vst v4;
	v3 =	vmax.f32 v3, $0.0e+00;
	v1 =	vadd.f32 v1, v6  }
0x63: {  	[tilespmem:s2+$0x19240] =	vst v3;
	v2 =	vmax.f32 v2, $0.0e+00;
	v0 =	vadd.f32 v0, v63  }
0x64: {  	[tilespmem:s2+$0x19250] =	vst v2;
	v1 =	vmax.f32 v1, $0.0e+00  }
0x65: {  	[tilespmem:s2+$0x19260] =	vst v1;
	v0 =	vmax.f32 v0, $0.0e+00  }
0x66: {  	p1 =	seq.s32 s31, $0x3E;
	[tilespmem:s2+$0x19270] =	vst v0  }
0x67: {  	[spmem:s1] =	stream.indirect.scatter.add.f32 [tilespmem:s20], [sflag:$0x6], $0x80, s23, s19, $0xb8;
	[tilespmem:$0x1E200] =	vst v63  }
0x68: {  	s0 =	sadd.s32 @!p1 s12, s0;
	_ =	swait.ge [sflag:s24], $0x2800  }
0x69: {  	s3 =	simm.s32 @!p1 $0x0;
	s2 =	sshll.u32 @!p1 s0, $0x5;
	[sflag:s24] =	ssyncset.done $0x0  }
0x6a: {  	s7 =	simm.s32 @!p1 $0x14000;
	s2 =	sadd.s32 @!p1 s6, s2;
	[sflag:s24] =	ssyncadd.s32 $0xFFFFD800  }
0x6b: {  	[tilespmem:s7], [sflag:$0x6] =	stream.linear.gather @!p1 [hbm4b:s2+s3], $0x100, $0x38;
	[tilespmem:$0x1E200] =	vst v63  }
0x6c: {  	s2 =	simm.s32 @!p1 $0x6  }
0x6d: {  	s0 =	smul.u32 @!p1 $0x500, s0;
	_ =	swait.ge @!p1 [sflag:s2], $0x100  }
.Ltmp5:
0x6e: {  	[sflag:s2] =	ssyncset.done @!p1 $0x0;
	(pc) =	sbr.rel @p0 .LBB2_8-.Ltmp5, $4  }
0x6f: {  	s0 =	sadd.s32 @!p1 s5, s0;
	[sflag:s2] =	ssyncadd.s32 @!p1 $0xFFFFFF00;
	s2 =	simm.s32 @!p1 $0x14200  }
0x70: {  	[tilespmem:s2], [sflag:$0x1] =	stream.linear.gather @!p1 [hbm4b:s0+s3], $0x2800, $0x38;
	[tilespmem:$0x1E200] =	vst v63  }
0x71: {  	s0 =	simm.s32 @!p1 $0x50;
	s2 =	simm.s32 @!p1 $0x19200  }
0x72: {  	[tilespmem:s2], [sflag:$0x3] =	stream.indirect.gather @!p1 [hbm4b:s4+s0], $0x80, s7, s0, $0xb8;
	[tilespmem:$0x1E200] =	vst v63  }
0x73: {  	_ =	swait.ge [sflag:s25], $0x2800  }
0x74: {  	[sflag:s25] =	ssyncset.done $0x0  }
0x75: {  	[sflag:s25] =	ssyncadd.s32 $0xFFFFD800  }
0x76: {  	_ =	swait.ge [sflag:s26], $0x2800  }
0x77: {  	[sflag:s26] =	ssyncset.done $0x0  }
0x78: {  	s0 =	simm.s32 $0x0;
	[sflag:s26] =	ssyncadd.s32 $0xFFFFD800  }
0x79: {  	v6 =	vld [tilespmem:s0+$0x16A00]  }
0x7a: {  	v11 =	vld [tilespmem:s0+$0x16A10]  }
0x7b: {  	v5 =	vld [tilespmem:s0+$0x16A20]  }
0x7c: {  	v4 =	vld [tilespmem:s0+$0x16A30]  }
0x7d: {  	v3 =	vld [tilespmem:s0+$0x16A40]  }
0x7e: {  	v2 =	vld [tilespmem:s0+$0x16A50]  }
0x7f: {  	v1 =	vld [tilespmem:s0+$0x16A60]  }
0x80: {  	v0 =	vld [tilespmem:s0+$0x16A70]  }
0x81: {  	v12 =	vld [tilespmem:s0+$0x1BA00]  }
0x82: {  	v13 =	vld [tilespmem:s0+$0x1BA10]  }
0x83: {  	v10 =	vld [tilespmem:s0+$0x1BA20]  }
0x84: {  	v9 =	vld [tilespmem:s0+$0x1BA30]  }
0x85: {  	v8 =	vld [tilespmem:s0+$0x1BA40]  }
0x86: {  	v7 =	vld [tilespmem:s0+$0x1BA50];
	v12 =	vadd.f32 v6, v12  }
0x87: {  	s2 =	simm.s32 $0x200;
	v11 =	vadd.f32 v11, v13;
	v6 =	vld [tilespmem:s0+$0x1BA60]  }
.LBB2_6:
0x88: {  	s3 =	sshra.s32 s2, $0x2;
	p0 =	sne.s32 s2, $0x9E00;
	v12 =	vmax.f32 v12, $0.0e+00;
	v5 =	vadd.f32 v5, v10;
	v10 =	vld [tilespmem:s0+$0x1BA70]  }
0x89: {  	v13 =	vld [tilespmem:s3+$0x16A00];
	[tilespmem:s0+$0x1BA00] =	vst v12;
	v11 =	vmax.f32 v11, $0.0e+00;
	v4 =	vadd.f32 v4, v9  }
0x8a: {  	v14 =	vld [tilespmem:s3+$0x16A10];
	[tilespmem:s0+$0x1BA10] =	vst v11;
	v9 =	vmax.f32 v5, $0.0e+00;
	v3 =	vadd.f32 v3, v8  }
0x8b: {  	v5 =	vld [tilespmem:s3+$0x16A20];
	[tilespmem:s0+$0x1BA20] =	vst v9;
	v8 =	vmax.f32 v4, $0.0e+00;
	v2 =	vadd.f32 v2, v7  }
0x8c: {  	v4 =	vld [tilespmem:s3+$0x16A30];
	[tilespmem:s0+$0x1BA30] =	vst v8;
	v7 =	vmax.f32 v3, $0.0e+00;
	v1 =	vadd.f32 v1, v6  }
0x8d: {  	v3 =	vld [tilespmem:s3+$0x16A40];
	[tilespmem:s0+$0x1BA40] =	vst v7;
	v6 =	vmax.f32 v2, $0.0e+00;
	v0 =	vadd.f32 v0, v10  }
0x8e: {  	v2 =	vld [tilespmem:s3+$0x16A50];
	[tilespmem:s0+$0x1BA50] =	vst v6;
	v6 =	vmax.f32 v1, $0.0e+00  }
0x8f: {  	v1 =	vld [tilespmem:s3+$0x16A60];
	[tilespmem:s0+$0x1BA60] =	vst v6;
	v6 =	vmax.f32 v0, $0.0e+00  }
0x90: {  	v0 =	vld [tilespmem:s3+$0x16A70];
	[tilespmem:s0+$0x1BA70] =	vst v6;
	s0 =	smov.u32 s3  }
0x91: {  	v6 =	vld [tilespmem:s0+$0x1BA00]  }
0x92: {  	v11 =	vld [tilespmem:s0+$0x1BA10]  }
.Ltmp6:
0x93: {  	v10 =	vld [tilespmem:s0+$0x1BA20];
	(pc) =	sbr.rel @p0 .LBB2_6-.Ltmp6, $4  }
0x94: {  	v9 =	vld [tilespmem:s0+$0x1BA30]  }
0x95: {  	v8 =	vld [tilespmem:s0+$0x1BA40]  }
0x96: {  	v12 =	vadd.f32 v13, v6;
	v7 =	vld [tilespmem:s0+$0x1BA50]  }
0x97: {  	s2 =	sadd.s32 $0x200, s2;
	v11 =	vadd.f32 v14, v11;
	v6 =	vld [tilespmem:s0+$0x1BA60]  }
0x98: {  	v12 =	vmax.f32 v12, $0.0e+00;
	v5 =	vadd.f32 v5, v10;
	v63 =	vld [tilespmem:s0+$0x1BA70]  }
0x99: {  	[tilespmem:s0+$0x1BA00] =	vst v12;
	v11 =	vmax.f32 v11, $0.0e+00;
	v4 =	vadd.f32 v4, v9  }
0x9a: {  	[tilespmem:s0+$0x1BA10] =	vst v11;
	v5 =	vmax.f32 v5, $0.0e+00;
	v3 =	vadd.f32 v3, v8  }
0x9b: {  	[tilespmem:s0+$0x1BA20] =	vst v5;
	v4 =	vmax.f32 v4, $0.0e+00;
	v2 =	vadd.f32 v2, v7  }
0x9c: {  	[tilespmem:s0+$0x1BA30] =	vst v4;
	v3 =	vmax.f32 v3, $0.0e+00;
	v1 =	vadd.f32 v1, v6  }
0x9d: {  	[tilespmem:s0+$0x1BA40] =	vst v3;
	v2 =	vmax.f32 v2, $0.0e+00;
	v0 =	vadd.f32 v0, v63  }
0x9e: {  	[tilespmem:s0+$0x1BA50] =	vst v2;
	v1 =	vmax.f32 v1, $0.0e+00  }
0x9f: {  	[tilespmem:s0+$0x1BA60] =	vst v1;
	v0 =	vmax.f32 v0, $0.0e+00  }
.Ltmp7:
0xa0: {  	[tilespmem:s0+$0x1BA70] =	vst v0;
	(pc) =	sbr.rel .LBB2_8-.Ltmp7, $4  }
0xa1: {  	[spmem:s1] =	stream.indirect.scatter.add.f32 [tilespmem:s29], [sflag:$0x5], $0x80, s28, s19, $0xb8;
	[tilespmem:$0x1E200] =	vst v63  }
0xa2: {  	_ =	swait.ge [sflag:s16], $0x2800  }
0xa3: {  	[sflag:s16] =	ssyncset.done $0x0  }
0xa4: {  	[sflag:s16] =	ssyncadd.s32 $0xFFFFD800  }
.LBB2_10:
0xa5: {  	_ =	sfence.sel $0x180000  }
0xa6: {  	[bflag:$0x0] =	sbarrier.arrive $0xFFFF  }
0xa7: {  	_ =	strace $0x9000004A  }
0xa8: {  	s0 =	stileid.u32;
	[bflag:$0x2] =	sbarrier.arrive $0xFFFF  }
0xa9: {  	p0 =	sne.s32 s0, $0x0;
	s0 =	rddreg [dreg:$0x2]  }
0xaa: {  	s0 =	sadd.s32 @!p0 $0x100000, s0  }
0xab: {  	[sflag:s0] =	ssyncadd.tile.s32 @!p0 $0x1;
	_ =	shalt  }
.Lfunc_end2:
_tile_overlayer_lowered:
.L_overlay_start_2:
0xac: {  	(tag) =	ssettag $0x2  }
0xad: {  	s0 =	rddreg [dreg:$0x0];
	s2 =	stileid.u32  }
0xae: {  	s1 =	rddreg [dreg:$0x1];
	p0 =	sne.s32 s2, $0x0  }
0xaf: {  	s3 =	rddreg [dreg:$0x2];
	[bflag:$0x3] =	sbarrier.arrive $0xFFFF;
	s2 =	simm.s32 @!p0 $0x1C05  }
0xb0: {  	[timem:s3], [sflag:s2] =	dma.local @!p0 [hbm:s0], s1  }
0xb1: {  	s0 =	simm.s32 @!p0 $0x5  }
0xb2: {  	_ =	swait.ge @!p0 [sflag:s0], s1  }
0xb3: {  	s1 =	ssub.s32 @!p0 $0x0, s1;
	[sflag:s0] =	ssyncset.done @!p0 $0x0  }
0xb4: {  	[sflag:s0] =	ssyncadd.s32 @!p0 s1  }
0xb5: {  	[bflag:$0x3] =	sbarrier.arrive $0xFFFF  }
0xb6: {  	_ =	shalt  }

// kernel: kernel.16.cloned.1.call-start
scs
__scs_entry_jumppad:
0x0: {  	(pc) =	sbr.rel $0x88, $3  }
0x1: {  	(tag) =	ssettag $0x0;
	lr =	simm.s32 $0x1  }
0x2: {  	[smem:$0x3F93] =	sst lr;
	_ =	strace $0xD0000000  }
0x3: {  	_ = 	snop  }
0x4: {  	_ = 	snop  }
0x5: {  	_ = 	snop  }
0x6: {  	_ = 	snop  }
0x7: {  	_ = 	snop  }
__scs_overlays_trampoline_lowered:
0x8: {  	[smem:$0x3FA2] =	sst s0  }
0x9: {  	[smem:$0x3FA3] =	sst s1  }
0xa: {  	[smem:$0x3FA4] =	sst s2  }
0xb: {  	[smem:$0x3FA5] =	sst s3  }
0xc: {  	[smem:$0x3FA6] =	sst s4  }
0xd: {  	[smem:$0x3FA7] =	sst s5  }
0xe: {  	[smem:$0x3FA8] =	sst s6  }
0xf: {  	[smem:$0x3FA9] =	sst s7  }
0x10: {  	[smem:$0x3FAA] =	sst s8  }
0x11: {  	[smem:$0x3FAB] =	sst s9;
	s0 =	simm.s32 @!p0 $0x0  }
0x12: {  	s1 =	sld [smem:$0x3F91];
	s0 =	simm.s32 @p0 $0x1  }
0x13: {  	[smem:$0x3FAC] =	sst s0;
	s0 =	simm.s32 @!p1 $0x0  }
0x14: {  	s2 =	sld [smem:$0x3F90];
	s0 =	simm.s32 @p1 $0x1  }
0x15: {  	[smem:$0x3FAD] =	sst s0;
	s0 =	simm.s32 @!p2 $0x0  }
0x16: {  	s3 =	sld [smem:$0x3FDB];
	s0 =	simm.s32 @p2 $0x1  }
0x17: {  	s4 =	simm.s32 $0x1BF5;
	[smem:$0x3FAF] =	sst s0  }
0x18: {  	s0 =	sld [smem:$0x3F92];
	_ =	swait.ge [sflag:s4], $0x0  }
0x19: {  	s7 =	sld [smem:$0x3F93]  }
0x1a: {  	s8 =	sadd.s32 $0xFFFFE003, lr  }
0x1b: {  	s9 =	sadd.s32 $0xFFFFFEF7, lr;
	s5 =	simm.s32 $0xFFFFFFFF;
	p2 =	slt.u32 s8, $0xFFFFF086  }
0x1c: {  	p1 =	slt.u32 s9, $0xF7A;
	s5 =	simm.s32 @!p2 $0x0  }
0x1d: {  	s5 =	simm.s32 @p1 $0x1;
	p0 =	seq.s32 s7, s2  }
0x1e: {  	s7 =	smul.u32 @!p0 $0xF7A, s2;
	p2 =	seq.s32 @!p0 s5, $0x0  }
0x1f: {  	s9 =	smul.u32 $0xF7A, s1;
	s8 =	simm.s32 @!p0 $0x1BF5;
	p2 =	por !p2, p0  }
0x20: {  	[sflag:s8] =	ssyncset.s32 @!p0 $0xFFFFF086;
	s6 =	sadd.s32 @!p0 s3, s7;
	s7 =	simm.s32 @!p0 $0x108  }
0x21: {  	s3 =	sadd.s32 s3, s9;
	s6 =	sadd.s32 @!p0 $0x88, s6;
	s7 =	simm.s32 @p2 $0x1082  }
0x22: {  	[simem:s7], [sflag:s8] =	dma.local @!p0 [hbm:s6], $0xF7A  }
0x23: {  	s9 =	sor.u32 $0xD0000000, s2;
	s6 =	simm.s32 $0x108;
	_ =	swait.ge @!p0 [sflag:s8], $0x0  }
0x24: {  	s3 =	sadd.s32 $0x88, s3;
	s6 =	simm.s32 @!p1 $0x1082;
	[sflag:s4] =	ssyncset.s32 $0xFFFFF086  }
0x25: {  	[simem:s6], [sflag:s4] =	dma.local [hbm:s3], $0xF7A  }
0x26: {  	[smem:$0x3F93] =	sst s1;
	(tag) =	ssettag s2;
	_ =	strace s9  }
0x27: {  	s1 =	sld [smem:$0x3FA3]  }
0x28: {  	s2 =	sld [smem:$0x3FA4]  }
0x29: {  	s4 =	sld [smem:$0x3FA6]  }
0x2a: {  	p0 =	seq.s32 s5, $0x0;
	s5 =	sld [smem:$0x3FA7]  }
0x2b: {  	s6 =	sld [smem:$0x3FA8]  }
0x2c: {  	s7 =	sld [smem:$0x3FA9]  }
0x2d: {  	s3 =	simm.s32 $0x108;
	s8 =	sld [smem:$0x3FAA]  }
0x2e: {  	s3 =	simm.s32 @!p0 $0x1082;
	s9 =	sld [smem:$0x3FAB]  }
0x2f: {  	lr =	sadd.s32 s0, s3;
	s0 =	sld [smem:$0x3FA2]  }
0x30: {  	s3 =	sld [smem:$0x3FA5]  }
0x31: {  	[smem:$0x3FAE] =	sst s10  }
0x32: {  	s10 =	sld [smem:$0x3FAC];
	_ =	sdelay $0x3  }
0x33: {  	p0 =	seq.s32 s10, $0x1;
	s10 =	sld [smem:$0x3FAE];
	_ =	sdelay $0x3  }
0x34: {  	[smem:$0x3FAE] =	sst s10  }
0x35: {  	s10 =	sld [smem:$0x3FAD];
	_ =	sdelay $0x3  }
0x36: {  	p1 =	seq.s32 s10, $0x1;
	s10 =	sld [smem:$0x3FAE];
	_ =	sdelay $0x3  }
0x37: {  	[smem:$0x3FAE] =	sst s10  }
0x38: {  	s10 =	sld [smem:$0x3FAF]  }
0x39: {  	_ = 	snop;
	(pc) =	sbr.ind lr, $3  }
0x3a: {  	_ = 	snop  }
0x3b: {  	_ = 	snop  }
0x3c: {  	p2 =	seq.s32 s10, $0x1;
	s10 =	sld [smem:$0x3FAE]  }
0x3d: {  	_ =	shalt  }
0x3e: {  	_ =	shalt  }
0x3f: {  	_ =	shalt  }
0x40: {  	_ =	shalt  }
0x41: {  	_ =	shalt  }
0x42: {  	_ =	shalt  }
0x43: {  	_ =	shalt  }
0x44: {  	_ =	shalt  }
0x45: {  	_ =	shalt  }
0x46: {  	_ =	shalt  }
0x47: {  	_ =	shalt  }
0x48: {  	_ =	shalt  }
0x49: {  	_ =	shalt  }
0x4a: {  	_ =	shalt  }
0x4b: {  	_ =	shalt  }
0x4c: {  	_ =	shalt  }
0x4d: {  	_ =	shalt  }
0x4e: {  	_ =	shalt  }
0x4f: {  	_ =	shalt  }
0x50: {  	_ =	shalt  }
0x51: {  	_ =	shalt  }
0x52: {  	_ =	shalt  }
0x53: {  	_ =	shalt  }
0x54: {  	_ =	shalt  }
0x55: {  	_ =	shalt  }
0x56: {  	_ =	shalt  }
0x57: {  	_ =	shalt  }
0x58: {  	_ =	shalt  }
0x59: {  	_ =	shalt  }
0x5a: {  	_ =	shalt  }
0x5b: {  	_ =	shalt  }
0x5c: {  	_ =	shalt  }
0x5d: {  	_ =	shalt  }
0x5e: {  	_ =	shalt  }
0x5f: {  	_ =	shalt  }
0x60: {  	_ =	shalt  }
0x61: {  	_ =	shalt  }
0x62: {  	_ =	shalt  }
0x63: {  	_ =	shalt  }
0x64: {  	_ =	shalt  }
0x65: {  	_ =	shalt  }
0x66: {  	_ =	shalt  }
0x67: {  	_ =	shalt  }
0x68: {  	_ =	shalt  }
0x69: {  	_ =	shalt  }
0x6a: {  	_ =	shalt  }
0x6b: {  	_ =	shalt  }
0x6c: {  	_ =	shalt  }
0x6d: {  	_ =	shalt  }
0x6e: {  	_ =	shalt  }
0x6f: {  	_ =	shalt  }
0x70: {  	_ =	shalt  }
0x71: {  	_ =	shalt  }
0x72: {  	_ =	shalt  }
0x73: {  	_ =	shalt  }
0x74: {  	_ =	shalt  }
0x75: {  	_ =	shalt  }
0x76: {  	_ =	shalt  }
0x77: {  	_ =	shalt  }
0x78: {  	_ =	shalt  }
0x79: {  	_ =	shalt  }
0x7a: {  	_ =	shalt  }
0x7b: {  	_ =	shalt  }
0x7c: {  	_ =	shalt  }
0x7d: {  	_ =	shalt  }
0x7e: {  	_ =	shalt  }
0x7f: {  	_ =	shalt  }
0x80: {  	_ =	shalt  }
0x81: {  	_ =	shalt  }
0x82: {  	_ =	shalt  }
0x83: {  	_ =	shalt  }
0x84: {  	_ =	shalt  }
0x85: {  	_ =	shalt  }
0x86: {  	_ =	shalt  }
0x87: {  	_ =	shalt  }
.Lfunc_end0:
.L_simem_size_0:
called_computation.2_lowered:
.L_overlay_start_0:
0x88: {  	s2 =	sld [smem:$0x3FD9]  }
0x89: {  	s3 =	sld [smem:$0x3FFE];
	_ =	sdelay $0x1  }
0x8a: {  	s1 =	srdreg.scid  }
0x8b: {  	s0 =	sand.u32 $0x1, s1  }
0x8c: {  	s16 =	sshll.u32 s0, $0xA;
	s2 =	sadd.s32 s3, s2  }
0x8d: {  	s2 =	sadd.s32 s2, s16  }
0x8e: {  	[smem:$0x3FBA] =	sst s2  }
0x8f: {  	_ = 	snop  }
0x90: {  	(tm) =	ssettm $0x1  }
0x91: {  	s17 =	sld [smem:$0x3FFB];
	_ =	sdelay $0x3  }
0x92: {  	_ =	strace s17  }
0x93: {  	s2 =	sld [smem:$0x3FFC];
	_ =	sdelay $0x3  }
0x94: {  	_ =	strace s2  }
0x95: {  	s2 =	sld [smem:$0x3FFD];
	_ =	sdelay $0x3  }
0x96: {  	_ =	strace s2  }
0x97: {  	_ =	strace $0x8FFFFFFF  }
0x98: {  	s18 =	sld [smem:$0x3FDB];
	_ =	sdelay $0x1  }
0x99: {  	s19 =	simm.s32 $_scs_section_size  }
0x9a: {  	s4 =	simm.s32 $_size__tile_overlayer_lowered;
	s5 =	simm.s32 $_tile_overlayer_lowered  }
0x9b: {  	s22 =	simm.s32 $0x1BFF;
	s21 =	sshll.u32 s5, $0x1;
	s2 =	sadd.s32 s19, s18  }
0x9c: {  	s6 =	simm.s32 $0x0;
	s20 =	sshll.u32 s4, $0x1;
	s4 =	sadd.s32 s21, s2  }
0x9d: {  	[timem:s6], [sflag:s22] =	dma.local [hbm:s4], s20  }
0x9e: {  	_ =	swait.ge [sflag:s22], s20  }
0x9f: {  	s3 =	ssub.s32 $0x0, s20;
	[sflag:s22] =	ssyncset.done $0x0  }
0xa0: {  	[sflag:s22] =	ssyncadd.s32 s3;
	_ =	sdelay $0x1  }
0xa1: {  	s23 =	simm.s32 $0x1B8B  }
0xa2: {  	_ =	swait.ge [sflag:s23], $0x1  }
0xa3: {  	[sflag:s23] =	ssyncset.done $0x0  }
0xa4: {  	s25 =	simm.s32 $0x1B8E;
	s24 =	sld [smem:$0x3FFE];
	[sflag:s23] =	ssyncadd.s32 $0xFFFFFFFF  }
0xa5: {  	s26 =	simm.s32 $execute0_lowered;
	[smem:$0x3FD2] =	sst s25  }
0xa6: {  	s4 =	sshll.u32 s26, $0x1;
	_ =	strace $0x8000004C;
	[dreg:$0x1] =	wrdreg $0xFFFFFFFF  }
0xa7: {  	s28 =	simm.s32 $_size_execute0_lowered;
	s2 =	sadd.s32 s2, s4;
	[dreg:$0x0] =	wrdreg $0x0  }
0xa8: {  	s4 =	sshll.u32 s28, $0x1;
	[dreg:$0x2] =	wrdreg s2  }
0xa9: {  	[dreg:$0x3] =	wrdreg s4  }
0xaa: {  	[dreg:$0x4] =	wrdreg $0xC0  }
0xab: {  	_ =	task [dreg:s6], $0x5FFFF  }
0xac: {  	[dreg:$0x1] =	wrdreg $0xFFFFFFFF  }
0xad: {  	[dreg:$0x0] =	wrdreg $0x60  }
0xae: {  	[dreg:$0x2] =	wrdreg s24  }
0xaf: {  	[dreg:$0x3] =	wrdreg $0x0  }
0xb0: {  	[dreg:$0x4] =	wrdreg $0x9  }
0xb1: {  	_ =	task.clear_ibuf [dreg:s6], $0x5FFFF;
	_ =	strace $0x9000004C  }
0xb2: {  	s29 =	simm.s32 $0x9;
	_ =	strace $0x8000004E  }
0xb3: {  	_ =	swait.ge [sflag:s29], $0x1  }
0xb4: {  	[sflag:s29] =	ssyncadd.s32 $0xFFFFFFFF  }
0xb5: {  	_ =	strace $0x9000004E  }
0xb6: {  	_ =	sfence  }
0xb7: {  	s30 =	sld [smem:$0x0];
	_ =	sdelay $0x2  }
0xb8: {  	s31 =	sshll.u32 s1, $0xD;
	s1 =	sshrl.u32 s1, $0x2  }
0xb9: {  	s3 =	sand.u32 $0x4000, s31;
	s1 =	sadd.s32 s1, s30  }
0xba: {  	s0 =	sor.u32 s3, s0;
	s1 =	sshll.u32 s1, $0x11  }
0xbb: {  	s0 =	sor.u32 s1, s0  }
0xbc: {  	s0 =	sadd.s32 $0x8F2B, s0  }
0xbd: {  	[sflag:s0] =	ssyncadd.remote.s32 $0x1  }
0xbe: {  	_ =	sfence.sel $0xFFFF  }
0xbf: {  	[dreg:$0x0] =	wrdreg $0xFFFFFFFF;
	(pc) =	sbr.abs _section_cstart, $3  }
0xc0: {  	[dreg:$0x1] =	wrdreg $0xFFFFFFFF  }
0xc1: {  	_ =	task.clear_ibuf [dreg:s6], $0x2FFFF;
	_ =	strace $0x9FFFFFFF  }
0xc2: {  	(tm) =	ssettm $0x7FFFFFFF  }
0xc3: {  	_ =	shalt  }
tec
execute0_lowered:
.L_overlay_start_1:
0x0: {  	(tag) =	ssettag $0x1  }
0x1: {  	s0 =	rddreg [dreg:$0x0]  }
0x2: {  	s1 =	rddreg [dreg:$0x1]  }
0x3: {  	s2 =	srdreg.scid;
	s4 =	simm.s32 $0x0;
	s3 =	stileid.u32  }
0x4: {  	s16 =	simm.s32 $0x5;
	s17 =	simm.s32 $0x14000;
	s19 =	simm.s32 $0x50  }
0x5: {  	s20 =	simm.s32 $0x19200;
	s21 =	simm.s32 $0x1;
	s22 =	simm.s32 $0x3  }
0x6: {  	s28 =	simm.s32 $0x14180;
	s29 =	simm.s32 $0x1BA00;
	s30 =	simm.s32 $0x0  }
0x7: {  	s2 =	sand.u32 $0x1, s2;
	[smem:$0x7FF] =	sst s4;
	s7 =	smul.u32 $0x14000, s3  }
0x8: {  	s4 =	sadd.s32 $0x4CC00, s0;
	s5 =	sadd.s32 $0x9E7200, s0;
	s23 =	sadd.s32 $0x4A400, s0  }
0x9: {  	s10 =	sshll.u32 s3, $0x1;
	s11 =	smul.u32 $0x50000, s3;
	s31 =	sshll.u32 s3, $0x6  }
0xa: {  	s6 =	smul.u32 $0x140000, s2;
	_ =	strace $0x8000004D;
	s9 =	ssub.s32 $0x2, s2  }
0xb: {  	[dreg:$0x3] =	wrdreg s23;
	s23 =	simm.s32 $0x14080;
	s12 =	sshrl.u32 s9, $0x1  }
0xc: {  	s25 =	sshrl.u32 s11, $0x2;
	s8 =	sadd.s32 s7, s6;
	s6 =	sadd.s32 $0x3E00, s0  }
0xd: {  	s24 =	ssub.s32 s9, s12;
	s15 =	sadd.s32 s25, s1;
	s9 =	sor.u32 $0x1C05, s31  }
.Ltmp0:
0xe: {  	s25 =	simm.s32 $0x2;
	s8 =	sshrl.u32 s8, $0x3;
	(pc) =	sbr.rel .LBB2_1-.Ltmp0, $4  }
0xf: {  	s14 =	smax.u32 s24, $0x1;
	s0 =	sadd.s32 s8, s0;
	s8 =	sor.u32 s2, s10  }
0x10: {  	s15 =	sshrl.u32 s15, $0x3;
	s24 =	simm.s32 $0x6;
	s26 =	smul.u32 $0x500, s8  }
0x11: {  	s10 =	sshll.u32 s8, $0x5;
	s12 =	sor.u32 $0x40, s8;
	s13 =	sadd.s32 $0x74C00, s0  }
0x12: {  	s10 =	sadd.s32 s6, s10;
	s11 =	sadd.s32 s5, s26;
	s26 =	simm.s32 $0x4  }
.LBB2_9:
0x13: {  	s30 =	sadd.s32 $0x1, s30  }
0x14: {  	p0 =	sne.s32 s30, s14  }
.Ltmp1:
0x15: {  	[bflag:$0x0] =	sbarrier.arrive $0xFFFF;
	(pc) =	sbr.rel @!p0 .LBB2_10-.Ltmp1, $4  }
0x16: {  	[hbm:s13], [sflag:s9] =	dma.local [spmem:s15], $0x2800  }
0x17: {  	_ =	swait.ge [sflag:s16], $0x2800  }
0x18: {  	[sflag:s16] =	ssyncset.done $0x0  }
0x19: {  	[sflag:s16] =	ssyncadd.s32 $0xFFFFD800  }
.LBB2_1:
0x1a: {  	s0 =	rddreg [dreg:$0x3]  }
0x1b: {  	[spmem:s15], [sflag:s9] =	dma.local [hbm:s0], $0x2800  }
0x1c: {  	_ =	swait.ge [sflag:s16], $0x2800  }
0x1d: {  	[sflag:s16] =	ssyncset.done $0x0  }
0x1e: {  	[sflag:s16] =	ssyncadd.s32 $0xFFFFD800  }
0x1f: {  	s18 =	simm.s32 $0x0;
	[bflag:$0x0] =	sbarrier.arrive $0xFFFF  }
0x20: {  	[tilespmem:s17], [sflag:$0x5] =	stream.linear.gather [hbm4b:s10+s18], $0x100, $0x38;
	[tilespmem:$0x1E200] =	vst v63  }
0x21: {  	_ =	swait.ge [sflag:s16], $0x100  }
.Ltmp2:
0x22: {  	[sflag:s16] =	ssyncset.done $0x0;
	(pc) =	sbr.rel .LBB2_2-.Ltmp2, $4  }
0x23: {  	s2 =	simm.s32 $0x14200;
	[sflag:s16] =	ssyncadd.s32 $0xFFFFFF00  }
0x24: {  	[tilespmem:s2], [sflag:$0x1] =	stream.linear.gather [hbm4b:s11+s18], $0x2800, $0x38;
	[tilespmem:$0x1E200] =	vst v63  }
0x25: {  	s31 =	simm.s32 $0x0  }
0x26: {  	[tilespmem:s20], [sflag:$0x3] =	stream.indirect.gather [hbm4b:s4+s19], $0x80, s17, s19, $0xb8;
	[tilespmem:$0x1E200] =	vst v63  }
.LBB2_8:
0x27: {  	s31 =	sadd.s32 $0x1, s31  }
0x28: {  	p0 =	sne.s32 s31, $0x3F  }
.Ltmp3:
0x29: {  	_ = 	snop;
	(pc) =	sbr.rel @!p0 .LBB2_9-.Ltmp3, $1  }
0x2a: {  	_ =	sdelay $0x3  }
.LBB2_2:
0x2b: {  	s0 =	sshll.u32 s31, $0x6  }
0x2c: {  	s2 =	sor.u32 $0x20, s0  }
0x2d: {  	p0 =	sgt.u32 s2, $0xF9F  }
0x2e: {  	s2 =	sor.u32 @!p0 s8, s2  }
0x2f: {  	s18 =	sshll.u32 @!p0 s2, $0x5  }
0x30: {  	s3 =	simm.s32 @!p0 $0x0;
	s7 =	simm.s32 @!p0 $0x14100;
	s18 =	sadd.s32 @!p0 s6, s18  }
0x31: {  	[tilespmem:s7], [sflag:$0x6] =	stream.linear.gather @!p0 [hbm4b:s18+s3], $0x100, $0x38;
	[tilespmem:$0x1E200] =	vst v63  }
0x32: {  	s18 =	simm.s32 @!p0 $0x6  }
0x33: {  	s2 =	smul.u32 @!p0 $0x500, s2;
	_ =	swait.ge @!p0 [sflag:s18], $0x100  }
0x34: {  	[sflag:s18] =	ssyncset.done @!p0 $0x0  }
0x35: {  	s2 =	sadd.s32 @!p0 s5, s2;
	[sflag:s18] =	ssyncadd.s32 @!p0 $0xFFFFFF00;
	s18 =	simm.s32 @!p0 $0x16A00  }
0x36: {  	[tilespmem:s18], [sflag:$0x2] =	stream.linear.gather @!p0 [hbm4b:s2+s3], $0x2800, $0x38;
	[tilespmem:$0x1E200] =	vst v63  }
0x37: {  	s2 =	simm.s32 @!p0 $0x50;
	s3 =	simm.s32 @!p0 $0x1BA00  }
0x38: {  	[tilespmem:s3], [sflag:$0x4] =	stream.indirect.gather @!p0 [hbm4b:s4+s2], $0x80, s7, s2, $0xb8;
	[tilespmem:$0x1E200] =	vst v63  }
0x39: {  	_ =	swait.ge [sflag:s21], $0x2800  }
0x3a: {  	[sflag:s21] =	ssyncset.done $0x0  }
0x3b: {  	[sflag:s21] =	ssyncadd.s32 $0xFFFFD800  }
0x3c: {  	_ =	swait.ge [sflag:s22], $0x2800  }
0x3d: {  	[sflag:s22] =	ssyncset.done $0x0  }
0x3e: {  	s2 =	simm.s32 $0x0;
	[sflag:s22] =	ssyncadd.s32 $0xFFFFD800  }
0x3f: {  	v6 =	vld [tilespmem:s2+$0x14200]  }
0x40: {  	v11 =	vld [tilespmem:s2+$0x14210]  }
0x41: {  	v5 =	vld [tilespmem:s2+$0x14220]  }
0x42: {  	v4 =	vld [tilespmem:s2+$0x14230]  }
0x43: {  	v3 =	vld [tilespmem:s2+$0x14240]  }
0x44: {  	v2 =	vld [tilespmem:s2+$0x14250]  }
0x45: {  	v1 =	vld [tilespmem:s2+$0x14260]  }
0x46: {  	v0 =	vld [tilespmem:s2+$0x14270]  }
0x47: {  	v12 =	vld [tilespmem:s2+$0x19200]  }
0x48: {  	v13 =	vld [tilespmem:s2+$0x19210]  }
0x49: {  	v10 =	vld [tilespmem:s2+$0x19220]  }
0x4a: {  	v9 =	vld [tilespmem:s2+$0x19230]  }
0x4b: {  	v8 =	vld [tilespmem:s2+$0x19240]  }
0x4c: {  	v7 =	vld [tilespmem:s2+$0x19250];
	v12 =	vadd.f32 v6, v12  }
0x4d: {  	s18 =	simm.s32 $0x200;
	v11 =	vadd.f32 v11, v13;
	v6 =	vld [tilespmem:s2+$0x19260]  }
.LBB2_3:
0x4e: {  	s3 =	sshra.s32 s18, $0x2;
	p1 =	sne.s32 s18, $0x9E00;
	v12 =	vmax.f32 v12, $0.0e+00;
	v5 =	vadd.f32 v5, v10;
	v10 =	vld [tilespmem:s2+$0x19270]  }
0x4f: {  	v13 =	vld [tilespmem:s3+$0x14200];
	[tilespmem:s2+$0x19200] =	vst v12;
	v11 =	vmax.f32 v11, $0.0e+00;
	v4 =	vadd.f32 v4, v9  }
0x50: {  	v14 =	vld [tilespmem:s3+$0x14210];
	[tilespmem:s2+$0x19210] =	vst v11;
	v9 =	vmax.f32 v5, $0.0e+00;
	v3 =	vadd.f32 v3, v8  }
0x51: {  	v5 =	vld [tilespmem:s3+$0x14220];
	[tilespmem:s2+$0x19220] =	vst v9;
	v8 =	vmax.f32 v4, $0.0e+00;
	v2 =	vadd.f32 v2, v7  }
0x52: {  	v4 =	vld [tilespmem:s3+$0x14230];
	[tilespmem:s2+$0x19230] =	vst v8;
	v7 =	vmax.f32 v3, $0.0e+00;
	v1 =	vadd.f32 v1, v6  }
0x53: {  	v3 =	vld [tilespmem:s3+$0x14240];
	[tilespmem:s2+$0x19240] =	vst v7;
	v6 =	vmax.f32 v2, $0.0e+00;
	v0 =	vadd.f32 v0, v10  }
0x54: {  	v2 =	vld [tilespmem:s3+$0x14250];
	[tilespmem:s2+$0x19250] =	vst v6;
	v6 =	vmax.f32 v1, $0.0e+00  }
0x55: {  	v1 =	vld [tilespmem:s3+$0x14260];
	[tilespmem:s2+$0x19260] =	vst v6;
	v6 =	vmax.f32 v0, $0.0e+00  }
0x56: {  	v0 =	vld [tilespmem:s3+$0x14270];
	[tilespmem:s2+$0x19270] =	vst v6;
	s2 =	smov.u32 s3  }
0x57: {  	v6 =	vld [tilespmem:s2+$0x19200]  }
0x58: {  	v11 =	vld [tilespmem:s2+$0x19210]  }
.Ltmp4:
0x59: {  	v10 =	vld [tilespmem:s2+$0x19220];
	(pc) =	sbr.rel @p1 .LBB2_3-.Ltmp4, $4  }
0x5a: {  	v9 =	vld [tilespmem:s2+$0x19230]  }
0x5b: {  	v8 =	vld [tilespmem:s2+$0x19240]  }
0x5c: {  	v12 =	vadd.f32 v13, v6;
	v7 =	vld [tilespmem:s2+$0x19250]  }
0x5d: {  	s18 =	sadd.s32 $0x200, s18;
	v11 =	vadd.f32 v14, v11;
	v6 =	vld [tilespmem:s2+$0x19260]  }
0x5e: {  	v12 =	vmax.f32 v12, $0.0e+00;
	v5 =	vadd.f32 v5, v10;
	v63 =	vld [tilespmem:s2+$0x19270]  }
0x5f: {  	[tilespmem:s2+$0x19200] =	vst v12;
	v11 =	vmax.f32 v11, $0.0e+00;
	v4 =	vadd.f32 v4, v9  }
0x60: {  	[tilespmem:s2+$0x19210] =	vst v11;
	v5 =	vmax.f32 v5, $0.0e+00;
	v3 =	vadd.f32 v3, v8  }
0x61: {  	[tilespmem:s2+$0x19220] =	vst v5;
	v4 =	vmax.f32 v4, $0.0e+00;
	v2 =	vadd.f32 v2, v7  }
0x62: {  	[tilespmem:s2+$0x19230] =	vst v4;
	v3 =	vmax.f32 v3, $0.0e+00;
	v1 =	vadd.f32 v1, v6  }
0x63: {  	[tilespmem:s2+$0x19240] =	vst v3;
	v2 =	vmax.f32 v2, $0.0e+00;
	v0 =	vadd.f32 v0, v63  }
0x64: {  	[tilespmem:s2+$0x19250] =	vst v2;
	v1 =	vmax.f32 v1, $0.0e+00  }
0x65: {  	[tilespmem:s2+$0x19260] =	vst v1;
	v0 =	vmax.f32 v0, $0.0e+00  }
0x66: {  	p1 =	seq.s32 s31, $0x3E;
	[tilespmem:s2+$0x19270] =	vst v0  }
0x67: {  	[spmem:s1] =	stream.indirect.scatter.add.f32 [tilespmem:s20], [sflag:$0x6], $0x80, s23, s19, $0xb8;
	[tilespmem:$0x1E200] =	vst v63  }
0x68: {  	s0 =	sadd.s32 @!p1 s12, s0;
	_ =	swait.ge [sflag:s24], $0x2800  }
0x69: {  	s3 =	simm.s32 @!p1 $0x0;
	s2 =	sshll.u32 @!p1 s0, $0x5;
	[sflag:s24] =	ssyncset.done $0x0  }
0x6a: {  	s7 =	simm.s32 @!p1 $0x14000;
	s2 =	sadd.s32 @!p1 s6, s2;
	[sflag:s24] =	ssyncadd.s32 $0xFFFFD800  }
0x6b: {  	[tilespmem:s7], [sflag:$0x6] =	stream.linear.gather @!p1 [hbm4b:s2+s3], $0x100, $0x38;
	[tilespmem:$0x1E200] =	vst v63  }
0x6c: {  	s2 =	simm.s32 @!p1 $0x6  }
0x6d: {  	s0 =	smul.u32 @!p1 $0x500, s0;
	_ =	swait.ge @!p1 [sflag:s2], $0x100  }
.Ltmp5:
0x6e: {  	[sflag:s2] =	ssyncset.done @!p1 $0x0;
	(pc) =	sbr.rel @p0 .LBB2_8-.Ltmp5, $4  }
0x6f: {  	s0 =	sadd.s32 @!p1 s5, s0;
	[sflag:s2] =	ssyncadd.s32 @!p1 $0xFFFFFF00;
	s2 =	simm.s32 @!p1 $0x14200  }
0x70: {  	[tilespmem:s2], [sflag:$0x1] =	stream.linear.gather @!p1 [hbm4b:s0+s3], $0x2800, $0x38;
	[tilespmem:$0x1E200] =	vst v63  }
0x71: {  	s0 =	simm.s32 @!p1 $0x50;
	s2 =	simm.s32 @!p1 $0x19200  }
0x72: {  	[tilespmem:s2], [sflag:$0x3] =	stream.indirect.gather @!p1 [hbm4b:s4+s0], $0x80, s7, s0, $0xb8;
	[tilespmem:$0x1E200] =	vst v63  }
0x73: {  	_ =	swait.ge [sflag:s25], $0x2800  }
0x74: {  	[sflag:s25] =	ssyncset.done $0x0  }
0x75: {  	[sflag:s25] =	ssyncadd.s32 $0xFFFFD800  }
0x76: {  	_ =	swait.ge [sflag:s26], $0x2800  }
0x77: {  	[sflag:s26] =	ssyncset.done $0x0  }
0x78: {  	s0 =	simm.s32 $0x0;
	[sflag:s26] =	ssyncadd.s32 $0xFFFFD800  }
0x79: {  	v6 =	vld [tilespmem:s0+$0x16A00]  }
0x7a: {  	v11 =	vld [tilespmem:s0+$0x16A10]  }
0x7b: {  	v5 =	vld [tilespmem:s0+$0x16A20]  }
0x7c: {  	v4 =	vld [tilespmem:s0+$0x16A30]  }
0x7d: {  	v3 =	vld [tilespmem:s0+$0x16A40]  }
0x7e: {  	v2 =	vld [tilespmem:s0+$0x16A50]  }
0x7f: {  	v1 =	vld [tilespmem:s0+$0x16A60]  }
0x80: {  	v0 =	vld [tilespmem:s0+$0x16A70]  }
0x81: {  	v12 =	vld [tilespmem:s0+$0x1BA00]  }
0x82: {  	v13 =	vld [tilespmem:s0+$0x1BA10]  }
0x83: {  	v10 =	vld [tilespmem:s0+$0x1BA20]  }
0x84: {  	v9 =	vld [tilespmem:s0+$0x1BA30]  }
0x85: {  	v8 =	vld [tilespmem:s0+$0x1BA40]  }
0x86: {  	v7 =	vld [tilespmem:s0+$0x1BA50];
	v12 =	vadd.f32 v6, v12  }
0x87: {  	s2 =	simm.s32 $0x200;
	v11 =	vadd.f32 v11, v13;
	v6 =	vld [tilespmem:s0+$0x1BA60]  }
.LBB2_6:
0x88: {  	s3 =	sshra.s32 s2, $0x2;
	p0 =	sne.s32 s2, $0x9E00;
	v12 =	vmax.f32 v12, $0.0e+00;
	v5 =	vadd.f32 v5, v10;
	v10 =	vld [tilespmem:s0+$0x1BA70]  }
0x89: {  	v13 =	vld [tilespmem:s3+$0x16A00];
	[tilespmem:s0+$0x1BA00] =	vst v12;
	v11 =	vmax.f32 v11, $0.0e+00;
	v4 =	vadd.f32 v4, v9  }
0x8a: {  	v14 =	vld [tilespmem:s3+$0x16A10];
	[tilespmem:s0+$0x1BA10] =	vst v11;
	v9 =	vmax.f32 v5, $0.0e+00;
	v3 =	vadd.f32 v3, v8  }
0x8b: {  	v5 =	vld [tilespmem:s3+$0x16A20];
	[tilespmem:s0+$0x1BA20] =	vst v9;
	v8 =	vmax.f32 v4, $0.0e+00;
	v2 =	vadd.f32 v2, v7  }
0x8c: {  	v4 =	vld [tilespmem:s3+$0x16A30];
	[tilespmem:s0+$0x1BA30] =	vst v8;
	v7 =	vmax.f32 v3, $0.0e+00;
	v1 =	vadd.f32 v1, v6  }
0x8d: {  	v3 =	vld [tilespmem:s3+$0x16A40];
	[tilespmem:s0+$0x1BA40] =	vst v7;
	v6 =	vmax.f32 v2, $0.0e+00;
	v0 =	vadd.f32 v0, v10  }
0x8e: {  	v2 =	vld [tilespmem:s3+$0x16A50];
	[tilespmem:s0+$0x1BA50] =	vst v6;
	v6 =	vmax.f32 v1, $0.0e+00  }
0x8f: {  	v1 =	vld [tilespmem:s3+$0x16A60];
	[tilespmem:s0+$0x1BA60] =	vst v6;
	v6 =	vmax.f32 v0, $0.0e+00  }
0x90: {  	v0 =	vld [tilespmem:s3+$0x16A70];
	[tilespmem:s0+$0x1BA70] =	vst v6;
	s0 =	smov.u32 s3  }
0x91: {  	v6 =	vld [tilespmem:s0+$0x1BA00]  }
0x92: {  	v11 =	vld [tilespmem:s0+$0x1BA10]  }
.Ltmp6:
0x93: {  	v10 =	vld [tilespmem:s0+$0x1BA20];
	(pc) =	sbr.rel @p0 .LBB2_6-.Ltmp6, $4  }
0x94: {  	v9 =	vld [tilespmem:s0+$0x1BA30]  }
0x95: {  	v8 =	vld [tilespmem:s0+$0x1BA40]  }
0x96: {  	v12 =	vadd.f32 v13, v6;
	v7 =	vld [tilespmem:s0+$0x1BA50]  }
0x97: {  	s2 =	sadd.s32 $0x200, s2;
	v11 =	vadd.f32 v14, v11;
	v6 =	vld [tilespmem:s0+$0x1BA60]  }
0x98: {  	v12 =	vmax.f32 v12, $0.0e+00;
	v5 =	vadd.f32 v5, v10;
	v63 =	vld [tilespmem:s0+$0x1BA70]  }
0x99: {  	[tilespmem:s0+$0x1BA00] =	vst v12;
	v11 =	vmax.f32 v11, $0.0e+00;
	v4 =	vadd.f32 v4, v9  }
0x9a: {  	[tilespmem:s0+$0x1BA10] =	vst v11;
	v5 =	vmax.f32 v5, $0.0e+00;
	v3 =	vadd.f32 v3, v8  }
0x9b: {  	[tilespmem:s0+$0x1BA20] =	vst v5;
	v4 =	vmax.f32 v4, $0.0e+00;
	v2 =	vadd.f32 v2, v7  }
0x9c: {  	[tilespmem:s0+$0x1BA30] =	vst v4;
	v3 =	vmax.f32 v3, $0.0e+00;
	v1 =	vadd.f32 v1, v6  }
0x9d: {  	[tilespmem:s0+$0x1BA40] =	vst v3;
	v2 =	vmax.f32 v2, $0.0e+00;
	v0 =	vadd.f32 v0, v63  }
0x9e: {  	[tilespmem:s0+$0x1BA50] =	vst v2;
	v1 =	vmax.f32 v1, $0.0e+00  }
0x9f: {  	[tilespmem:s0+$0x1BA60] =	vst v1;
	v0 =	vmax.f32 v0, $0.0e+00  }
.Ltmp7:
0xa0: {  	[tilespmem:s0+$0x1BA70] =	vst v0;
	(pc) =	sbr.rel .LBB2_8-.Ltmp7, $4  }
0xa1: {  	[spmem:s1] =	stream.indirect.scatter.add.f32 [tilespmem:s29], [sflag:$0x5], $0x80, s28, s19, $0xb8;
	[tilespmem:$0x1E200] =	vst v63  }
0xa2: {  	_ =	swait.ge [sflag:s16], $0x2800  }
0xa3: {  	[sflag:s16] =	ssyncset.done $0x0  }
0xa4: {  	[sflag:s16] =	ssyncadd.s32 $0xFFFFD800  }
.LBB2_10:
0xa5: {  	_ =	sfence.sel $0x180000  }
0xa6: {  	[bflag:$0x0] =	sbarrier.arrive $0xFFFF  }
0xa7: {  	_ =	strace $0x9000004D  }
0xa8: {  	s0 =	stileid.u32;
	[bflag:$0x2] =	sbarrier.arrive $0xFFFF  }
0xa9: {  	p0 =	sne.s32 s0, $0x0;
	s0 =	rddreg [dreg:$0x2]  }
0xaa: {  	s0 =	sadd.s32 @!p0 $0x100000, s0  }
0xab: {  	[sflag:s0] =	ssyncadd.tile.s32 @!p0 $0x1;
	_ =	shalt  }
.Lfunc_end2:
_tile_overlayer_lowered:
.L_overlay_start_2:
0xac: {  	(tag) =	ssettag $0x2  }
0xad: {  	s0 =	rddreg [dreg:$0x0];
	s2 =	stileid.u32  }
0xae: {  	s1 =	rddreg [dreg:$0x1];
	p0 =	sne.s32 s2, $0x0  }
0xaf: {  	s3 =	rddreg [dreg:$0x2];
	[bflag:$0x3] =	sbarrier.arrive $0xFFFF;
	s2 =	simm.s32 @!p0 $0x1C05  }
0xb0: {  	[timem:s3], [sflag:s2] =	dma.local @!p0 [hbm:s0], s1  }
0xb1: {  	s0 =	simm.s32 @!p0 $0x5  }
0xb2: {  	_ =	swait.ge @!p0 [sflag:s0], s1  }
0xb3: {  	s1 =	ssub.s32 @!p0 $0x0, s1;
	[sflag:s0] =	ssyncset.done @!p0 $0x0  }
0xb4: {  	[sflag:s0] =	ssyncadd.s32 @!p0 s1  }
0xb5: {  	[bflag:$0x3] =	sbarrier.arrive $0xFFFF  }
0xb6: {  	_ =	shalt  }

</sc_bundles>
